<compile_context>
chip_gen: v7x
topology: tpu7x:2x2x1
jax: 0.10.2.dev20260603
libtpu: 0.0.44.dev20260713+nightly
codegen_flags: <defaults>
</compile_context>

<pallas_src>
import functools

import jax
import jax.numpy as jnp
from jax import lax
from jax.experimental import pallas as pl
from jax.experimental.pallas import tpu as pltpu
from jax.experimental.pallas import tpu_sc as plsc

_NC = 2
_NS = 16
_SL = 4


@functools.lru_cache(maxsize=None)
def _build(B, D, K):
    assert D % _NC == 0
    assert B % _NS == 0
    dpc = D // _NC
    bpt = B // _NS

    mesh = plsc.VectorSubcoreMesh(
        core_axis_name="c", subcore_axis_name="s",
        num_cores=_NC, num_subcores=_NS,
    )

    @functools.partial(
        pl.kernel,
        out_type=(
            jax.ShapeDtypeStruct((D, B), jnp.float32),
            jax.ShapeDtypeStruct((D, B), jnp.float32),
        ),
        mesh=mesh,
        scratch_types=[
            [pltpu.VMEM_SHARED((K,), jnp.float32) for _ in range(_SL)],
            [pltpu.VMEM_SHARED((K,), jnp.float32) for _ in range(_SL)],
            [pltpu.VMEM((bpt,), jnp.int32) for _ in range(dpc)],
            [pltpu.VMEM((bpt,), jnp.float32) for _ in range(2)],
            [pltpu.VMEM((bpt,), jnp.float32) for _ in range(2)],
            pltpu.SemaphoreType.DMA,
            [pltpu.SemaphoreType.DMA for _ in range(_SL)],
            [pltpu.SemaphoreType.DMA for _ in range(_SL)],
            [pltpu.SemaphoreType.DMA for _ in range(2)],
            [pltpu.SemaphoreType.DMA for _ in range(2)],
            [pltpu.SemaphoreType.DMA for _ in range(2)],
            [pltpu.SemaphoreType.DMA for _ in range(2)],
        ],
    )
    def gather_kernel(labt_hbm, mean_hbm, lv_hbm, outm_hbm, outv_hbm,
                      sm_slots, sv_slots, lab_vs, gm_vs, gv_vs,
                      sem_lab, sems_sm, sems_sv, sems_gm, sems_gv,
                      sems_wm, sems_wv):
        c = lax.axis_index("c")
        s = lax.axis_index("s")
        d0 = c * dpc

        lab_cps = []
        for dd in range(dpc):
            lab_cps.append(pltpu.async_copy(
                labt_hbm.at[d0 + dd, pl.ds(s * bpt, bpt)],
                lab_vs[dd], sem_lab))

        def stage(dd):
            sl = dd % _SL

            @pl.when(s == (2 * dd) % _NS)
            def _():
                pltpu.async_copy(
                    mean_hbm.at[d0 + dd], sm_slots[sl], sems_sm[sl])

            @pl.when(s == (2 * dd + 1) % _NS)
            def _():
                pltpu.async_copy(
                    lv_hbm.at[d0 + dd], sv_slots[sl], sems_sv[sl])

        def stage_wait(dd):
            sl = dd % _SL

            @pl.when(s == (2 * dd) % _NS)
            def _():
                pltpu.make_async_copy(
                    mean_hbm.at[d0 + dd], sm_slots[sl], sems_sm[sl]).wait()

            @pl.when(s == (2 * dd + 1) % _NS)
            def _():
                pltpu.make_async_copy(
                    lv_hbm.at[d0 + dd], sv_slots[sl], sems_sv[sl]).wait()

        for dd in range(min(_SL - 1, dpc)):
            stage(dd)

        for cp in lab_cps:
            cp.wait()

        def writeback(dd):
            pr = dd % 2
            out_slice = pl.ds(s * bpt, bpt)
            wm = pltpu.async_copy(
                gm_vs[pr], outm_hbm.at[d0 + dd, out_slice], sems_wm[pr])
            wv = pltpu.async_copy(
                gv_vs[pr], outv_hbm.at[d0 + dd, out_slice], sems_wv[pr])
            return wm, wv

        wbs = {}
        prev = None
        for dd in range(dpc):
            sl = dd % _SL
            pr = dd % 2
            stage_wait(dd)
            if prev is not None:
                pm, pv = prev
                pm.wait()
                pv.wait()
            if dd >= 2:
                wm, wv = wbs.pop(dd - 2)
                wm.wait()
                wv.wait()
            plsc.subcore_barrier()
            if dd + _SL - 1 < dpc:
                stage(dd + _SL - 1)
            cp_m = pltpu.async_copy(
                sm_slots[sl].at[lab_vs[dd]], gm_vs[pr], sems_gm[pr])
            cp_v = pltpu.async_copy(
                sv_slots[sl].at[lab_vs[dd]], gv_vs[pr], sems_gv[pr])
            if dd >= 1:
                wbs[dd - 1] = writeback(dd - 1)
            prev = (cp_m, cp_v)

        pm, pv = prev
        pm.wait()
        pv.wait()
        wbs[dpc - 1] = writeback(dpc - 1)
        for dd in sorted(wbs):
            wm, wv = wbs[dd]
            wm.wait()
            wv.wait()

    return gather_kernel


def kernel(labels, mean, log_var):
    B, D = labels.shape
    K = mean.shape[1]
    gk = _build(B, D, K)
    labt = jnp.transpose(labels.astype(jnp.int32))
    outm_t, outv_t = gk(labt, mean, log_var)
    return jnp.transpose(outm_t), jnp.transpose(outv_t)

# --- scband reference (transcript-rebuilt; emitter-appended) ---
"""Pipeline reference for scband-concept-gaussians-19859928777166 (READ-ONLY COPY).

The authoritative reference and input builder live on the scoring server;
editing this copy changes nothing except your own understanding.
"""

import jax, jax.numpy as jnp
import numpy as np

NUM_DOMAINS = 26
MAX_CONCEPTS = 100000
BATCH = 16384

def setup_inputs(seed: int = 0) -> dict:
    key = jax.random.key(seed)
    k1, k2, k3 = jax.random.split(key, 3)
    labels = jax.random.randint(k1, (BATCH, NUM_DOMAINS), 0, MAX_CONCEPTS, dtype=jnp.int64 if jax.config.jax_enable_x64 else jnp.int32).astype(jnp.int32)
    # learned parameters per build(): shape (n_domains, max_concepts)
    mean = jax.random.uniform(k2, (NUM_DOMAINS, MAX_CONCEPTS), dtype=jnp.float32, minval=-1.0, maxval=1.0)
    log_var = jax.random.uniform(k3, (NUM_DOMAINS, MAX_CONCEPTS), dtype=jnp.float32, minval=0.0, maxval=0.7)
    return {"labels": labels, "mean": mean, "log_var": log_var}

def reference(labels, mean, log_var):
    # labels: [B, D] int; mean/log_var: [D, K]
    labels = labels.astype(jnp.int32)
    # tf: indices = reshape(transpose(labels), (D, B, 1)); gather_nd(mean, indices, batch_dims=1)
    # equivalent: for each domain d, gather mean[d, labels[b, d]] -> [D, B], then transpose -> [B, D]
    lt = jnp.transpose(labels)  # [D, B]
    means = jnp.transpose(jnp.take_along_axis(mean, lt, axis=1))      # [B, D]
    log_vars = jnp.transpose(jnp.take_along_axis(log_var, lt, axis=1))  # [B, D]
    return (means, log_vars)

if __name__ == "__main__":
    import jax
    _d = setup_inputs()
    print(jax.jit(kernel)(*tuple(_d.values())))

</pallas_src>

<mosaic_0001>
#map = affine_map<(d0, d1) -> (0, 0)>
module attributes {stable_mosaic.version = 14 : i64} {
  func.func @gather_kernel(%arg0: i32, %arg1: i32, %arg2: memref<26x16384xi32, #tpu.memory_space<hbm>>, %arg3: memref<26x100000xf32, #tpu.memory_space<hbm>>, %arg4: memref<26x100000xf32, #tpu.memory_space<hbm>>, %arg5: memref<26x16384xf32, #tpu.memory_space<hbm>>, %arg6: memref<26x16384xf32, #tpu.memory_space<hbm>>, %arg7: memref<100000xf32, #tpu.memory_space<vmem_shared>>, %arg8: memref<100000xf32, #tpu.memory_space<vmem_shared>>, %arg9: memref<100000xf32, #tpu.memory_space<vmem_shared>>, %arg10: memref<100000xf32, #tpu.memory_space<vmem_shared>>, %arg11: memref<100000xf32, #tpu.memory_space<vmem_shared>>, %arg12: memref<100000xf32, #tpu.memory_space<vmem_shared>>, %arg13: memref<100000xf32, #tpu.memory_space<vmem_shared>>, %arg14: memref<100000xf32, #tpu.memory_space<vmem_shared>>, %arg15: memref<1024xi32, #tpu.memory_space<vmem>>, %arg16: memref<1024xi32, #tpu.memory_space<vmem>>, %arg17: memref<1024xi32, #tpu.memory_space<vmem>>, %arg18: memref<1024xi32, #tpu.memory_space<vmem>>, %arg19: memref<1024xi32, #tpu.memory_space<vmem>>, %arg20: memref<1024xi32, #tpu.memory_space<vmem>>, %arg21: memref<1024xi32, #tpu.memory_space<vmem>>, %arg22: memref<1024xi32, #tpu.memory_space<vmem>>, %arg23: memref<1024xi32, #tpu.memory_space<vmem>>, %arg24: memref<1024xi32, #tpu.memory_space<vmem>>, %arg25: memref<1024xi32, #tpu.memory_space<vmem>>, %arg26: memref<1024xi32, #tpu.memory_space<vmem>>, %arg27: memref<1024xi32, #tpu.memory_space<vmem>>, %arg28: memref<1024xf32, #tpu.memory_space<vmem>>, %arg29: memref<1024xf32, #tpu.memory_space<vmem>>, %arg30: memref<1024xf32, #tpu.memory_space<vmem>>, %arg31: memref<1024xf32, #tpu.memory_space<vmem>>, %arg32: memref<!tpu.dma_semaphore, #tpu.memory_space<semaphore_mem>>, %arg33: memref<!tpu.dma_semaphore, #tpu.memory_space<semaphore_mem>>, %arg34: memref<!tpu.dma_semaphore, #tpu.memory_space<semaphore_mem>>, %arg35: memref<!tpu.dma_semaphore, #tpu.memory_space<semaphore_mem>>, %arg36: memref<!tpu.dma_semaphore, #tpu.memory_space<semaphore_mem>>, %arg37: memref<!tpu.dma_semaphore, #tpu.memory_space<semaphore_mem>>, %arg38: memref<!tpu.dma_semaphore, #tpu.memory_space<semaphore_mem>>, %arg39: memref<!tpu.dma_semaphore, #tpu.memory_space<semaphore_mem>>, %arg40: memref<!tpu.dma_semaphore, #tpu.memory_space<semaphore_mem>>, %arg41: memref<!tpu.dma_semaphore, #tpu.memory_space<semaphore_mem>>, %arg42: memref<!tpu.dma_semaphore, #tpu.memory_space<semaphore_mem>>, %arg43: memref<!tpu.dma_semaphore, #tpu.memory_space<semaphore_mem>>, %arg44: memref<!tpu.dma_semaphore, #tpu.memory_space<semaphore_mem>>, %arg45: memref<!tpu.dma_semaphore, #tpu.memory_space<semaphore_mem>>, %arg46: memref<!tpu.dma_semaphore, #tpu.memory_space<semaphore_mem>>, %arg47: memref<!tpu.dma_semaphore, #tpu.memory_space<semaphore_mem>>, %arg48: memref<!tpu.dma_semaphore, #tpu.memory_space<semaphore_mem>>) attributes {dimension_semantics = [#tpu.dimension_semantics<core_parallel>, #tpu.dimension_semantics<subcore_parallel>], iteration_bounds = array<i64: 2, 16>, scalar_prefetch = 0 : i64, scratch_operands = 42 : i64, tpu.core_type = #tpu.core_type<sc_vector_subcore>, window_params = [{transform_indices = #map}, {transform_indices = #map}, {transform_indices = #map}, {transform_indices = #map}, {transform_indices = #map}]} {
    %mul3A = arith.constant 13 : i32
    %mul3A_0 = arith.muli %arg0, %mul3A : i32
    %add3A = arith.constant 0 : i32
    %add3A_1 = arith.addi %mul3A_0, %add3A : i32
    %mul3A_2 = arith.constant 1024 : i32
    %mul3A_3 = arith.muli %arg1, %mul3A_2 : i32
    %dma_start3A = tpu.memref_slice %arg2[%add3A_1, %mul3A_3] : memref<26x16384xi32, #tpu.memory_space<hbm>> -> memref<1x1024xi32, #tpu.memory_space<hbm>>
    %dma_start3A_4 = tpu.memref_squeeze %dma_start3A : memref<1x1024xi32, #tpu.memory_space<hbm>> -> memref<1024xi32, #tpu.memory_space<hbm>>
    %dma_start3A_5 = tpu.memref_slice %arg2[%add3A_1, %mul3A_3] : memref<26x16384xi32, #tpu.memory_space<hbm>> -> memref<1x1024xi32, #tpu.memory_space<hbm>>
    %dma_start3A_6 = tpu.memref_squeeze %dma_start3A_5 : memref<1x1024xi32, #tpu.memory_space<hbm>> -> memref<1024xi32, #tpu.memory_space<hbm>>
    tpu.enqueue_dma source(%dma_start3A_6 : memref<1024xi32, #tpu.memory_space<hbm>>) target(%arg15 : memref<1024xi32, #tpu.memory_space<vmem>>) target_semaphore(%arg32 : memref<!tpu.dma_semaphore, #tpu.memory_space<semaphore_mem>>)
    %add3A_7 = arith.constant 1 : i32
    %add3A_8 = arith.addi %mul3A_0, %add3A_7 : i32
    %mul3A_9 = arith.constant 1024 : i32
    %mul3A_10 = arith.muli %arg1, %mul3A_9 : i32
    %dma_start3A_11 = tpu.memref_slice %arg2[%add3A_8, %mul3A_10] : memref<26x16384xi32, #tpu.memory_space<hbm>> -> memref<1x1024xi32, #tpu.memory_space<hbm>>
    %dma_start3A_12 = tpu.memref_squeeze %dma_start3A_11 : memref<1x1024xi32, #tpu.memory_space<hbm>> -> memref<1024xi32, #tpu.memory_space<hbm>>
    %dma_start3A_13 = tpu.memref_slice %arg2[%add3A_8, %mul3A_10] : memref<26x16384xi32, #tpu.memory_space<hbm>> -> memref<1x1024xi32, #tpu.memory_space<hbm>>
    %dma_start3A_14 = tpu.memref_squeeze %dma_start3A_13 : memref<1x1024xi32, #tpu.memory_space<hbm>> -> memref<1024xi32, #tpu.memory_space<hbm>>
    tpu.enqueue_dma source(%dma_start3A_14 : memref<1024xi32, #tpu.memory_space<hbm>>) target(%arg16 : memref<1024xi32, #tpu.memory_space<vmem>>) target_semaphore(%arg32 : memref<!tpu.dma_semaphore, #tpu.memory_space<semaphore_mem>>)
    %add3A_15 = arith.constant 2 : i32
    %add3A_16 = arith.addi %mul3A_0, %add3A_15 : i32
    %mul3A_17 = arith.constant 1024 : i32
    %mul3A_18 = arith.muli %arg1, %mul3A_17 : i32
    %dma_start3A_19 = tpu.memref_slice %arg2[%add3A_16, %mul3A_18] : memref<26x16384xi32, #tpu.memory_space<hbm>> -> memref<1x1024xi32, #tpu.memory_space<hbm>>
    %dma_start3A_20 = tpu.memref_squeeze %dma_start3A_19 : memref<1x1024xi32, #tpu.memory_space<hbm>> -> memref<1024xi32, #tpu.memory_space<hbm>>
    %dma_start3A_21 = tpu.memref_slice %arg2[%add3A_16, %mul3A_18] : memref<26x16384xi32, #tpu.memory_space<hbm>> -> memref<1x1024xi32, #tpu.memory_space<hbm>>
    %dma_start3A_22 = tpu.memref_squeeze %dma_start3A_21 : memref<1x1024xi32, #tpu.memory_space<hbm>> -> memref<1024xi32, #tpu.memory_space<hbm>>
    tpu.enqueue_dma source(%dma_start3A_22 : memref<1024xi32, #tpu.memory_space<hbm>>) target(%arg17 : memref<1024xi32, #tpu.memory_space<vmem>>) target_semaphore(%arg32 : memref<!tpu.dma_semaphore, #tpu.memory_space<semaphore_mem>>)
    %add3A_23 = arith.constant 3 : i32
    %add3A_24 = arith.addi %mul3A_0, %add3A_23 : i32
    %mul3A_25 = arith.constant 1024 : i32
    %mul3A_26 = arith.muli %arg1, %mul3A_25 : i32
    %dma_start3A_27 = tpu.memref_slice %arg2[%add3A_24, %mul3A_26] : memref<26x16384xi32, #tpu.memory_space<hbm>> -> memref<1x1024xi32, #tpu.memory_space<hbm>>
    %dma_start3A_28 = tpu.memref_squeeze %dma_start3A_27 : memref<1x1024xi32, #tpu.memory_space<hbm>> -> memref<1024xi32, #tpu.memory_space<hbm>>
    %dma_start3A_29 = tpu.memref_slice %arg2[%add3A_24, %mul3A_26] : memref<26x16384xi32, #tpu.memory_space<hbm>> -> memref<1x1024xi32, #tpu.memory_space<hbm>>
    %dma_start3A_30 = tpu.memref_squeeze %dma_start3A_29 : memref<1x1024xi32, #tpu.memory_space<hbm>> -> memref<1024xi32, #tpu.memory_space<hbm>>
    tpu.enqueue_dma source(%dma_start3A_30 : memref<1024xi32, #tpu.memory_space<hbm>>) target(%arg18 : memref<1024xi32, #tpu.memory_space<vmem>>) target_semaphore(%arg32 : memref<!tpu.dma_semaphore, #tpu.memory_space<semaphore_mem>>)
    %add3A_31 = arith.constant 4 : i32
    %add3A_32 = arith.addi %mul3A_0, %add3A_31 : i32
    %mul3A_33 = arith.constant 1024 : i32
    %mul3A_34 = arith.muli %arg1, %mul3A_33 : i32
    %dma_start3A_35 = tpu.memref_slice %arg2[%add3A_32, %mul3A_34] : memref<26x16384xi32, #tpu.memory_space<hbm>> -> memref<1x1024xi32, #tpu.memory_space<hbm>>
    %dma_start3A_36 = tpu.memref_squeeze %dma_start3A_35 : memref<1x1024xi32, #tpu.memory_space<hbm>> -> memref<1024xi32, #tpu.memory_space<hbm>>
    %dma_start3A_37 = tpu.memref_slice %arg2[%add3A_32, %mul3A_34] : memref<26x16384xi32, #tpu.memory_space<hbm>> -> memref<1x1024xi32, #tpu.memory_space<hbm>>
    %dma_start3A_38 = tpu.memref_squeeze %dma_start3A_37 : memref<1x1024xi32, #tpu.memory_space<hbm>> -> memref<1024xi32, #tpu.memory_space<hbm>>
    tpu.enqueue_dma source(%dma_start3A_38 : memref<1024xi32, #tpu.memory_space<hbm>>) target(%arg19 : memref<1024xi32, #tpu.memory_space<vmem>>) target_semaphore(%arg32 : memref<!tpu.dma_semaphore, #tpu.memory_space<semaphore_mem>>)
    %add3A_39 = arith.constant 5 : i32
    %add3A_40 = arith.addi %mul3A_0, %add3A_39 : i32
    %mul3A_41 = arith.constant 1024 : i32
    %mul3A_42 = arith.muli %arg1, %mul3A_41 : i32
    %dma_start3A_43 = tpu.memref_slice %arg2[%add3A_40, %mul3A_42] : memref<26x16384xi32, #tpu.memory_space<hbm>> -> memref<1x1024xi32, #tpu.memory_space<hbm>>
    %dma_start3A_44 = tpu.memref_squeeze %dma_start3A_43 : memref<1x1024xi32, #tpu.memory_space<hbm>> -> memref<1024xi32, #tpu.memory_space<hbm>>
    %dma_start3A_45 = tpu.memref_slice %arg2[%add3A_40, %mul3A_42] : memref<26x16384xi32, #tpu.memory_space<hbm>> -> memref<1x1024xi32, #tpu.memory_space<hbm>>
    %dma_start3A_46 = tpu.memref_squeeze %dma_start3A_45 : memref<1x1024xi32, #tpu.memory_space<hbm>> -> memref<1024xi32, #tpu.memory_space<hbm>>
    tpu.enqueue_dma source(%dma_start3A_46 : memref<1024xi32, #tpu.memory_space<hbm>>) target(%arg20 : memref<1024xi32, #tpu.memory_space<vmem>>) target_semaphore(%arg32 : memref<!tpu.dma_semaphore, #tpu.memory_space<semaphore_mem>>)
    %add3A_47 = arith.constant 6 : i32
    %add3A_48 = arith.addi %mul3A_0, %add3A_47 : i32
    %mul3A_49 = arith.constant 1024 : i32
    %mul3A_50 = arith.muli %arg1, %mul3A_49 : i32
    %dma_start3A_51 = tpu.memref_slice %arg2[%add3A_48, %mul3A_50] : memref<26x16384xi32, #tpu.memory_space<hbm>> -> memref<1x1024xi32, #tpu.memory_space<hbm>>
    %dma_start3A_52 = tpu.memref_squeeze %dma_start3A_51 : memref<1x1024xi32, #tpu.memory_space<hbm>> -> memref<1024xi32, #tpu.memory_space<hbm>>
    %dma_start3A_53 = tpu.memref_slice %arg2[%add3A_48, %mul3A_50] : memref<26x16384xi32, #tpu.memory_space<hbm>> -> memref<1x1024xi32, #tpu.memory_space<hbm>>
    %dma_start3A_54 = tpu.memref_squeeze %dma_start3A_53 : memref<1x1024xi32, #tpu.memory_space<hbm>> -> memref<1024xi32, #tpu.memory_space<hbm>>
    tpu.enqueue_dma source(%dma_start3A_54 : memref<1024xi32, #tpu.memory_space<hbm>>) target(%arg21 : memref<1024xi32, #tpu.memory_space<vmem>>) target_semaphore(%arg32 : memref<!tpu.dma_semaphore, #tpu.memory_space<semaphore_mem>>)
    %add3A_55 = arith.constant 7 : i32
    %add3A_56 = arith.addi %mul3A_0, %add3A_55 : i32
    %mul3A_57 = arith.constant 1024 : i32
    %mul3A_58 = arith.muli %arg1, %mul3A_57 : i32
    %dma_start3A_59 = tpu.memref_slice %arg2[%add3A_56, %mul3A_58] : memref<26x16384xi32, #tpu.memory_space<hbm>> -> memref<1x1024xi32, #tpu.memory_space<hbm>>
    %dma_start3A_60 = tpu.memref_squeeze %dma_start3A_59 : memref<1x1024xi32, #tpu.memory_space<hbm>> -> memref<1024xi32, #tpu.memory_space<hbm>>
    %dma_start3A_61 = tpu.memref_slice %arg2[%add3A_56, %mul3A_58] : memref<26x16384xi32, #tpu.memory_space<hbm>> -> memref<1x1024xi32, #tpu.memory_space<hbm>>
    %dma_start3A_62 = tpu.memref_squeeze %dma_start3A_61 : memref<1x1024xi32, #tpu.memory_space<hbm>> -> memref<1024xi32, #tpu.memory_space<hbm>>
    tpu.enqueue_dma source(%dma_start3A_62 : memref<1024xi32, #tpu.memory_space<hbm>>) target(%arg22 : memref<1024xi32, #tpu.memory_space<vmem>>) target_semaphore(%arg32 : memref<!tpu.dma_semaphore, #tpu.memory_space<semaphore_mem>>)
    %add3A_63 = arith.constant 8 : i32
    %add3A_64 = arith.addi %mul3A_0, %add3A_63 : i32
    %mul3A_65 = arith.constant 1024 : i32
    %mul3A_66 = arith.muli %arg1, %mul3A_65 : i32
    %dma_start3A_67 = tpu.memref_slice %arg2[%add3A_64, %mul3A_66] : memref<26x16384xi32, #tpu.memory_space<hbm>> -> memref<1x1024xi32, #tpu.memory_space<hbm>>
    %dma_start3A_68 = tpu.memref_squeeze %dma_start3A_67 : memref<1x1024xi32, #tpu.memory_space<hbm>> -> memref<1024xi32, #tpu.memory_space<hbm>>
    %dma_start3A_69 = tpu.memref_slice %arg2[%add3A_64, %mul3A_66] : memref<26x16384xi32, #tpu.memory_space<hbm>> -> memref<1x1024xi32, #tpu.memory_space<hbm>>
    %dma_start3A_70 = tpu.memref_squeeze %dma_start3A_69 : memref<1x1024xi32, #tpu.memory_space<hbm>> -> memref<1024xi32, #tpu.memory_space<hbm>>
    tpu.enqueue_dma source(%dma_start3A_70 : memref<1024xi32, #tpu.memory_space<hbm>>) target(%arg23 : memref<1024xi32, #tpu.memory_space<vmem>>) target_semaphore(%arg32 : memref<!tpu.dma_semaphore, #tpu.memory_space<semaphore_mem>>)
    %add3A_71 = arith.constant 9 : i32
    %add3A_72 = arith.addi %mul3A_0, %add3A_71 : i32
    %mul3A_73 = arith.constant 1024 : i32
    %mul3A_74 = arith.muli %arg1, %mul3A_73 : i32
    %dma_start3A_75 = tpu.memref_slice %arg2[%add3A_72, %mul3A_74] : memref<26x16384xi32, #tpu.memory_space<hbm>> -> memref<1x1024xi32, #tpu.memory_space<hbm>>
    %dma_start3A_76 = tpu.memref_squeeze %dma_start3A_75 : memref<1x1024xi32, #tpu.memory_space<hbm>> -> memref<1024xi32, #tpu.memory_space<hbm>>
    %dma_start3A_77 = tpu.memref_slice %arg2[%add3A_72, %mul3A_74] : memref<26x16384xi32, #tpu.memory_space<hbm>> -> memref<1x1024xi32, #tpu.memory_space<hbm>>
    %dma_start3A_78 = tpu.memref_squeeze %dma_start3A_77 : memref<1x1024xi32, #tpu.memory_space<hbm>> -> memref<1024xi32, #tpu.memory_space<hbm>>
    tpu.enqueue_dma source(%dma_start3A_78 : memref<1024xi32, #tpu.memory_space<hbm>>) target(%arg24 : memref<1024xi32, #tpu.memory_space<vmem>>) target_semaphore(%arg32 : memref<!tpu.dma_semaphore, #tpu.memory_space<semaphore_mem>>)
    %add3A_79 = arith.constant 10 : i32
    %add3A_80 = arith.addi %mul3A_0, %add3A_79 : i32
    %mul3A_81 = arith.constant 1024 : i32
    %mul3A_82 = arith.muli %arg1, %mul3A_81 : i32
    %dma_start3A_83 = tpu.memref_slice %arg2[%add3A_80, %mul3A_82] : memref<26x16384xi32, #tpu.memory_space<hbm>> -> memref<1x1024xi32, #tpu.memory_space<hbm>>
    %dma_start3A_84 = tpu.memref_squeeze %dma_start3A_83 : memref<1x1024xi32, #tpu.memory_space<hbm>> -> memref<1024xi32, #tpu.memory_space<hbm>>
    %dma_start3A_85 = tpu.memref_slice %arg2[%add3A_80, %mul3A_82] : memref<26x16384xi32, #tpu.memory_space<hbm>> -> memref<1x1024xi32, #tpu.memory_space<hbm>>
    %dma_start3A_86 = tpu.memref_squeeze %dma_start3A_85 : memref<1x1024xi32, #tpu.memory_space<hbm>> -> memref<1024xi32, #tpu.memory_space<hbm>>
    tpu.enqueue_dma source(%dma_start3A_86 : memref<1024xi32, #tpu.memory_space<hbm>>) target(%arg25 : memref<1024xi32, #tpu.memory_space<vmem>>) target_semaphore(%arg32 : memref<!tpu.dma_semaphore, #tpu.memory_space<semaphore_mem>>)
    %add3A_87 = arith.constant 11 : i32
    %add3A_88 = arith.addi %mul3A_0, %add3A_87 : i32
    %mul3A_89 = arith.constant 1024 : i32
    %mul3A_90 = arith.muli %arg1, %mul3A_89 : i32
    %dma_start3A_91 = tpu.memref_slice %arg2[%add3A_88, %mul3A_90] : memref<26x16384xi32, #tpu.memory_space<hbm>> -> memref<1x1024xi32, #tpu.memory_space<hbm>>
    %dma_start3A_92 = tpu.memref_squeeze %dma_start3A_91 : memref<1x1024xi32, #tpu.memory_space<hbm>> -> memref<1024xi32, #tpu.memory_space<hbm>>
    %dma_start3A_93 = tpu.memref_slice %arg2[%add3A_88, %mul3A_90] : memref<26x16384xi32, #tpu.memory_space<hbm>> -> memref<1x1024xi32, #tpu.memory_space<hbm>>
    %dma_start3A_94 = tpu.memref_squeeze %dma_start3A_93 : memref<1x1024xi32, #tpu.memory_space<hbm>> -> memref<1024xi32, #tpu.memory_space<hbm>>
    tpu.enqueue_dma source(%dma_start3A_94 : memref<1024xi32, #tpu.memory_space<hbm>>) target(%arg26 : memref<1024xi32, #tpu.memory_space<vmem>>) target_semaphore(%arg32 : memref<!tpu.dma_semaphore, #tpu.memory_space<semaphore_mem>>)
    %add3A_95 = arith.constant 12 : i32
    %add3A_96 = arith.addi %mul3A_0, %add3A_95 : i32
    %mul3A_97 = arith.constant 1024 : i32
    %mul3A_98 = arith.muli %arg1, %mul3A_97 : i32
    %dma_start3A_99 = tpu.memref_slice %arg2[%add3A_96, %mul3A_98] : memref<26x16384xi32, #tpu.memory_space<hbm>> -> memref<1x1024xi32, #tpu.memory_space<hbm>>
    %dma_start3A_100 = tpu.memref_squeeze %dma_start3A_99 : memref<1x1024xi32, #tpu.memory_space<hbm>> -> memref<1024xi32, #tpu.memory_space<hbm>>
    %dma_start3A_101 = tpu.memref_slice %arg2[%add3A_96, %mul3A_98] : memref<26x16384xi32, #tpu.memory_space<hbm>> -> memref<1x1024xi32, #tpu.memory_space<hbm>>
    %dma_start3A_102 = tpu.memref_squeeze %dma_start3A_101 : memref<1x1024xi32, #tpu.memory_space<hbm>> -> memref<1024xi32, #tpu.memory_space<hbm>>
    tpu.enqueue_dma source(%dma_start3A_102 : memref<1024xi32, #tpu.memory_space<hbm>>) target(%arg27 : memref<1024xi32, #tpu.memory_space<vmem>>) target_semaphore(%arg32 : memref<!tpu.dma_semaphore, #tpu.memory_space<semaphore_mem>>)
    %eq3A = arith.constant 0 : i32
    %eq3A_103 = arith.cmpi eq, %arg1, %eq3A : i32
    %convert_element_type3A = arith.extui %eq3A_103 : i1 to i32
    %cond3A = arith.constant 0 : i32
    %cond3A_104 = arith.cmpi ne, %convert_element_type3A, %cond3A : i32
    scf.if %cond3A_104 {
      %add3A_813 = arith.constant 0 : i32
      %add3A_814 = arith.addi %mul3A_0, %add3A_813 : i32
      %dma_start3A_815 = arith.constant 0 : i32
      %dma_start3A_816 = tpu.memref_slice %arg3[%add3A_814, %dma_start3A_815] : memref<26x100000xf32, #tpu.memory_space<hbm>> -> memref<1x100000xf32, #tpu.memory_space<hbm>>
      %dma_start3A_817 = tpu.memref_squeeze %dma_start3A_816 : memref<1x100000xf32, #tpu.memory_space<hbm>> -> memref<100000xf32, #tpu.memory_space<hbm>>
      tpu.enqueue_dma source(%dma_start3A_817 : memref<100000xf32, #tpu.memory_space<hbm>>) target(%arg7 : memref<100000xf32, #tpu.memory_space<vmem_shared>>) target_semaphore(%arg33 : memref<!tpu.dma_semaphore, #tpu.memory_space<semaphore_mem>>)
    } else {
    }
    %eq3A_105 = arith.constant 1 : i32
    %eq3A_106 = arith.cmpi eq, %arg1, %eq3A_105 : i32
    %convert_element_type3A_107 = arith.extui %eq3A_106 : i1 to i32
    %cond3A_108 = arith.constant 0 : i32
    %cond3A_109 = arith.cmpi ne, %convert_element_type3A_107, %cond3A_108 : i32
    scf.if %cond3A_109 {
      %add3A_813 = arith.constant 0 : i32
      %add3A_814 = arith.addi %mul3A_0, %add3A_813 : i32
      %dma_start3A_815 = arith.constant 0 : i32
      %dma_start3A_816 = tpu.memref_slice %arg4[%add3A_814, %dma_start3A_815] : memref<26x100000xf32, #tpu.memory_space<hbm>> -> memref<1x100000xf32, #tpu.memory_space<hbm>>
      %dma_start3A_817 = tpu.memref_squeeze %dma_start3A_816 : memref<1x100000xf32, #tpu.memory_space<hbm>> -> memref<100000xf32, #tpu.memory_space<hbm>>
      tpu.enqueue_dma source(%dma_start3A_817 : memref<100000xf32, #tpu.memory_space<hbm>>) target(%arg11 : memref<100000xf32, #tpu.memory_space<vmem_shared>>) target_semaphore(%arg37 : memref<!tpu.dma_semaphore, #tpu.memory_space<semaphore_mem>>)
    } else {
    }
    %eq3A_110 = arith.constant 2 : i32
    %eq3A_111 = arith.cmpi eq, %arg1, %eq3A_110 : i32
    %convert_element_type3A_112 = arith.extui %eq3A_111 : i1 to i32
    %cond3A_113 = arith.constant 0 : i32
    %cond3A_114 = arith.cmpi ne, %convert_element_type3A_112, %cond3A_113 : i32
    scf.if %cond3A_114 {
      %add3A_813 = arith.constant 1 : i32
      %add3A_814 = arith.addi %mul3A_0, %add3A_813 : i32
      %dma_start3A_815 = arith.constant 0 : i32
      %dma_start3A_816 = tpu.memref_slice %arg3[%add3A_814, %dma_start3A_815] : memref<26x100000xf32, #tpu.memory_space<hbm>> -> memref<1x100000xf32, #tpu.memory_space<hbm>>
      %dma_start3A_817 = tpu.memref_squeeze %dma_start3A_816 : memref<1x100000xf32, #tpu.memory_space<hbm>> -> memref<100000xf32, #tpu.memory_space<hbm>>
      tpu.enqueue_dma source(%dma_start3A_817 : memref<100000xf32, #tpu.memory_space<hbm>>) target(%arg8 : memref<100000xf32, #tpu.memory_space<vmem_shared>>) target_semaphore(%arg34 : memref<!tpu.dma_semaphore, #tpu.memory_space<semaphore_mem>>)
    } else {
    }
    %eq3A_115 = arith.constant 3 : i32
    %eq3A_116 = arith.cmpi eq, %arg1, %eq3A_115 : i32
    %convert_element_type3A_117 = arith.extui %eq3A_116 : i1 to i32
    %cond3A_118 = arith.constant 0 : i32
    %cond3A_119 = arith.cmpi ne, %convert_element_type3A_117, %cond3A_118 : i32
    scf.if %cond3A_119 {
      %add3A_813 = arith.constant 1 : i32
      %add3A_814 = arith.addi %mul3A_0, %add3A_813 : i32
      %dma_start3A_815 = arith.constant 0 : i32
      %dma_start3A_816 = tpu.memref_slice %arg4[%add3A_814, %dma_start3A_815] : memref<26x100000xf32, #tpu.memory_space<hbm>> -> memref<1x100000xf32, #tpu.memory_space<hbm>>
      %dma_start3A_817 = tpu.memref_squeeze %dma_start3A_816 : memref<1x100000xf32, #tpu.memory_space<hbm>> -> memref<100000xf32, #tpu.memory_space<hbm>>
      tpu.enqueue_dma source(%dma_start3A_817 : memref<100000xf32, #tpu.memory_space<hbm>>) target(%arg12 : memref<100000xf32, #tpu.memory_space<vmem_shared>>) target_semaphore(%arg38 : memref<!tpu.dma_semaphore, #tpu.memory_space<semaphore_mem>>)
    } else {
    }
    %eq3A_120 = arith.constant 4 : i32
    %eq3A_121 = arith.cmpi eq, %arg1, %eq3A_120 : i32
    %convert_element_type3A_122 = arith.extui %eq3A_121 : i1 to i32
    %cond3A_123 = arith.constant 0 : i32
    %cond3A_124 = arith.cmpi ne, %convert_element_type3A_122, %cond3A_123 : i32
    scf.if %cond3A_124 {
      %add3A_813 = arith.constant 2 : i32
      %add3A_814 = arith.addi %mul3A_0, %add3A_813 : i32
      %dma_start3A_815 = arith.constant 0 : i32
      %dma_start3A_816 = tpu.memref_slice %arg3[%add3A_814, %dma_start3A_815] : memref<26x100000xf32, #tpu.memory_space<hbm>> -> memref<1x100000xf32, #tpu.memory_space<hbm>>
      %dma_start3A_817 = tpu.memref_squeeze %dma_start3A_816 : memref<1x100000xf32, #tpu.memory_space<hbm>> -> memref<100000xf32, #tpu.memory_space<hbm>>
      tpu.enqueue_dma source(%dma_start3A_817 : memref<100000xf32, #tpu.memory_space<hbm>>) target(%arg9 : memref<100000xf32, #tpu.memory_space<vmem_shared>>) target_semaphore(%arg35 : memref<!tpu.dma_semaphore, #tpu.memory_space<semaphore_mem>>)
    } else {
    }
    %eq3A_125 = arith.constant 5 : i32
    %eq3A_126 = arith.cmpi eq, %arg1, %eq3A_125 : i32
    %convert_element_type3A_127 = arith.extui %eq3A_126 : i1 to i32
    %cond3A_128 = arith.constant 0 : i32
    %cond3A_129 = arith.cmpi ne, %convert_element_type3A_127, %cond3A_128 : i32
    scf.if %cond3A_129 {
      %add3A_813 = arith.constant 2 : i32
      %add3A_814 = arith.addi %mul3A_0, %add3A_813 : i32
      %dma_start3A_815 = arith.constant 0 : i32
      %dma_start3A_816 = tpu.memref_slice %arg4[%add3A_814, %dma_start3A_815] : memref<26x100000xf32, #tpu.memory_space<hbm>> -> memref<1x100000xf32, #tpu.memory_space<hbm>>
      %dma_start3A_817 = tpu.memref_squeeze %dma_start3A_816 : memref<1x100000xf32, #tpu.memory_space<hbm>> -> memref<100000xf32, #tpu.memory_space<hbm>>
      tpu.enqueue_dma source(%dma_start3A_817 : memref<100000xf32, #tpu.memory_space<hbm>>) target(%arg13 : memref<100000xf32, #tpu.memory_space<vmem_shared>>) target_semaphore(%arg39 : memref<!tpu.dma_semaphore, #tpu.memory_space<semaphore_mem>>)
    } else {
    }
    %dma_wait3A = tpu.memref_slice %arg2[%add3A_1, %mul3A_3] : memref<26x16384xi32, #tpu.memory_space<hbm>> -> memref<1x1024xi32, #tpu.memory_space<hbm>>
    %dma_wait3A_130 = tpu.memref_squeeze %dma_wait3A : memref<1x1024xi32, #tpu.memory_space<hbm>> -> memref<1024xi32, #tpu.memory_space<hbm>>
    %dma_wait3A_131 = tpu.memref_slice %arg2[%add3A_1, %mul3A_3] : memref<26x16384xi32, #tpu.memory_space<hbm>> -> memref<1x1024xi32, #tpu.memory_space<hbm>>
    %dma_wait3A_132 = tpu.memref_squeeze %dma_wait3A_131 : memref<1x1024xi32, #tpu.memory_space<hbm>> -> memref<1024xi32, #tpu.memory_space<hbm>>
    tpu.wait_dma2 semaphore(%arg32 : memref<!tpu.dma_semaphore, #tpu.memory_space<semaphore_mem>>) src(%dma_wait3A_132 : memref<1024xi32, #tpu.memory_space<hbm>>) dst(%arg15 : memref<1024xi32, #tpu.memory_space<vmem>>)
    %dma_wait3A_133 = tpu.memref_slice %arg2[%add3A_8, %mul3A_10] : memref<26x16384xi32, #tpu.memory_space<hbm>> -> memref<1x1024xi32, #tpu.memory_space<hbm>>
    %dma_wait3A_134 = tpu.memref_squeeze %dma_wait3A_133 : memref<1x1024xi32, #tpu.memory_space<hbm>> -> memref<1024xi32, #tpu.memory_space<hbm>>
    %dma_wait3A_135 = tpu.memref_slice %arg2[%add3A_8, %mul3A_10] : memref<26x16384xi32, #tpu.memory_space<hbm>> -> memref<1x1024xi32, #tpu.memory_space<hbm>>
    %dma_wait3A_136 = tpu.memref_squeeze %dma_wait3A_135 : memref<1x1024xi32, #tpu.memory_space<hbm>> -> memref<1024xi32, #tpu.memory_space<hbm>>
    tpu.wait_dma2 semaphore(%arg32 : memref<!tpu.dma_semaphore, #tpu.memory_space<semaphore_mem>>) src(%dma_wait3A_136 : memref<1024xi32, #tpu.memory_space<hbm>>) dst(%arg16 : memref<1024xi32, #tpu.memory_space<vmem>>)
    %dma_wait3A_137 = tpu.memref_slice %arg2[%add3A_16, %mul3A_18] : memref<26x16384xi32, #tpu.memory_space<hbm>> -> memref<1x1024xi32, #tpu.memory_space<hbm>>
    %dma_wait3A_138 = tpu.memref_squeeze %dma_wait3A_137 : memref<1x1024xi32, #tpu.memory_space<hbm>> -> memref<1024xi32, #tpu.memory_space<hbm>>
    %dma_wait3A_139 = tpu.memref_slice %arg2[%add3A_16, %mul3A_18] : memref<26x16384xi32, #tpu.memory_space<hbm>> -> memref<1x1024xi32, #tpu.memory_space<hbm>>
    %dma_wait3A_140 = tpu.memref_squeeze %dma_wait3A_139 : memref<1x1024xi32, #tpu.memory_space<hbm>> -> memref<1024xi32, #tpu.memory_space<hbm>>
    tpu.wait_dma2 semaphore(%arg32 : memref<!tpu.dma_semaphore, #tpu.memory_space<semaphore_mem>>) src(%dma_wait3A_140 : memref<1024xi32, #tpu.memory_space<hbm>>) dst(%arg17 : memref<1024xi32, #tpu.memory_space<vmem>>)
    %dma_wait3A_141 = tpu.memref_slice %arg2[%add3A_24, %mul3A_26] : memref<26x16384xi32, #tpu.memory_space<hbm>> -> memref<1x1024xi32, #tpu.memory_space<hbm>>
    %dma_wait3A_142 = tpu.memref_squeeze %dma_wait3A_141 : memref<1x1024xi32, #tpu.memory_space<hbm>> -> memref<1024xi32, #tpu.memory_space<hbm>>
    %dma_wait3A_143 = tpu.memref_slice %arg2[%add3A_24, %mul3A_26] : memref<26x16384xi32, #tpu.memory_space<hbm>> -> memref<1x1024xi32, #tpu.memory_space<hbm>>
    %dma_wait3A_144 = tpu.memref_squeeze %dma_wait3A_143 : memref<1x1024xi32, #tpu.memory_space<hbm>> -> memref<1024xi32, #tpu.memory_space<hbm>>
    tpu.wait_dma2 semaphore(%arg32 : memref<!tpu.dma_semaphore, #tpu.memory_space<semaphore_mem>>) src(%dma_wait3A_144 : memref<1024xi32, #tpu.memory_space<hbm>>) dst(%arg18 : memref<1024xi32, #tpu.memory_space<vmem>>)
    %dma_wait3A_145 = tpu.memref_slice %arg2[%add3A_32, %mul3A_34] : memref<26x16384xi32, #tpu.memory_space<hbm>> -> memref<1x1024xi32, #tpu.memory_space<hbm>>
    %dma_wait3A_146 = tpu.memref_squeeze %dma_wait3A_145 : memref<1x1024xi32, #tpu.memory_space<hbm>> -> memref<1024xi32, #tpu.memory_space<hbm>>
    %dma_wait3A_147 = tpu.memref_slice %arg2[%add3A_32, %mul3A_34] : memref<26x16384xi32, #tpu.memory_space<hbm>> -> memref<1x1024xi32, #tpu.memory_space<hbm>>
    %dma_wait3A_148 = tpu.memref_squeeze %dma_wait3A_147 : memref<1x1024xi32, #tpu.memory_space<hbm>> -> memref<1024xi32, #tpu.memory_space<hbm>>
    tpu.wait_dma2 semaphore(%arg32 : memref<!tpu.dma_semaphore, #tpu.memory_space<semaphore_mem>>) src(%dma_wait3A_148 : memref<1024xi32, #tpu.memory_space<hbm>>) dst(%arg19 : memref<1024xi32, #tpu.memory_space<vmem>>)
    %dma_wait3A_149 = tpu.memref_slice %arg2[%add3A_40, %mul3A_42] : memref<26x16384xi32, #tpu.memory_space<hbm>> -> memref<1x1024xi32, #tpu.memory_space<hbm>>
    %dma_wait3A_150 = tpu.memref_squeeze %dma_wait3A_149 : memref<1x1024xi32, #tpu.memory_space<hbm>> -> memref<1024xi32, #tpu.memory_space<hbm>>
    %dma_wait3A_151 = tpu.memref_slice %arg2[%add3A_40, %mul3A_42] : memref<26x16384xi32, #tpu.memory_space<hbm>> -> memref<1x1024xi32, #tpu.memory_space<hbm>>
    %dma_wait3A_152 = tpu.memref_squeeze %dma_wait3A_151 : memref<1x1024xi32, #tpu.memory_space<hbm>> -> memref<1024xi32, #tpu.memory_space<hbm>>
    tpu.wait_dma2 semaphore(%arg32 : memref<!tpu.dma_semaphore, #tpu.memory_space<semaphore_mem>>) src(%dma_wait3A_152 : memref<1024xi32, #tpu.memory_space<hbm>>) dst(%arg20 : memref<1024xi32, #tpu.memory_space<vmem>>)
    %dma_wait3A_153 = tpu.memref_slice %arg2[%add3A_48, %mul3A_50] : memref<26x16384xi32, #tpu.memory_space<hbm>> -> memref<1x1024xi32, #tpu.memory_space<hbm>>
    %dma_wait3A_154 = tpu.memref_squeeze %dma_wait3A_153 : memref<1x1024xi32, #tpu.memory_space<hbm>> -> memref<1024xi32, #tpu.memory_space<hbm>>
    %dma_wait3A_155 = tpu.memref_slice %arg2[%add3A_48, %mul3A_50] : memref<26x16384xi32, #tpu.memory_space<hbm>> -> memref<1x1024xi32, #tpu.memory_space<hbm>>
    %dma_wait3A_156 = tpu.memref_squeeze %dma_wait3A_155 : memref<1x1024xi32, #tpu.memory_space<hbm>> -> memref<1024xi32, #tpu.memory_space<hbm>>
    tpu.wait_dma2 semaphore(%arg32 : memref<!tpu.dma_semaphore, #tpu.memory_space<semaphore_mem>>) src(%dma_wait3A_156 : memref<1024xi32, #tpu.memory_space<hbm>>) dst(%arg21 : memref<1024xi32, #tpu.memory_space<vmem>>)
    %dma_wait3A_157 = tpu.memref_slice %arg2[%add3A_56, %mul3A_58] : memref<26x16384xi32, #tpu.memory_space<hbm>> -> memref<1x1024xi32, #tpu.memory_space<hbm>>
    %dma_wait3A_158 = tpu.memref_squeeze %dma_wait3A_157 : memref<1x1024xi32, #tpu.memory_space<hbm>> -> memref<1024xi32, #tpu.memory_space<hbm>>
    %dma_wait3A_159 = tpu.memref_slice %arg2[%add3A_56, %mul3A_58] : memref<26x16384xi32, #tpu.memory_space<hbm>> -> memref<1x1024xi32, #tpu.memory_space<hbm>>
    %dma_wait3A_160 = tpu.memref_squeeze %dma_wait3A_159 : memref<1x1024xi32, #tpu.memory_space<hbm>> -> memref<1024xi32, #tpu.memory_space<hbm>>
    tpu.wait_dma2 semaphore(%arg32 : memref<!tpu.dma_semaphore, #tpu.memory_space<semaphore_mem>>) src(%dma_wait3A_160 : memref<1024xi32, #tpu.memory_space<hbm>>) dst(%arg22 : memref<1024xi32, #tpu.memory_space<vmem>>)
    %dma_wait3A_161 = tpu.memref_slice %arg2[%add3A_64, %mul3A_66] : memref<26x16384xi32, #tpu.memory_space<hbm>> -> memref<1x1024xi32, #tpu.memory_space<hbm>>
    %dma_wait3A_162 = tpu.memref_squeeze %dma_wait3A_161 : memref<1x1024xi32, #tpu.memory_space<hbm>> -> memref<1024xi32, #tpu.memory_space<hbm>>
    %dma_wait3A_163 = tpu.memref_slice %arg2[%add3A_64, %mul3A_66] : memref<26x16384xi32, #tpu.memory_space<hbm>> -> memref<1x1024xi32, #tpu.memory_space<hbm>>
    %dma_wait3A_164 = tpu.memref_squeeze %dma_wait3A_163 : memref<1x1024xi32, #tpu.memory_space<hbm>> -> memref<1024xi32, #tpu.memory_space<hbm>>
    tpu.wait_dma2 semaphore(%arg32 : memref<!tpu.dma_semaphore, #tpu.memory_space<semaphore_mem>>) src(%dma_wait3A_164 : memref<1024xi32, #tpu.memory_space<hbm>>) dst(%arg23 : memref<1024xi32, #tpu.memory_space<vmem>>)
    %dma_wait3A_165 = tpu.memref_slice %arg2[%add3A_72, %mul3A_74] : memref<26x16384xi32, #tpu.memory_space<hbm>> -> memref<1x1024xi32, #tpu.memory_space<hbm>>
    %dma_wait3A_166 = tpu.memref_squeeze %dma_wait3A_165 : memref<1x1024xi32, #tpu.memory_space<hbm>> -> memref<1024xi32, #tpu.memory_space<hbm>>
    %dma_wait3A_167 = tpu.memref_slice %arg2[%add3A_72, %mul3A_74] : memref<26x16384xi32, #tpu.memory_space<hbm>> -> memref<1x1024xi32, #tpu.memory_space<hbm>>
    %dma_wait3A_168 = tpu.memref_squeeze %dma_wait3A_167 : memref<1x1024xi32, #tpu.memory_space<hbm>> -> memref<1024xi32, #tpu.memory_space<hbm>>
    tpu.wait_dma2 semaphore(%arg32 : memref<!tpu.dma_semaphore, #tpu.memory_space<semaphore_mem>>) src(%dma_wait3A_168 : memref<1024xi32, #tpu.memory_space<hbm>>) dst(%arg24 : memref<1024xi32, #tpu.memory_space<vmem>>)
    %dma_wait3A_169 = tpu.memref_slice %arg2[%add3A_80, %mul3A_82] : memref<26x16384xi32, #tpu.memory_space<hbm>> -> memref<1x1024xi32, #tpu.memory_space<hbm>>
    %dma_wait3A_170 = tpu.memref_squeeze %dma_wait3A_169 : memref<1x1024xi32, #tpu.memory_space<hbm>> -> memref<1024xi32, #tpu.memory_space<hbm>>
    %dma_wait3A_171 = tpu.memref_slice %arg2[%add3A_80, %mul3A_82] : memref<26x16384xi32, #tpu.memory_space<hbm>> -> memref<1x1024xi32, #tpu.memory_space<hbm>>
    %dma_wait3A_172 = tpu.memref_squeeze %dma_wait3A_171 : memref<1x1024xi32, #tpu.memory_space<hbm>> -> memref<1024xi32, #tpu.memory_space<hbm>>
    tpu.wait_dma2 semaphore(%arg32 : memref<!tpu.dma_semaphore, #tpu.memory_space<semaphore_mem>>) src(%dma_wait3A_172 : memref<1024xi32, #tpu.memory_space<hbm>>) dst(%arg25 : memref<1024xi32, #tpu.memory_space<vmem>>)
    %dma_wait3A_173 = tpu.memref_slice %arg2[%add3A_88, %mul3A_90] : memref<26x16384xi32, #tpu.memory_space<hbm>> -> memref<1x1024xi32, #tpu.memory_space<hbm>>
    %dma_wait3A_174 = tpu.memref_squeeze %dma_wait3A_173 : memref<1x1024xi32, #tpu.memory_space<hbm>> -> memref<1024xi32, #tpu.memory_space<hbm>>
    %dma_wait3A_175 = tpu.memref_slice %arg2[%add3A_88, %mul3A_90] : memref<26x16384xi32, #tpu.memory_space<hbm>> -> memref<1x1024xi32, #tpu.memory_space<hbm>>
    %dma_wait3A_176 = tpu.memref_squeeze %dma_wait3A_175 : memref<1x1024xi32, #tpu.memory_space<hbm>> -> memref<1024xi32, #tpu.memory_space<hbm>>
    tpu.wait_dma2 semaphore(%arg32 : memref<!tpu.dma_semaphore, #tpu.memory_space<semaphore_mem>>) src(%dma_wait3A_176 : memref<1024xi32, #tpu.memory_space<hbm>>) dst(%arg26 : memref<1024xi32, #tpu.memory_space<vmem>>)
    %dma_wait3A_177 = tpu.memref_slice %arg2[%add3A_96, %mul3A_98] : memref<26x16384xi32, #tpu.memory_space<hbm>> -> memref<1x1024xi32, #tpu.memory_space<hbm>>
    %dma_wait3A_178 = tpu.memref_squeeze %dma_wait3A_177 : memref<1x1024xi32, #tpu.memory_space<hbm>> -> memref<1024xi32, #tpu.memory_space<hbm>>
    %dma_wait3A_179 = tpu.memref_slice %arg2[%add3A_96, %mul3A_98] : memref<26x16384xi32, #tpu.memory_space<hbm>> -> memref<1x1024xi32, #tpu.memory_space<hbm>>
    %dma_wait3A_180 = tpu.memref_squeeze %dma_wait3A_179 : memref<1x1024xi32, #tpu.memory_space<hbm>> -> memref<1024xi32, #tpu.memory_space<hbm>>
    tpu.wait_dma2 semaphore(%arg32 : memref<!tpu.dma_semaphore, #tpu.memory_space<semaphore_mem>>) src(%dma_wait3A_180 : memref<1024xi32, #tpu.memory_space<hbm>>) dst(%arg27 : memref<1024xi32, #tpu.memory_space<vmem>>)
    %eq3A_181 = arith.constant 0 : i32
    %eq3A_182 = arith.cmpi eq, %arg1, %eq3A_181 : i32
    %convert_element_type3A_183 = arith.extui %eq3A_182 : i1 to i32
    %cond3A_184 = arith.constant 0 : i32
    %cond3A_185 = arith.cmpi ne, %convert_element_type3A_183, %cond3A_184 : i32
    scf.if %cond3A_185 {
      %add3A_813 = arith.constant 0 : i32
      %add3A_814 = arith.addi %mul3A_0, %add3A_813 : i32
      %dma_wait3A_815 = arith.constant 0 : i32
      %dma_wait3A_816 = tpu.memref_slice %arg3[%add3A_814, %dma_wait3A_815] : memref<26x100000xf32, #tpu.memory_space<hbm>> -> memref<1x100000xf32, #tpu.memory_space<hbm>>
      %dma_wait3A_817 = tpu.memref_squeeze %dma_wait3A_816 : memref<1x100000xf32, #tpu.memory_space<hbm>> -> memref<100000xf32, #tpu.memory_space<hbm>>
      tpu.wait_dma2 semaphore(%arg33 : memref<!tpu.dma_semaphore, #tpu.memory_space<semaphore_mem>>) src(%dma_wait3A_817 : memref<100000xf32, #tpu.memory_space<hbm>>) dst(%arg7 : memref<100000xf32, #tpu.memory_space<vmem_shared>>)
    } else {
    }
    %eq3A_186 = arith.constant 1 : i32
    %eq3A_187 = arith.cmpi eq, %arg1, %eq3A_186 : i32
    %convert_element_type3A_188 = arith.extui %eq3A_187 : i1 to i32
    %cond3A_189 = arith.constant 0 : i32
    %cond3A_190 = arith.cmpi ne, %convert_element_type3A_188, %cond3A_189 : i32
    scf.if %cond3A_190 {
      %add3A_813 = arith.constant 0 : i32
      %add3A_814 = arith.addi %mul3A_0, %add3A_813 : i32
      %dma_wait3A_815 = arith.constant 0 : i32
      %dma_wait3A_816 = tpu.memref_slice %arg4[%add3A_814, %dma_wait3A_815] : memref<26x100000xf32, #tpu.memory_space<hbm>> -> memref<1x100000xf32, #tpu.memory_space<hbm>>
      %dma_wait3A_817 = tpu.memref_squeeze %dma_wait3A_816 : memref<1x100000xf32, #tpu.memory_space<hbm>> -> memref<100000xf32, #tpu.memory_space<hbm>>
      tpu.wait_dma2 semaphore(%arg37 : memref<!tpu.dma_semaphore, #tpu.memory_space<semaphore_mem>>) src(%dma_wait3A_817 : memref<100000xf32, #tpu.memory_space<hbm>>) dst(%arg11 : memref<100000xf32, #tpu.memory_space<vmem_shared>>)
    } else {
    }
    %barrier3A = arith.constant 0 : index
    tpu.barrier barrier_id(%barrier3A)
    %eq3A_191 = arith.constant 6 : i32
    %eq3A_192 = arith.cmpi eq, %arg1, %eq3A_191 : i32
    %convert_element_type3A_193 = arith.extui %eq3A_192 : i1 to i32
    %cond3A_194 = arith.constant 0 : i32
    %cond3A_195 = arith.cmpi ne, %convert_element_type3A_193, %cond3A_194 : i32
    scf.if %cond3A_195 {
      %add3A_813 = arith.constant 3 : i32
      %add3A_814 = arith.addi %mul3A_0, %add3A_813 : i32
      %dma_start3A_815 = arith.constant 0 : i32
      %dma_start3A_816 = tpu.memref_slice %arg3[%add3A_814, %dma_start3A_815] : memref<26x100000xf32, #tpu.memory_space<hbm>> -> memref<1x100000xf32, #tpu.memory_space<hbm>>
      %dma_start3A_817 = tpu.memref_squeeze %dma_start3A_816 : memref<1x100000xf32, #tpu.memory_space<hbm>> -> memref<100000xf32, #tpu.memory_space<hbm>>
      tpu.enqueue_dma source(%dma_start3A_817 : memref<100000xf32, #tpu.memory_space<hbm>>) target(%arg10 : memref<100000xf32, #tpu.memory_space<vmem_shared>>) target_semaphore(%arg36 : memref<!tpu.dma_semaphore, #tpu.memory_space<semaphore_mem>>)
    } else {
    }
    %eq3A_196 = arith.constant 7 : i32
    %eq3A_197 = arith.cmpi eq, %arg1, %eq3A_196 : i32
    %convert_element_type3A_198 = arith.extui %eq3A_197 : i1 to i32
    %cond3A_199 = arith.constant 0 : i32
    %cond3A_200 = arith.cmpi ne, %convert_element_type3A_198, %cond3A_199 : i32
    scf.if %cond3A_200 {
      %add3A_813 = arith.constant 3 : i32
      %add3A_814 = arith.addi %mul3A_0, %add3A_813 : i32
      %dma_start3A_815 = arith.constant 0 : i32
      %dma_start3A_816 = tpu.memref_slice %arg4[%add3A_814, %dma_start3A_815] : memref<26x100000xf32, #tpu.memory_space<hbm>> -> memref<1x100000xf32, #tpu.memory_space<hbm>>
      %dma_start3A_817 = tpu.memref_squeeze %dma_start3A_816 : memref<1x100000xf32, #tpu.memory_space<hbm>> -> memref<100000xf32, #tpu.memory_space<hbm>>
      tpu.enqueue_dma source(%dma_start3A_817 : memref<100000xf32, #tpu.memory_space<hbm>>) target(%arg14 : memref<100000xf32, #tpu.memory_space<vmem_shared>>) target_semaphore(%arg40 : memref<!tpu.dma_semaphore, #tpu.memory_space<semaphore_mem>>)
    } else {
    }
    %dma_start3A_201 = arith.constant 0 : i32
    %dma_start3A_202 = tpu.memref_slice %arg7[%dma_start3A_201] : memref<100000xf32, #tpu.memory_space<vmem_shared>> -> memref<100000xf32, #tpu.memory_space<vmem_shared>>
    tpu.enqueue_indirect_dma source(%dma_start3A_202 : memref<100000xf32, #tpu.memory_space<vmem_shared>>) target(%arg28 : memref<1024xf32, #tpu.memory_space<vmem>>) offsets(%arg15 : memref<1024xi32, #tpu.memory_space<vmem>>) semaphore(%arg41 : memref<!tpu.dma_semaphore, #tpu.memory_space<semaphore_mem>>)
    %dma_start3A_203 = arith.constant 0 : i32
    %dma_start3A_204 = tpu.memref_slice %arg11[%dma_start3A_203] : memref<100000xf32, #tpu.memory_space<vmem_shared>> -> memref<100000xf32, #tpu.memory_space<vmem_shared>>
    tpu.enqueue_indirect_dma source(%dma_start3A_204 : memref<100000xf32, #tpu.memory_space<vmem_shared>>) target(%arg30 : memref<1024xf32, #tpu.memory_space<vmem>>) offsets(%arg15 : memref<1024xi32, #tpu.memory_space<vmem>>) semaphore(%arg43 : memref<!tpu.dma_semaphore, #tpu.memory_space<semaphore_mem>>)
    %eq3A_205 = arith.constant 2 : i32
    %eq3A_206 = arith.cmpi eq, %arg1, %eq3A_205 : i32
    %convert_element_type3A_207 = arith.extui %eq3A_206 : i1 to i32
    %cond3A_208 = arith.constant 0 : i32
    %cond3A_209 = arith.cmpi ne, %convert_element_type3A_207, %cond3A_208 : i32
    scf.if %cond3A_209 {
      %add3A_813 = arith.constant 1 : i32
      %add3A_814 = arith.addi %mul3A_0, %add3A_813 : i32
      %dma_wait3A_815 = arith.constant 0 : i32
      %dma_wait3A_816 = tpu.memref_slice %arg3[%add3A_814, %dma_wait3A_815] : memref<26x100000xf32, #tpu.memory_space<hbm>> -> memref<1x100000xf32, #tpu.memory_space<hbm>>
      %dma_wait3A_817 = tpu.memref_squeeze %dma_wait3A_816 : memref<1x100000xf32, #tpu.memory_space<hbm>> -> memref<100000xf32, #tpu.memory_space<hbm>>
      tpu.wait_dma2 semaphore(%arg34 : memref<!tpu.dma_semaphore, #tpu.memory_space<semaphore_mem>>) src(%dma_wait3A_817 : memref<100000xf32, #tpu.memory_space<hbm>>) dst(%arg8 : memref<100000xf32, #tpu.memory_space<vmem_shared>>)
    } else {
    }
    %eq3A_210 = arith.constant 3 : i32
    %eq3A_211 = arith.cmpi eq, %arg1, %eq3A_210 : i32
    %convert_element_type3A_212 = arith.extui %eq3A_211 : i1 to i32
    %cond3A_213 = arith.constant 0 : i32
    %cond3A_214 = arith.cmpi ne, %convert_element_type3A_212, %cond3A_213 : i32
    scf.if %cond3A_214 {
      %add3A_813 = arith.constant 1 : i32
      %add3A_814 = arith.addi %mul3A_0, %add3A_813 : i32
      %dma_wait3A_815 = arith.constant 0 : i32
      %dma_wait3A_816 = tpu.memref_slice %arg4[%add3A_814, %dma_wait3A_815] : memref<26x100000xf32, #tpu.memory_space<hbm>> -> memref<1x100000xf32, #tpu.memory_space<hbm>>
      %dma_wait3A_817 = tpu.memref_squeeze %dma_wait3A_816 : memref<1x100000xf32, #tpu.memory_space<hbm>> -> memref<100000xf32, #tpu.memory_space<hbm>>
      tpu.wait_dma2 semaphore(%arg38 : memref<!tpu.dma_semaphore, #tpu.memory_space<semaphore_mem>>) src(%dma_wait3A_817 : memref<100000xf32, #tpu.memory_space<hbm>>) dst(%arg12 : memref<100000xf32, #tpu.memory_space<vmem_shared>>)
    } else {
    }
    %dma_wait3A_215 = arith.constant 0 : i32
    %dma_wait3A_216 = tpu.memref_slice %arg7[%dma_wait3A_215] : memref<100000xf32, #tpu.memory_space<vmem_shared>> -> memref<100000xf32, #tpu.memory_space<vmem_shared>>
    tpu.wait_indirect_dma semaphore(%arg41 : memref<!tpu.dma_semaphore, #tpu.memory_space<semaphore_mem>>) src(%dma_wait3A_216 : memref<100000xf32, #tpu.memory_space<vmem_shared>>) dst(%arg28 : memref<1024xf32, #tpu.memory_space<vmem>>)
    %dma_wait3A_217 = arith.constant 0 : i32
    %dma_wait3A_218 = tpu.memref_slice %arg11[%dma_wait3A_217] : memref<100000xf32, #tpu.memory_space<vmem_shared>> -> memref<100000xf32, #tpu.memory_space<vmem_shared>>
    tpu.wait_indirect_dma semaphore(%arg43 : memref<!tpu.dma_semaphore, #tpu.memory_space<semaphore_mem>>) src(%dma_wait3A_218 : memref<100000xf32, #tpu.memory_space<vmem_shared>>) dst(%arg30 : memref<1024xf32, #tpu.memory_space<vmem>>)
    %barrier3A_219 = arith.constant 0 : index
    tpu.barrier barrier_id(%barrier3A_219)
    %eq3A_220 = arith.constant 8 : i32
    %eq3A_221 = arith.cmpi eq, %arg1, %eq3A_220 : i32
    %convert_element_type3A_222 = arith.extui %eq3A_221 : i1 to i32
    %cond3A_223 = arith.constant 0 : i32
    %cond3A_224 = arith.cmpi ne, %convert_element_type3A_222, %cond3A_223 : i32
    scf.if %cond3A_224 {
      %add3A_813 = arith.constant 4 : i32
      %add3A_814 = arith.addi %mul3A_0, %add3A_813 : i32
      %dma_start3A_815 = arith.constant 0 : i32
      %dma_start3A_816 = tpu.memref_slice %arg3[%add3A_814, %dma_start3A_815] : memref<26x100000xf32, #tpu.memory_space<hbm>> -> memref<1x100000xf32, #tpu.memory_space<hbm>>
      %dma_start3A_817 = tpu.memref_squeeze %dma_start3A_816 : memref<1x100000xf32, #tpu.memory_space<hbm>> -> memref<100000xf32, #tpu.memory_space<hbm>>
      tpu.enqueue_dma source(%dma_start3A_817 : memref<100000xf32, #tpu.memory_space<hbm>>) target(%arg7 : memref<100000xf32, #tpu.memory_space<vmem_shared>>) target_semaphore(%arg33 : memref<!tpu.dma_semaphore, #tpu.memory_space<semaphore_mem>>)
    } else {
    }
    %eq3A_225 = arith.constant 9 : i32
    %eq3A_226 = arith.cmpi eq, %arg1, %eq3A_225 : i32
    %convert_element_type3A_227 = arith.extui %eq3A_226 : i1 to i32
    %cond3A_228 = arith.constant 0 : i32
    %cond3A_229 = arith.cmpi ne, %convert_element_type3A_227, %cond3A_228 : i32
    scf.if %cond3A_229 {
      %add3A_813 = arith.constant 4 : i32
      %add3A_814 = arith.addi %mul3A_0, %add3A_813 : i32
      %dma_start3A_815 = arith.constant 0 : i32
      %dma_start3A_816 = tpu.memref_slice %arg4[%add3A_814, %dma_start3A_815] : memref<26x100000xf32, #tpu.memory_space<hbm>> -> memref<1x100000xf32, #tpu.memory_space<hbm>>
      %dma_start3A_817 = tpu.memref_squeeze %dma_start3A_816 : memref<1x100000xf32, #tpu.memory_space<hbm>> -> memref<100000xf32, #tpu.memory_space<hbm>>
      tpu.enqueue_dma source(%dma_start3A_817 : memref<100000xf32, #tpu.memory_space<hbm>>) target(%arg11 : memref<100000xf32, #tpu.memory_space<vmem_shared>>) target_semaphore(%arg37 : memref<!tpu.dma_semaphore, #tpu.memory_space<semaphore_mem>>)
    } else {
    }
    %dma_start3A_230 = arith.constant 0 : i32
    %dma_start3A_231 = tpu.memref_slice %arg8[%dma_start3A_230] : memref<100000xf32, #tpu.memory_space<vmem_shared>> -> memref<100000xf32, #tpu.memory_space<vmem_shared>>
    tpu.enqueue_indirect_dma source(%dma_start3A_231 : memref<100000xf32, #tpu.memory_space<vmem_shared>>) target(%arg29 : memref<1024xf32, #tpu.memory_space<vmem>>) offsets(%arg16 : memref<1024xi32, #tpu.memory_space<vmem>>) semaphore(%arg42 : memref<!tpu.dma_semaphore, #tpu.memory_space<semaphore_mem>>)
    %dma_start3A_232 = arith.constant 0 : i32
    %dma_start3A_233 = tpu.memref_slice %arg12[%dma_start3A_232] : memref<100000xf32, #tpu.memory_space<vmem_shared>> -> memref<100000xf32, #tpu.memory_space<vmem_shared>>
    tpu.enqueue_indirect_dma source(%dma_start3A_233 : memref<100000xf32, #tpu.memory_space<vmem_shared>>) target(%arg31 : memref<1024xf32, #tpu.memory_space<vmem>>) offsets(%arg16 : memref<1024xi32, #tpu.memory_space<vmem>>) semaphore(%arg44 : memref<!tpu.dma_semaphore, #tpu.memory_space<semaphore_mem>>)
    %mul3A_234 = arith.constant 1024 : i32
    %mul3A_235 = arith.muli %arg1, %mul3A_234 : i32
    %add3A_236 = arith.constant 0 : i32
    %add3A_237 = arith.addi %mul3A_0, %add3A_236 : i32
    %dma_start3A_238 = tpu.memref_slice %arg5[%add3A_237, %mul3A_235] : memref<26x16384xf32, #tpu.memory_space<hbm>> -> memref<1x1024xf32, #tpu.memory_space<hbm>>
    %dma_start3A_239 = tpu.memref_squeeze %dma_start3A_238 : memref<1x1024xf32, #tpu.memory_space<hbm>> -> memref<1024xf32, #tpu.memory_space<hbm>>
    %dma_start3A_240 = tpu.memref_slice %arg5[%add3A_237, %mul3A_235] : memref<26x16384xf32, #tpu.memory_space<hbm>> -> memref<1x1024xf32, #tpu.memory_space<hbm>>
    %dma_start3A_241 = tpu.memref_squeeze %dma_start3A_240 : memref<1x1024xf32, #tpu.memory_space<hbm>> -> memref<1024xf32, #tpu.memory_space<hbm>>
    tpu.enqueue_dma source(%arg28 : memref<1024xf32, #tpu.memory_space<vmem>>) target(%dma_start3A_241 : memref<1024xf32, #tpu.memory_space<hbm>>) target_semaphore(%arg45 : memref<!tpu.dma_semaphore, #tpu.memory_space<semaphore_mem>>)
    %add3A_242 = arith.constant 0 : i32
    %add3A_243 = arith.addi %mul3A_0, %add3A_242 : i32
    %dma_start3A_244 = tpu.memref_slice %arg6[%add3A_243, %mul3A_235] : memref<26x16384xf32, #tpu.memory_space<hbm>> -> memref<1x1024xf32, #tpu.memory_space<hbm>>
    %dma_start3A_245 = tpu.memref_squeeze %dma_start3A_244 : memref<1x1024xf32, #tpu.memory_space<hbm>> -> memref<1024xf32, #tpu.memory_space<hbm>>
    %dma_start3A_246 = tpu.memref_slice %arg6[%add3A_243, %mul3A_235] : memref<26x16384xf32, #tpu.memory_space<hbm>> -> memref<1x1024xf32, #tpu.memory_space<hbm>>
    %dma_start3A_247 = tpu.memref_squeeze %dma_start3A_246 : memref<1x1024xf32, #tpu.memory_space<hbm>> -> memref<1024xf32, #tpu.memory_space<hbm>>
    tpu.enqueue_dma source(%arg30 : memref<1024xf32, #tpu.memory_space<vmem>>) target(%dma_start3A_247 : memref<1024xf32, #tpu.memory_space<hbm>>) target_semaphore(%arg47 : memref<!tpu.dma_semaphore, #tpu.memory_space<semaphore_mem>>)
    %eq3A_248 = arith.constant 4 : i32
    %eq3A_249 = arith.cmpi eq, %arg1, %eq3A_248 : i32
    %convert_element_type3A_250 = arith.extui %eq3A_249 : i1 to i32
    %cond3A_251 = arith.constant 0 : i32
    %cond3A_252 = arith.cmpi ne, %convert_element_type3A_250, %cond3A_251 : i32
    scf.if %cond3A_252 {
      %add3A_813 = arith.constant 2 : i32
      %add3A_814 = arith.addi %mul3A_0, %add3A_813 : i32
      %dma_wait3A_815 = arith.constant 0 : i32
      %dma_wait3A_816 = tpu.memref_slice %arg3[%add3A_814, %dma_wait3A_815] : memref<26x100000xf32, #tpu.memory_space<hbm>> -> memref<1x100000xf32, #tpu.memory_space<hbm>>
      %dma_wait3A_817 = tpu.memref_squeeze %dma_wait3A_816 : memref<1x100000xf32, #tpu.memory_space<hbm>> -> memref<100000xf32, #tpu.memory_space<hbm>>
      tpu.wait_dma2 semaphore(%arg35 : memref<!tpu.dma_semaphore, #tpu.memory_space<semaphore_mem>>) src(%dma_wait3A_817 : memref<100000xf32, #tpu.memory_space<hbm>>) dst(%arg9 : memref<100000xf32, #tpu.memory_space<vmem_shared>>)
    } else {
    }
    %eq3A_253 = arith.constant 5 : i32
    %eq3A_254 = arith.cmpi eq, %arg1, %eq3A_253 : i32
    %convert_element_type3A_255 = arith.extui %eq3A_254 : i1 to i32
    %cond3A_256 = arith.constant 0 : i32
    %cond3A_257 = arith.cmpi ne, %convert_element_type3A_255, %cond3A_256 : i32
    scf.if %cond3A_257 {
      %add3A_813 = arith.constant 2 : i32
      %add3A_814 = arith.addi %mul3A_0, %add3A_813 : i32
      %dma_wait3A_815 = arith.constant 0 : i32
      %dma_wait3A_816 = tpu.memref_slice %arg4[%add3A_814, %dma_wait3A_815] : memref<26x100000xf32, #tpu.memory_space<hbm>> -> memref<1x100000xf32, #tpu.memory_space<hbm>>
      %dma_wait3A_817 = tpu.memref_squeeze %dma_wait3A_816 : memref<1x100000xf32, #tpu.memory_space<hbm>> -> memref<100000xf32, #tpu.memory_space<hbm>>
      tpu.wait_dma2 semaphore(%arg39 : memref<!tpu.dma_semaphore, #tpu.memory_space<semaphore_mem>>) src(%dma_wait3A_817 : memref<100000xf32, #tpu.memory_space<hbm>>) dst(%arg13 : memref<100000xf32, #tpu.memory_space<vmem_shared>>)
    } else {
    }
    %dma_wait3A_258 = arith.constant 0 : i32
    %dma_wait3A_259 = tpu.memref_slice %arg8[%dma_wait3A_258] : memref<100000xf32, #tpu.memory_space<vmem_shared>> -> memref<100000xf32, #tpu.memory_space<vmem_shared>>
    tpu.wait_indirect_dma semaphore(%arg42 : memref<!tpu.dma_semaphore, #tpu.memory_space<semaphore_mem>>) src(%dma_wait3A_259 : memref<100000xf32, #tpu.memory_space<vmem_shared>>) dst(%arg29 : memref<1024xf32, #tpu.memory_space<vmem>>)
    %dma_wait3A_260 = arith.constant 0 : i32
    %dma_wait3A_261 = tpu.memref_slice %arg12[%dma_wait3A_260] : memref<100000xf32, #tpu.memory_space<vmem_shared>> -> memref<100000xf32, #tpu.memory_space<vmem_shared>>
    tpu.wait_indirect_dma semaphore(%arg44 : memref<!tpu.dma_semaphore, #tpu.memory_space<semaphore_mem>>) src(%dma_wait3A_261 : memref<100000xf32, #tpu.memory_space<vmem_shared>>) dst(%arg31 : memref<1024xf32, #tpu.memory_space<vmem>>)
    %dma_wait3A_262 = tpu.memref_slice %arg5[%add3A_237, %mul3A_235] : memref<26x16384xf32, #tpu.memory_space<hbm>> -> memref<1x1024xf32, #tpu.memory_space<hbm>>
    %dma_wait3A_263 = tpu.memref_squeeze %dma_wait3A_262 : memref<1x1024xf32, #tpu.memory_space<hbm>> -> memref<1024xf32, #tpu.memory_space<hbm>>
    %dma_wait3A_264 = tpu.memref_slice %arg5[%add3A_237, %mul3A_235] : memref<26x16384xf32, #tpu.memory_space<hbm>> -> memref<1x1024xf32, #tpu.memory_space<hbm>>
    %dma_wait3A_265 = tpu.memref_squeeze %dma_wait3A_264 : memref<1x1024xf32, #tpu.memory_space<hbm>> -> memref<1024xf32, #tpu.memory_space<hbm>>
    tpu.wait_dma2 semaphore(%arg45 : memref<!tpu.dma_semaphore, #tpu.memory_space<semaphore_mem>>) src(%arg28 : memref<1024xf32, #tpu.memory_space<vmem>>) dst(%dma_wait3A_265 : memref<1024xf32, #tpu.memory_space<hbm>>)
    %dma_wait3A_266 = tpu.memref_slice %arg6[%add3A_243, %mul3A_235] : memref<26x16384xf32, #tpu.memory_space<hbm>> -> memref<1x1024xf32, #tpu.memory_space<hbm>>
    %dma_wait3A_267 = tpu.memref_squeeze %dma_wait3A_266 : memref<1x1024xf32, #tpu.memory_space<hbm>> -> memref<1024xf32, #tpu.memory_space<hbm>>
    %dma_wait3A_268 = tpu.memref_slice %arg6[%add3A_243, %mul3A_235] : memref<26x16384xf32, #tpu.memory_space<hbm>> -> memref<1x1024xf32, #tpu.memory_space<hbm>>
    %dma_wait3A_269 = tpu.memref_squeeze %dma_wait3A_268 : memref<1x1024xf32, #tpu.memory_space<hbm>> -> memref<1024xf32, #tpu.memory_space<hbm>>
    tpu.wait_dma2 semaphore(%arg47 : memref<!tpu.dma_semaphore, #tpu.memory_space<semaphore_mem>>) src(%arg30 : memref<1024xf32, #tpu.memory_space<vmem>>) dst(%dma_wait3A_269 : memref<1024xf32, #tpu.memory_space<hbm>>)
    %barrier3A_270 = arith.constant 0 : index
    tpu.barrier barrier_id(%barrier3A_270)
    %eq3A_271 = arith.constant 10 : i32
    %eq3A_272 = arith.cmpi eq, %arg1, %eq3A_271 : i32
    %convert_element_type3A_273 = arith.extui %eq3A_272 : i1 to i32
    %cond3A_274 = arith.constant 0 : i32
    %cond3A_275 = arith.cmpi ne, %convert_element_type3A_273, %cond3A_274 : i32
    scf.if %cond3A_275 {
      %add3A_813 = arith.constant 5 : i32
      %add3A_814 = arith.addi %mul3A_0, %add3A_813 : i32
      %dma_start3A_815 = arith.constant 0 : i32
      %dma_start3A_816 = tpu.memref_slice %arg3[%add3A_814, %dma_start3A_815] : memref<26x100000xf32, #tpu.memory_space<hbm>> -> memref<1x100000xf32, #tpu.memory_space<hbm>>
      %dma_start3A_817 = tpu.memref_squeeze %dma_start3A_816 : memref<1x100000xf32, #tpu.memory_space<hbm>> -> memref<100000xf32, #tpu.memory_space<hbm>>
      tpu.enqueue_dma source(%dma_start3A_817 : memref<100000xf32, #tpu.memory_space<hbm>>) target(%arg8 : memref<100000xf32, #tpu.memory_space<vmem_shared>>) target_semaphore(%arg34 : memref<!tpu.dma_semaphore, #tpu.memory_space<semaphore_mem>>)
    } else {
    }
    %eq3A_276 = arith.constant 11 : i32
    %eq3A_277 = arith.cmpi eq, %arg1, %eq3A_276 : i32
    %convert_element_type3A_278 = arith.extui %eq3A_277 : i1 to i32
    %cond3A_279 = arith.constant 0 : i32
    %cond3A_280 = arith.cmpi ne, %convert_element_type3A_278, %cond3A_279 : i32
    scf.if %cond3A_280 {
      %add3A_813 = arith.constant 5 : i32
      %add3A_814 = arith.addi %mul3A_0, %add3A_813 : i32
      %dma_start3A_815 = arith.constant 0 : i32
      %dma_start3A_816 = tpu.memref_slice %arg4[%add3A_814, %dma_start3A_815] : memref<26x100000xf32, #tpu.memory_space<hbm>> -> memref<1x100000xf32, #tpu.memory_space<hbm>>
      %dma_start3A_817 = tpu.memref_squeeze %dma_start3A_816 : memref<1x100000xf32, #tpu.memory_space<hbm>> -> memref<100000xf32, #tpu.memory_space<hbm>>
      tpu.enqueue_dma source(%dma_start3A_817 : memref<100000xf32, #tpu.memory_space<hbm>>) target(%arg12 : memref<100000xf32, #tpu.memory_space<vmem_shared>>) target_semaphore(%arg38 : memref<!tpu.dma_semaphore, #tpu.memory_space<semaphore_mem>>)
    } else {
    }
    %dma_start3A_281 = arith.constant 0 : i32
    %dma_start3A_282 = tpu.memref_slice %arg9[%dma_start3A_281] : memref<100000xf32, #tpu.memory_space<vmem_shared>> -> memref<100000xf32, #tpu.memory_space<vmem_shared>>
    tpu.enqueue_indirect_dma source(%dma_start3A_282 : memref<100000xf32, #tpu.memory_space<vmem_shared>>) target(%arg28 : memref<1024xf32, #tpu.memory_space<vmem>>) offsets(%arg17 : memref<1024xi32, #tpu.memory_space<vmem>>) semaphore(%arg41 : memref<!tpu.dma_semaphore, #tpu.memory_space<semaphore_mem>>)
    %dma_start3A_283 = arith.constant 0 : i32
    %dma_start3A_284 = tpu.memref_slice %arg13[%dma_start3A_283] : memref<100000xf32, #tpu.memory_space<vmem_shared>> -> memref<100000xf32, #tpu.memory_space<vmem_shared>>
    tpu.enqueue_indirect_dma source(%dma_start3A_284 : memref<100000xf32, #tpu.memory_space<vmem_shared>>) target(%arg30 : memref<1024xf32, #tpu.memory_space<vmem>>) offsets(%arg17 : memref<1024xi32, #tpu.memory_space<vmem>>) semaphore(%arg43 : memref<!tpu.dma_semaphore, #tpu.memory_space<semaphore_mem>>)
    %mul3A_285 = arith.constant 1024 : i32
    %mul3A_286 = arith.muli %arg1, %mul3A_285 : i32
    %add3A_287 = arith.constant 1 : i32
    %add3A_288 = arith.addi %mul3A_0, %add3A_287 : i32
    %dma_start3A_289 = tpu.memref_slice %arg5[%add3A_288, %mul3A_286] : memref<26x16384xf32, #tpu.memory_space<hbm>> -> memref<1x1024xf32, #tpu.memory_space<hbm>>
    %dma_start3A_290 = tpu.memref_squeeze %dma_start3A_289 : memref<1x1024xf32, #tpu.memory_space<hbm>> -> memref<1024xf32, #tpu.memory_space<hbm>>
    %dma_start3A_291 = tpu.memref_slice %arg5[%add3A_288, %mul3A_286] : memref<26x16384xf32, #tpu.memory_space<hbm>> -> memref<1x1024xf32, #tpu.memory_space<hbm>>
    %dma_start3A_292 = tpu.memref_squeeze %dma_start3A_291 : memref<1x1024xf32, #tpu.memory_space<hbm>> -> memref<1024xf32, #tpu.memory_space<hbm>>
    tpu.enqueue_dma source(%arg29 : memref<1024xf32, #tpu.memory_space<vmem>>) target(%dma_start3A_292 : memref<1024xf32, #tpu.memory_space<hbm>>) target_semaphore(%arg46 : memref<!tpu.dma_semaphore, #tpu.memory_space<semaphore_mem>>)
    %add3A_293 = arith.constant 1 : i32
    %add3A_294 = arith.addi %mul3A_0, %add3A_293 : i32
    %dma_start3A_295 = tpu.memref_slice %arg6[%add3A_294, %mul3A_286] : memref<26x16384xf32, #tpu.memory_space<hbm>> -> memref<1x1024xf32, #tpu.memory_space<hbm>>
    %dma_start3A_296 = tpu.memref_squeeze %dma_start3A_295 : memref<1x1024xf32, #tpu.memory_space<hbm>> -> memref<1024xf32, #tpu.memory_space<hbm>>
    %dma_start3A_297 = tpu.memref_slice %arg6[%add3A_294, %mul3A_286] : memref<26x16384xf32, #tpu.memory_space<hbm>> -> memref<1x1024xf32, #tpu.memory_space<hbm>>
    %dma_start3A_298 = tpu.memref_squeeze %dma_start3A_297 : memref<1x1024xf32, #tpu.memory_space<hbm>> -> memref<1024xf32, #tpu.memory_space<hbm>>
    tpu.enqueue_dma source(%arg31 : memref<1024xf32, #tpu.memory_space<vmem>>) target(%dma_start3A_298 : memref<1024xf32, #tpu.memory_space<hbm>>) target_semaphore(%arg48 : memref<!tpu.dma_semaphore, #tpu.memory_space<semaphore_mem>>)
    %eq3A_299 = arith.constant 6 : i32
    %eq3A_300 = arith.cmpi eq, %arg1, %eq3A_299 : i32
    %convert_element_type3A_301 = arith.extui %eq3A_300 : i1 to i32
    %cond3A_302 = arith.constant 0 : i32
    %cond3A_303 = arith.cmpi ne, %convert_element_type3A_301, %cond3A_302 : i32
    scf.if %cond3A_303 {
      %add3A_813 = arith.constant 3 : i32
      %add3A_814 = arith.addi %mul3A_0, %add3A_813 : i32
      %dma_wait3A_815 = arith.constant 0 : i32
      %dma_wait3A_816 = tpu.memref_slice %arg3[%add3A_814, %dma_wait3A_815] : memref<26x100000xf32, #tpu.memory_space<hbm>> -> memref<1x100000xf32, #tpu.memory_space<hbm>>
      %dma_wait3A_817 = tpu.memref_squeeze %dma_wait3A_816 : memref<1x100000xf32, #tpu.memory_space<hbm>> -> memref<100000xf32, #tpu.memory_space<hbm>>
      tpu.wait_dma2 semaphore(%arg36 : memref<!tpu.dma_semaphore, #tpu.memory_space<semaphore_mem>>) src(%dma_wait3A_817 : memref<100000xf32, #tpu.memory_space<hbm>>) dst(%arg10 : memref<100000xf32, #tpu.memory_space<vmem_shared>>)
    } else {
    }
    %eq3A_304 = arith.constant 7 : i32
    %eq3A_305 = arith.cmpi eq, %arg1, %eq3A_304 : i32
    %convert_element_type3A_306 = arith.extui %eq3A_305 : i1 to i32
    %cond3A_307 = arith.constant 0 : i32
    %cond3A_308 = arith.cmpi ne, %convert_element_type3A_306, %cond3A_307 : i32
    scf.if %cond3A_308 {
      %add3A_813 = arith.constant 3 : i32
      %add3A_814 = arith.addi %mul3A_0, %add3A_813 : i32
      %dma_wait3A_815 = arith.constant 0 : i32
      %dma_wait3A_816 = tpu.memref_slice %arg4[%add3A_814, %dma_wait3A_815] : memref<26x100000xf32, #tpu.memory_space<hbm>> -> memref<1x100000xf32, #tpu.memory_space<hbm>>
      %dma_wait3A_817 = tpu.memref_squeeze %dma_wait3A_816 : memref<1x100000xf32, #tpu.memory_space<hbm>> -> memref<100000xf32, #tpu.memory_space<hbm>>
      tpu.wait_dma2 semaphore(%arg40 : memref<!tpu.dma_semaphore, #tpu.memory_space<semaphore_mem>>) src(%dma_wait3A_817 : memref<100000xf32, #tpu.memory_space<hbm>>) dst(%arg14 : memref<100000xf32, #tpu.memory_space<vmem_shared>>)
    } else {
    }
    %dma_wait3A_309 = arith.constant 0 : i32
    %dma_wait3A_310 = tpu.memref_slice %arg9[%dma_wait3A_309] : memref<100000xf32, #tpu.memory_space<vmem_shared>> -> memref<100000xf32, #tpu.memory_space<vmem_shared>>
    tpu.wait_indirect_dma semaphore(%arg41 : memref<!tpu.dma_semaphore, #tpu.memory_space<semaphore_mem>>) src(%dma_wait3A_310 : memref<100000xf32, #tpu.memory_space<vmem_shared>>) dst(%arg28 : memref<1024xf32, #tpu.memory_space<vmem>>)
    %dma_wait3A_311 = arith.constant 0 : i32
    %dma_wait3A_312 = tpu.memref_slice %arg13[%dma_wait3A_311] : memref<100000xf32, #tpu.memory_space<vmem_shared>> -> memref<100000xf32, #tpu.memory_space<vmem_shared>>
    tpu.wait_indirect_dma semaphore(%arg43 : memref<!tpu.dma_semaphore, #tpu.memory_space<semaphore_mem>>) src(%dma_wait3A_312 : memref<100000xf32, #tpu.memory_space<vmem_shared>>) dst(%arg30 : memref<1024xf32, #tpu.memory_space<vmem>>)
    %dma_wait3A_313 = tpu.memref_slice %arg5[%add3A_288, %mul3A_286] : memref<26x16384xf32, #tpu.memory_space<hbm>> -> memref<1x1024xf32, #tpu.memory_space<hbm>>
    %dma_wait3A_314 = tpu.memref_squeeze %dma_wait3A_313 : memref<1x1024xf32, #tpu.memory_space<hbm>> -> memref<1024xf32, #tpu.memory_space<hbm>>
    %dma_wait3A_315 = tpu.memref_slice %arg5[%add3A_288, %mul3A_286] : memref<26x16384xf32, #tpu.memory_space<hbm>> -> memref<1x1024xf32, #tpu.memory_space<hbm>>
    %dma_wait3A_316 = tpu.memref_squeeze %dma_wait3A_315 : memref<1x1024xf32, #tpu.memory_space<hbm>> -> memref<1024xf32, #tpu.memory_space<hbm>>
    tpu.wait_dma2 semaphore(%arg46 : memref<!tpu.dma_semaphore, #tpu.memory_space<semaphore_mem>>) src(%arg29 : memref<1024xf32, #tpu.memory_space<vmem>>) dst(%dma_wait3A_316 : memref<1024xf32, #tpu.memory_space<hbm>>)
    %dma_wait3A_317 = tpu.memref_slice %arg6[%add3A_294, %mul3A_286] : memref<26x16384xf32, #tpu.memory_space<hbm>> -> memref<1x1024xf32, #tpu.memory_space<hbm>>
    %dma_wait3A_318 = tpu.memref_squeeze %dma_wait3A_317 : memref<1x1024xf32, #tpu.memory_space<hbm>> -> memref<1024xf32, #tpu.memory_space<hbm>>
    %dma_wait3A_319 = tpu.memref_slice %arg6[%add3A_294, %mul3A_286] : memref<26x16384xf32, #tpu.memory_space<hbm>> -> memref<1x1024xf32, #tpu.memory_space<hbm>>
    %dma_wait3A_320 = tpu.memref_squeeze %dma_wait3A_319 : memref<1x1024xf32, #tpu.memory_space<hbm>> -> memref<1024xf32, #tpu.memory_space<hbm>>
    tpu.wait_dma2 semaphore(%arg48 : memref<!tpu.dma_semaphore, #tpu.memory_space<semaphore_mem>>) src(%arg31 : memref<1024xf32, #tpu.memory_space<vmem>>) dst(%dma_wait3A_320 : memref<1024xf32, #tpu.memory_space<hbm>>)
    %barrier3A_321 = arith.constant 0 : index
    tpu.barrier barrier_id(%barrier3A_321)
    %eq3A_322 = arith.constant 12 : i32
    %eq3A_323 = arith.cmpi eq, %arg1, %eq3A_322 : i32
    %convert_element_type3A_324 = arith.extui %eq3A_323 : i1 to i32
    %cond3A_325 = arith.constant 0 : i32
    %cond3A_326 = arith.cmpi ne, %convert_element_type3A_324, %cond3A_325 : i32
    scf.if %cond3A_326 {
      %add3A_813 = arith.constant 6 : i32
      %add3A_814 = arith.addi %mul3A_0, %add3A_813 : i32
      %dma_start3A_815 = arith.constant 0 : i32
      %dma_start3A_816 = tpu.memref_slice %arg3[%add3A_814, %dma_start3A_815] : memref<26x100000xf32, #tpu.memory_space<hbm>> -> memref<1x100000xf32, #tpu.memory_space<hbm>>
      %dma_start3A_817 = tpu.memref_squeeze %dma_start3A_816 : memref<1x100000xf32, #tpu.memory_space<hbm>> -> memref<100000xf32, #tpu.memory_space<hbm>>
      tpu.enqueue_dma source(%dma_start3A_817 : memref<100000xf32, #tpu.memory_space<hbm>>) target(%arg9 : memref<100000xf32, #tpu.memory_space<vmem_shared>>) target_semaphore(%arg35 : memref<!tpu.dma_semaphore, #tpu.memory_space<semaphore_mem>>)
    } else {
    }
    %eq3A_327 = arith.constant 13 : i32
    %eq3A_328 = arith.cmpi eq, %arg1, %eq3A_327 : i32
    %convert_element_type3A_329 = arith.extui %eq3A_328 : i1 to i32
    %cond3A_330 = arith.constant 0 : i32
    %cond3A_331 = arith.cmpi ne, %convert_element_type3A_329, %cond3A_330 : i32
    scf.if %cond3A_331 {
      %add3A_813 = arith.constant 6 : i32
      %add3A_814 = arith.addi %mul3A_0, %add3A_813 : i32
      %dma_start3A_815 = arith.constant 0 : i32
      %dma_start3A_816 = tpu.memref_slice %arg4[%add3A_814, %dma_start3A_815] : memref<26x100000xf32, #tpu.memory_space<hbm>> -> memref<1x100000xf32, #tpu.memory_space<hbm>>
      %dma_start3A_817 = tpu.memref_squeeze %dma_start3A_816 : memref<1x100000xf32, #tpu.memory_space<hbm>> -> memref<100000xf32, #tpu.memory_space<hbm>>
      tpu.enqueue_dma source(%dma_start3A_817 : memref<100000xf32, #tpu.memory_space<hbm>>) target(%arg13 : memref<100000xf32, #tpu.memory_space<vmem_shared>>) target_semaphore(%arg39 : memref<!tpu.dma_semaphore, #tpu.memory_space<semaphore_mem>>)
    } else {
    }
    %dma_start3A_332 = arith.constant 0 : i32
    %dma_start3A_333 = tpu.memref_slice %arg10[%dma_start3A_332] : memref<100000xf32, #tpu.memory_space<vmem_shared>> -> memref<100000xf32, #tpu.memory_space<vmem_shared>>
    tpu.enqueue_indirect_dma source(%dma_start3A_333 : memref<100000xf32, #tpu.memory_space<vmem_shared>>) target(%arg29 : memref<1024xf32, #tpu.memory_space<vmem>>) offsets(%arg18 : memref<1024xi32, #tpu.memory_space<vmem>>) semaphore(%arg42 : memref<!tpu.dma_semaphore, #tpu.memory_space<semaphore_mem>>)
    %dma_start3A_334 = arith.constant 0 : i32
    %dma_start3A_335 = tpu.memref_slice %arg14[%dma_start3A_334] : memref<100000xf32, #tpu.memory_space<vmem_shared>> -> memref<100000xf32, #tpu.memory_space<vmem_shared>>
    tpu.enqueue_indirect_dma source(%dma_start3A_335 : memref<100000xf32, #tpu.memory_space<vmem_shared>>) target(%arg31 : memref<1024xf32, #tpu.memory_space<vmem>>) offsets(%arg18 : memref<1024xi32, #tpu.memory_space<vmem>>) semaphore(%arg44 : memref<!tpu.dma_semaphore, #tpu.memory_space<semaphore_mem>>)
    %mul3A_336 = arith.constant 1024 : i32
    %mul3A_337 = arith.muli %arg1, %mul3A_336 : i32
    %add3A_338 = arith.constant 2 : i32
    %add3A_339 = arith.addi %mul3A_0, %add3A_338 : i32
    %dma_start3A_340 = tpu.memref_slice %arg5[%add3A_339, %mul3A_337] : memref<26x16384xf32, #tpu.memory_space<hbm>> -> memref<1x1024xf32, #tpu.memory_space<hbm>>
    %dma_start3A_341 = tpu.memref_squeeze %dma_start3A_340 : memref<1x1024xf32, #tpu.memory_space<hbm>> -> memref<1024xf32, #tpu.memory_space<hbm>>
    %dma_start3A_342 = tpu.memref_slice %arg5[%add3A_339, %mul3A_337] : memref<26x16384xf32, #tpu.memory_space<hbm>> -> memref<1x1024xf32, #tpu.memory_space<hbm>>
    %dma_start3A_343 = tpu.memref_squeeze %dma_start3A_342 : memref<1x1024xf32, #tpu.memory_space<hbm>> -> memref<1024xf32, #tpu.memory_space<hbm>>
    tpu.enqueue_dma source(%arg28 : memref<1024xf32, #tpu.memory_space<vmem>>) target(%dma_start3A_343 : memref<1024xf32, #tpu.memory_space<hbm>>) target_semaphore(%arg45 : memref<!tpu.dma_semaphore, #tpu.memory_space<semaphore_mem>>)
    %add3A_344 = arith.constant 2 : i32
    %add3A_345 = arith.addi %mul3A_0, %add3A_344 : i32
    %dma_start3A_346 = tpu.memref_slice %arg6[%add3A_345, %mul3A_337] : memref<26x16384xf32, #tpu.memory_space<hbm>> -> memref<1x1024xf32, #tpu.memory_space<hbm>>
    %dma_start3A_347 = tpu.memref_squeeze %dma_start3A_346 : memref<1x1024xf32, #tpu.memory_space<hbm>> -> memref<1024xf32, #tpu.memory_space<hbm>>
    %dma_start3A_348 = tpu.memref_slice %arg6[%add3A_345, %mul3A_337] : memref<26x16384xf32, #tpu.memory_space<hbm>> -> memref<1x1024xf32, #tpu.memory_space<hbm>>
    %dma_start3A_349 = tpu.memref_squeeze %dma_start3A_348 : memref<1x1024xf32, #tpu.memory_space<hbm>> -> memref<1024xf32, #tpu.memory_space<hbm>>
    tpu.enqueue_dma source(%arg30 : memref<1024xf32, #tpu.memory_space<vmem>>) target(%dma_start3A_349 : memref<1024xf32, #tpu.memory_space<hbm>>) target_semaphore(%arg47 : memref<!tpu.dma_semaphore, #tpu.memory_space<semaphore_mem>>)
    %eq3A_350 = arith.constant 8 : i32
    %eq3A_351 = arith.cmpi eq, %arg1, %eq3A_350 : i32
    %convert_element_type3A_352 = arith.extui %eq3A_351 : i1 to i32
    %cond3A_353 = arith.constant 0 : i32
    %cond3A_354 = arith.cmpi ne, %convert_element_type3A_352, %cond3A_353 : i32
    scf.if %cond3A_354 {
      %add3A_813 = arith.constant 4 : i32
      %add3A_814 = arith.addi %mul3A_0, %add3A_813 : i32
      %dma_wait3A_815 = arith.constant 0 : i32
      %dma_wait3A_816 = tpu.memref_slice %arg3[%add3A_814, %dma_wait3A_815] : memref<26x100000xf32, #tpu.memory_space<hbm>> -> memref<1x100000xf32, #tpu.memory_space<hbm>>
      %dma_wait3A_817 = tpu.memref_squeeze %dma_wait3A_816 : memref<1x100000xf32, #tpu.memory_space<hbm>> -> memref<100000xf32, #tpu.memory_space<hbm>>
      tpu.wait_dma2 semaphore(%arg33 : memref<!tpu.dma_semaphore, #tpu.memory_space<semaphore_mem>>) src(%dma_wait3A_817 : memref<100000xf32, #tpu.memory_space<hbm>>) dst(%arg7 : memref<100000xf32, #tpu.memory_space<vmem_shared>>)
    } else {
    }
    %eq3A_355 = arith.constant 9 : i32
    %eq3A_356 = arith.cmpi eq, %arg1, %eq3A_355 : i32
    %convert_element_type3A_357 = arith.extui %eq3A_356 : i1 to i32
    %cond3A_358 = arith.constant 0 : i32
    %cond3A_359 = arith.cmpi ne, %convert_element_type3A_357, %cond3A_358 : i32
    scf.if %cond3A_359 {
      %add3A_813 = arith.constant 4 : i32
      %add3A_814 = arith.addi %mul3A_0, %add3A_813 : i32
      %dma_wait3A_815 = arith.constant 0 : i32
      %dma_wait3A_816 = tpu.memref_slice %arg4[%add3A_814, %dma_wait3A_815] : memref<26x100000xf32, #tpu.memory_space<hbm>> -> memref<1x100000xf32, #tpu.memory_space<hbm>>
      %dma_wait3A_817 = tpu.memref_squeeze %dma_wait3A_816 : memref<1x100000xf32, #tpu.memory_space<hbm>> -> memref<100000xf32, #tpu.memory_space<hbm>>
      tpu.wait_dma2 semaphore(%arg37 : memref<!tpu.dma_semaphore, #tpu.memory_space<semaphore_mem>>) src(%dma_wait3A_817 : memref<100000xf32, #tpu.memory_space<hbm>>) dst(%arg11 : memref<100000xf32, #tpu.memory_space<vmem_shared>>)
    } else {
    }
    %dma_wait3A_360 = arith.constant 0 : i32
    %dma_wait3A_361 = tpu.memref_slice %arg10[%dma_wait3A_360] : memref<100000xf32, #tpu.memory_space<vmem_shared>> -> memref<100000xf32, #tpu.memory_space<vmem_shared>>
    tpu.wait_indirect_dma semaphore(%arg42 : memref<!tpu.dma_semaphore, #tpu.memory_space<semaphore_mem>>) src(%dma_wait3A_361 : memref<100000xf32, #tpu.memory_space<vmem_shared>>) dst(%arg29 : memref<1024xf32, #tpu.memory_space<vmem>>)
    %dma_wait3A_362 = arith.constant 0 : i32
    %dma_wait3A_363 = tpu.memref_slice %arg14[%dma_wait3A_362] : memref<100000xf32, #tpu.memory_space<vmem_shared>> -> memref<100000xf32, #tpu.memory_space<vmem_shared>>
    tpu.wait_indirect_dma semaphore(%arg44 : memref<!tpu.dma_semaphore, #tpu.memory_space<semaphore_mem>>) src(%dma_wait3A_363 : memref<100000xf32, #tpu.memory_space<vmem_shared>>) dst(%arg31 : memref<1024xf32, #tpu.memory_space<vmem>>)
    %dma_wait3A_364 = tpu.memref_slice %arg5[%add3A_339, %mul3A_337] : memref<26x16384xf32, #tpu.memory_space<hbm>> -> memref<1x1024xf32, #tpu.memory_space<hbm>>
    %dma_wait3A_365 = tpu.memref_squeeze %dma_wait3A_364 : memref<1x1024xf32, #tpu.memory_space<hbm>> -> memref<1024xf32, #tpu.memory_space<hbm>>
    %dma_wait3A_366 = tpu.memref_slice %arg5[%add3A_339, %mul3A_337] : memref<26x16384xf32, #tpu.memory_space<hbm>> -> memref<1x1024xf32, #tpu.memory_space<hbm>>
    %dma_wait3A_367 = tpu.memref_squeeze %dma_wait3A_366 : memref<1x1024xf32, #tpu.memory_space<hbm>> -> memref<1024xf32, #tpu.memory_space<hbm>>
    tpu.wait_dma2 semaphore(%arg45 : memref<!tpu.dma_semaphore, #tpu.memory_space<semaphore_mem>>) src(%arg28 : memref<1024xf32, #tpu.memory_space<vmem>>) dst(%dma_wait3A_367 : memref<1024xf32, #tpu.memory_space<hbm>>)
    %dma_wait3A_368 = tpu.memref_slice %arg6[%add3A_345, %mul3A_337] : memref<26x16384xf32, #tpu.memory_space<hbm>> -> memref<1x1024xf32, #tpu.memory_space<hbm>>
    %dma_wait3A_369 = tpu.memref_squeeze %dma_wait3A_368 : memref<1x1024xf32, #tpu.memory_space<hbm>> -> memref<1024xf32, #tpu.memory_space<hbm>>
    %dma_wait3A_370 = tpu.memref_slice %arg6[%add3A_345, %mul3A_337] : memref<26x16384xf32, #tpu.memory_space<hbm>> -> memref<1x1024xf32, #tpu.memory_space<hbm>>
    %dma_wait3A_371 = tpu.memref_squeeze %dma_wait3A_370 : memref<1x1024xf32, #tpu.memory_space<hbm>> -> memref<1024xf32, #tpu.memory_space<hbm>>
    tpu.wait_dma2 semaphore(%arg47 : memref<!tpu.dma_semaphore, #tpu.memory_space<semaphore_mem>>) src(%arg30 : memref<1024xf32, #tpu.memory_space<vmem>>) dst(%dma_wait3A_371 : memref<1024xf32, #tpu.memory_space<hbm>>)
    %barrier3A_372 = arith.constant 0 : index
    tpu.barrier barrier_id(%barrier3A_372)
    %eq3A_373 = arith.constant 14 : i32
    %eq3A_374 = arith.cmpi eq, %arg1, %eq3A_373 : i32
    %convert_element_type3A_375 = arith.extui %eq3A_374 : i1 to i32
    %cond3A_376 = arith.constant 0 : i32
    %cond3A_377 = arith.cmpi ne, %convert_element_type3A_375, %cond3A_376 : i32
    scf.if %cond3A_377 {
      %add3A_813 = arith.constant 7 : i32
      %add3A_814 = arith.addi %mul3A_0, %add3A_813 : i32
      %dma_start3A_815 = arith.constant 0 : i32
      %dma_start3A_816 = tpu.memref_slice %arg3[%add3A_814, %dma_start3A_815] : memref<26x100000xf32, #tpu.memory_space<hbm>> -> memref<1x100000xf32, #tpu.memory_space<hbm>>
      %dma_start3A_817 = tpu.memref_squeeze %dma_start3A_816 : memref<1x100000xf32, #tpu.memory_space<hbm>> -> memref<100000xf32, #tpu.memory_space<hbm>>
      tpu.enqueue_dma source(%dma_start3A_817 : memref<100000xf32, #tpu.memory_space<hbm>>) target(%arg10 : memref<100000xf32, #tpu.memory_space<vmem_shared>>) target_semaphore(%arg36 : memref<!tpu.dma_semaphore, #tpu.memory_space<semaphore_mem>>)
    } else {
    }
    %eq3A_378 = arith.constant 15 : i32
    %eq3A_379 = arith.cmpi eq, %arg1, %eq3A_378 : i32
    %convert_element_type3A_380 = arith.extui %eq3A_379 : i1 to i32
    %cond3A_381 = arith.constant 0 : i32
    %cond3A_382 = arith.cmpi ne, %convert_element_type3A_380, %cond3A_381 : i32
    scf.if %cond3A_382 {
      %add3A_813 = arith.constant 7 : i32
      %add3A_814 = arith.addi %mul3A_0, %add3A_813 : i32
      %dma_start3A_815 = arith.constant 0 : i32
      %dma_start3A_816 = tpu.memref_slice %arg4[%add3A_814, %dma_start3A_815] : memref<26x100000xf32, #tpu.memory_space<hbm>> -> memref<1x100000xf32, #tpu.memory_space<hbm>>
      %dma_start3A_817 = tpu.memref_squeeze %dma_start3A_816 : memref<1x100000xf32, #tpu.memory_space<hbm>> -> memref<100000xf32, #tpu.memory_space<hbm>>
      tpu.enqueue_dma source(%dma_start3A_817 : memref<100000xf32, #tpu.memory_space<hbm>>) target(%arg14 : memref<100000xf32, #tpu.memory_space<vmem_shared>>) target_semaphore(%arg40 : memref<!tpu.dma_semaphore, #tpu.memory_space<semaphore_mem>>)
    } else {
    }
    %dma_start3A_383 = arith.constant 0 : i32
    %dma_start3A_384 = tpu.memref_slice %arg7[%dma_start3A_383] : memref<100000xf32, #tpu.memory_space<vmem_shared>> -> memref<100000xf32, #tpu.memory_space<vmem_shared>>
    tpu.enqueue_indirect_dma source(%dma_start3A_384 : memref<100000xf32, #tpu.memory_space<vmem_shared>>) target(%arg28 : memref<1024xf32, #tpu.memory_space<vmem>>) offsets(%arg19 : memref<1024xi32, #tpu.memory_space<vmem>>) semaphore(%arg41 : memref<!tpu.dma_semaphore, #tpu.memory_space<semaphore_mem>>)
    %dma_start3A_385 = arith.constant 0 : i32
    %dma_start3A_386 = tpu.memref_slice %arg11[%dma_start3A_385] : memref<100000xf32, #tpu.memory_space<vmem_shared>> -> memref<100000xf32, #tpu.memory_space<vmem_shared>>
    tpu.enqueue_indirect_dma source(%dma_start3A_386 : memref<100000xf32, #tpu.memory_space<vmem_shared>>) target(%arg30 : memref<1024xf32, #tpu.memory_space<vmem>>) offsets(%arg19 : memref<1024xi32, #tpu.memory_space<vmem>>) semaphore(%arg43 : memref<!tpu.dma_semaphore, #tpu.memory_space<semaphore_mem>>)
    %mul3A_387 = arith.constant 1024 : i32
    %mul3A_388 = arith.muli %arg1, %mul3A_387 : i32
    %add3A_389 = arith.constant 3 : i32
    %add3A_390 = arith.addi %mul3A_0, %add3A_389 : i32
    %dma_start3A_391 = tpu.memref_slice %arg5[%add3A_390, %mul3A_388] : memref<26x16384xf32, #tpu.memory_space<hbm>> -> memref<1x1024xf32, #tpu.memory_space<hbm>>
    %dma_start3A_392 = tpu.memref_squeeze %dma_start3A_391 : memref<1x1024xf32, #tpu.memory_space<hbm>> -> memref<1024xf32, #tpu.memory_space<hbm>>
    %dma_start3A_393 = tpu.memref_slice %arg5[%add3A_390, %mul3A_388] : memref<26x16384xf32, #tpu.memory_space<hbm>> -> memref<1x1024xf32, #tpu.memory_space<hbm>>
    %dma_start3A_394 = tpu.memref_squeeze %dma_start3A_393 : memref<1x1024xf32, #tpu.memory_space<hbm>> -> memref<1024xf32, #tpu.memory_space<hbm>>
    tpu.enqueue_dma source(%arg29 : memref<1024xf32, #tpu.memory_space<vmem>>) target(%dma_start3A_394 : memref<1024xf32, #tpu.memory_space<hbm>>) target_semaphore(%arg46 : memref<!tpu.dma_semaphore, #tpu.memory_space<semaphore_mem>>)
    %add3A_395 = arith.constant 3 : i32
    %add3A_396 = arith.addi %mul3A_0, %add3A_395 : i32
    %dma_start3A_397 = tpu.memref_slice %arg6[%add3A_396, %mul3A_388] : memref<26x16384xf32, #tpu.memory_space<hbm>> -> memref<1x1024xf32, #tpu.memory_space<hbm>>
    %dma_start3A_398 = tpu.memref_squeeze %dma_start3A_397 : memref<1x1024xf32, #tpu.memory_space<hbm>> -> memref<1024xf32, #tpu.memory_space<hbm>>
    %dma_start3A_399 = tpu.memref_slice %arg6[%add3A_396, %mul3A_388] : memref<26x16384xf32, #tpu.memory_space<hbm>> -> memref<1x1024xf32, #tpu.memory_space<hbm>>
    %dma_start3A_400 = tpu.memref_squeeze %dma_start3A_399 : memref<1x1024xf32, #tpu.memory_space<hbm>> -> memref<1024xf32, #tpu.memory_space<hbm>>
    tpu.enqueue_dma source(%arg31 : memref<1024xf32, #tpu.memory_space<vmem>>) target(%dma_start3A_400 : memref<1024xf32, #tpu.memory_space<hbm>>) target_semaphore(%arg48 : memref<!tpu.dma_semaphore, #tpu.memory_space<semaphore_mem>>)
    %eq3A_401 = arith.constant 10 : i32
    %eq3A_402 = arith.cmpi eq, %arg1, %eq3A_401 : i32
    %convert_element_type3A_403 = arith.extui %eq3A_402 : i1 to i32
    %cond3A_404 = arith.constant 0 : i32
    %cond3A_405 = arith.cmpi ne, %convert_element_type3A_403, %cond3A_404 : i32
    scf.if %cond3A_405 {
      %add3A_813 = arith.constant 5 : i32
      %add3A_814 = arith.addi %mul3A_0, %add3A_813 : i32
      %dma_wait3A_815 = arith.constant 0 : i32
      %dma_wait3A_816 = tpu.memref_slice %arg3[%add3A_814, %dma_wait3A_815] : memref<26x100000xf32, #tpu.memory_space<hbm>> -> memref<1x100000xf32, #tpu.memory_space<hbm>>
      %dma_wait3A_817 = tpu.memref_squeeze %dma_wait3A_816 : memref<1x100000xf32, #tpu.memory_space<hbm>> -> memref<100000xf32, #tpu.memory_space<hbm>>
      tpu.wait_dma2 semaphore(%arg34 : memref<!tpu.dma_semaphore, #tpu.memory_space<semaphore_mem>>) src(%dma_wait3A_817 : memref<100000xf32, #tpu.memory_space<hbm>>) dst(%arg8 : memref<100000xf32, #tpu.memory_space<vmem_shared>>)
    } else {
    }
    %eq3A_406 = arith.constant 11 : i32
    %eq3A_407 = arith.cmpi eq, %arg1, %eq3A_406 : i32
    %convert_element_type3A_408 = arith.extui %eq3A_407 : i1 to i32
    %cond3A_409 = arith.constant 0 : i32
    %cond3A_410 = arith.cmpi ne, %convert_element_type3A_408, %cond3A_409 : i32
    scf.if %cond3A_410 {
      %add3A_813 = arith.constant 5 : i32
      %add3A_814 = arith.addi %mul3A_0, %add3A_813 : i32
      %dma_wait3A_815 = arith.constant 0 : i32
      %dma_wait3A_816 = tpu.memref_slice %arg4[%add3A_814, %dma_wait3A_815] : memref<26x100000xf32, #tpu.memory_space<hbm>> -> memref<1x100000xf32, #tpu.memory_space<hbm>>
      %dma_wait3A_817 = tpu.memref_squeeze %dma_wait3A_816 : memref<1x100000xf32, #tpu.memory_space<hbm>> -> memref<100000xf32, #tpu.memory_space<hbm>>
      tpu.wait_dma2 semaphore(%arg38 : memref<!tpu.dma_semaphore, #tpu.memory_space<semaphore_mem>>) src(%dma_wait3A_817 : memref<100000xf32, #tpu.memory_space<hbm>>) dst(%arg12 : memref<100000xf32, #tpu.memory_space<vmem_shared>>)
    } else {
    }
    %dma_wait3A_411 = arith.constant 0 : i32
    %dma_wait3A_412 = tpu.memref_slice %arg7[%dma_wait3A_411] : memref<100000xf32, #tpu.memory_space<vmem_shared>> -> memref<100000xf32, #tpu.memory_space<vmem_shared>>
    tpu.wait_indirect_dma semaphore(%arg41 : memref<!tpu.dma_semaphore, #tpu.memory_space<semaphore_mem>>) src(%dma_wait3A_412 : memref<100000xf32, #tpu.memory_space<vmem_shared>>) dst(%arg28 : memref<1024xf32, #tpu.memory_space<vmem>>)
    %dma_wait3A_413 = arith.constant 0 : i32
    %dma_wait3A_414 = tpu.memref_slice %arg11[%dma_wait3A_413] : memref<100000xf32, #tpu.memory_space<vmem_shared>> -> memref<100000xf32, #tpu.memory_space<vmem_shared>>
    tpu.wait_indirect_dma semaphore(%arg43 : memref<!tpu.dma_semaphore, #tpu.memory_space<semaphore_mem>>) src(%dma_wait3A_414 : memref<100000xf32, #tpu.memory_space<vmem_shared>>) dst(%arg30 : memref<1024xf32, #tpu.memory_space<vmem>>)
    %dma_wait3A_415 = tpu.memref_slice %arg5[%add3A_390, %mul3A_388] : memref<26x16384xf32, #tpu.memory_space<hbm>> -> memref<1x1024xf32, #tpu.memory_space<hbm>>
    %dma_wait3A_416 = tpu.memref_squeeze %dma_wait3A_415 : memref<1x1024xf32, #tpu.memory_space<hbm>> -> memref<1024xf32, #tpu.memory_space<hbm>>
    %dma_wait3A_417 = tpu.memref_slice %arg5[%add3A_390, %mul3A_388] : memref<26x16384xf32, #tpu.memory_space<hbm>> -> memref<1x1024xf32, #tpu.memory_space<hbm>>
    %dma_wait3A_418 = tpu.memref_squeeze %dma_wait3A_417 : memref<1x1024xf32, #tpu.memory_space<hbm>> -> memref<1024xf32, #tpu.memory_space<hbm>>
    tpu.wait_dma2 semaphore(%arg46 : memref<!tpu.dma_semaphore, #tpu.memory_space<semaphore_mem>>) src(%arg29 : memref<1024xf32, #tpu.memory_space<vmem>>) dst(%dma_wait3A_418 : memref<1024xf32, #tpu.memory_space<hbm>>)
    %dma_wait3A_419 = tpu.memref_slice %arg6[%add3A_396, %mul3A_388] : memref<26x16384xf32, #tpu.memory_space<hbm>> -> memref<1x1024xf32, #tpu.memory_space<hbm>>
    %dma_wait3A_420 = tpu.memref_squeeze %dma_wait3A_419 : memref<1x1024xf32, #tpu.memory_space<hbm>> -> memref<1024xf32, #tpu.memory_space<hbm>>
    %dma_wait3A_421 = tpu.memref_slice %arg6[%add3A_396, %mul3A_388] : memref<26x16384xf32, #tpu.memory_space<hbm>> -> memref<1x1024xf32, #tpu.memory_space<hbm>>
    %dma_wait3A_422 = tpu.memref_squeeze %dma_wait3A_421 : memref<1x1024xf32, #tpu.memory_space<hbm>> -> memref<1024xf32, #tpu.memory_space<hbm>>
    tpu.wait_dma2 semaphore(%arg48 : memref<!tpu.dma_semaphore, #tpu.memory_space<semaphore_mem>>) src(%arg31 : memref<1024xf32, #tpu.memory_space<vmem>>) dst(%dma_wait3A_422 : memref<1024xf32, #tpu.memory_space<hbm>>)
    %barrier3A_423 = arith.constant 0 : index
    tpu.barrier barrier_id(%barrier3A_423)
    %eq3A_424 = arith.constant 0 : i32
    %eq3A_425 = arith.cmpi eq, %arg1, %eq3A_424 : i32
    %convert_element_type3A_426 = arith.extui %eq3A_425 : i1 to i32
    %cond3A_427 = arith.constant 0 : i32
    %cond3A_428 = arith.cmpi ne, %convert_element_type3A_426, %cond3A_427 : i32
    scf.if %cond3A_428 {
      %add3A_813 = arith.constant 8 : i32
      %add3A_814 = arith.addi %mul3A_0, %add3A_813 : i32
      %dma_start3A_815 = arith.constant 0 : i32
      %dma_start3A_816 = tpu.memref_slice %arg3[%add3A_814, %dma_start3A_815] : memref<26x100000xf32, #tpu.memory_space<hbm>> -> memref<1x100000xf32, #tpu.memory_space<hbm>>
      %dma_start3A_817 = tpu.memref_squeeze %dma_start3A_816 : memref<1x100000xf32, #tpu.memory_space<hbm>> -> memref<100000xf32, #tpu.memory_space<hbm>>
      tpu.enqueue_dma source(%dma_start3A_817 : memref<100000xf32, #tpu.memory_space<hbm>>) target(%arg7 : memref<100000xf32, #tpu.memory_space<vmem_shared>>) target_semaphore(%arg33 : memref<!tpu.dma_semaphore, #tpu.memory_space<semaphore_mem>>)
    } else {
    }
    %eq3A_429 = arith.constant 1 : i32
    %eq3A_430 = arith.cmpi eq, %arg1, %eq3A_429 : i32
    %convert_element_type3A_431 = arith.extui %eq3A_430 : i1 to i32
    %cond3A_432 = arith.constant 0 : i32
    %cond3A_433 = arith.cmpi ne, %convert_element_type3A_431, %cond3A_432 : i32
    scf.if %cond3A_433 {
      %add3A_813 = arith.constant 8 : i32
      %add3A_814 = arith.addi %mul3A_0, %add3A_813 : i32
      %dma_start3A_815 = arith.constant 0 : i32
      %dma_start3A_816 = tpu.memref_slice %arg4[%add3A_814, %dma_start3A_815] : memref<26x100000xf32, #tpu.memory_space<hbm>> -> memref<1x100000xf32, #tpu.memory_space<hbm>>
      %dma_start3A_817 = tpu.memref_squeeze %dma_start3A_816 : memref<1x100000xf32, #tpu.memory_space<hbm>> -> memref<100000xf32, #tpu.memory_space<hbm>>
      tpu.enqueue_dma source(%dma_start3A_817 : memref<100000xf32, #tpu.memory_space<hbm>>) target(%arg11 : memref<100000xf32, #tpu.memory_space<vmem_shared>>) target_semaphore(%arg37 : memref<!tpu.dma_semaphore, #tpu.memory_space<semaphore_mem>>)
    } else {
    }
    %dma_start3A_434 = arith.constant 0 : i32
    %dma_start3A_435 = tpu.memref_slice %arg8[%dma_start3A_434] : memref<100000xf32, #tpu.memory_space<vmem_shared>> -> memref<100000xf32, #tpu.memory_space<vmem_shared>>
    tpu.enqueue_indirect_dma source(%dma_start3A_435 : memref<100000xf32, #tpu.memory_space<vmem_shared>>) target(%arg29 : memref<1024xf32, #tpu.memory_space<vmem>>) offsets(%arg20 : memref<1024xi32, #tpu.memory_space<vmem>>) semaphore(%arg42 : memref<!tpu.dma_semaphore, #tpu.memory_space<semaphore_mem>>)
    %dma_start3A_436 = arith.constant 0 : i32
    %dma_start3A_437 = tpu.memref_slice %arg12[%dma_start3A_436] : memref<100000xf32, #tpu.memory_space<vmem_shared>> -> memref<100000xf32, #tpu.memory_space<vmem_shared>>
    tpu.enqueue_indirect_dma source(%dma_start3A_437 : memref<100000xf32, #tpu.memory_space<vmem_shared>>) target(%arg31 : memref<1024xf32, #tpu.memory_space<vmem>>) offsets(%arg20 : memref<1024xi32, #tpu.memory_space<vmem>>) semaphore(%arg44 : memref<!tpu.dma_semaphore, #tpu.memory_space<semaphore_mem>>)
    %mul3A_438 = arith.constant 1024 : i32
    %mul3A_439 = arith.muli %arg1, %mul3A_438 : i32
    %add3A_440 = arith.constant 4 : i32
    %add3A_441 = arith.addi %mul3A_0, %add3A_440 : i32
    %dma_start3A_442 = tpu.memref_slice %arg5[%add3A_441, %mul3A_439] : memref<26x16384xf32, #tpu.memory_space<hbm>> -> memref<1x1024xf32, #tpu.memory_space<hbm>>
    %dma_start3A_443 = tpu.memref_squeeze %dma_start3A_442 : memref<1x1024xf32, #tpu.memory_space<hbm>> -> memref<1024xf32, #tpu.memory_space<hbm>>
    %dma_start3A_444 = tpu.memref_slice %arg5[%add3A_441, %mul3A_439] : memref<26x16384xf32, #tpu.memory_space<hbm>> -> memref<1x1024xf32, #tpu.memory_space<hbm>>
    %dma_start3A_445 = tpu.memref_squeeze %dma_start3A_444 : memref<1x1024xf32, #tpu.memory_space<hbm>> -> memref<1024xf32, #tpu.memory_space<hbm>>
    tpu.enqueue_dma source(%arg28 : memref<1024xf32, #tpu.memory_space<vmem>>) target(%dma_start3A_445 : memref<1024xf32, #tpu.memory_space<hbm>>) target_semaphore(%arg45 : memref<!tpu.dma_semaphore, #tpu.memory_space<semaphore_mem>>)
    %add3A_446 = arith.constant 4 : i32
    %add3A_447 = arith.addi %mul3A_0, %add3A_446 : i32
    %dma_start3A_448 = tpu.memref_slice %arg6[%add3A_447, %mul3A_439] : memref<26x16384xf32, #tpu.memory_space<hbm>> -> memref<1x1024xf32, #tpu.memory_space<hbm>>
    %dma_start3A_449 = tpu.memref_squeeze %dma_start3A_448 : memref<1x1024xf32, #tpu.memory_space<hbm>> -> memref<1024xf32, #tpu.memory_space<hbm>>
    %dma_start3A_450 = tpu.memref_slice %arg6[%add3A_447, %mul3A_439] : memref<26x16384xf32, #tpu.memory_space<hbm>> -> memref<1x1024xf32, #tpu.memory_space<hbm>>
    %dma_start3A_451 = tpu.memref_squeeze %dma_start3A_450 : memref<1x1024xf32, #tpu.memory_space<hbm>> -> memref<1024xf32, #tpu.memory_space<hbm>>
    tpu.enqueue_dma source(%arg30 : memref<1024xf32, #tpu.memory_space<vmem>>) target(%dma_start3A_451 : memref<1024xf32, #tpu.memory_space<hbm>>) target_semaphore(%arg47 : memref<!tpu.dma_semaphore, #tpu.memory_space<semaphore_mem>>)
    %eq3A_452 = arith.constant 12 : i32
    %eq3A_453 = arith.cmpi eq, %arg1, %eq3A_452 : i32
    %convert_element_type3A_454 = arith.extui %eq3A_453 : i1 to i32
    %cond3A_455 = arith.constant 0 : i32
    %cond3A_456 = arith.cmpi ne, %convert_element_type3A_454, %cond3A_455 : i32
    scf.if %cond3A_456 {
      %add3A_813 = arith.constant 6 : i32
      %add3A_814 = arith.addi %mul3A_0, %add3A_813 : i32
      %dma_wait3A_815 = arith.constant 0 : i32
      %dma_wait3A_816 = tpu.memref_slice %arg3[%add3A_814, %dma_wait3A_815] : memref<26x100000xf32, #tpu.memory_space<hbm>> -> memref<1x100000xf32, #tpu.memory_space<hbm>>
      %dma_wait3A_817 = tpu.memref_squeeze %dma_wait3A_816 : memref<1x100000xf32, #tpu.memory_space<hbm>> -> memref<100000xf32, #tpu.memory_space<hbm>>
      tpu.wait_dma2 semaphore(%arg35 : memref<!tpu.dma_semaphore, #tpu.memory_space<semaphore_mem>>) src(%dma_wait3A_817 : memref<100000xf32, #tpu.memory_space<hbm>>) dst(%arg9 : memref<100000xf32, #tpu.memory_space<vmem_shared>>)
    } else {
    }
    %eq3A_457 = arith.constant 13 : i32
    %eq3A_458 = arith.cmpi eq, %arg1, %eq3A_457 : i32
    %convert_element_type3A_459 = arith.extui %eq3A_458 : i1 to i32
    %cond3A_460 = arith.constant 0 : i32
    %cond3A_461 = arith.cmpi ne, %convert_element_type3A_459, %cond3A_460 : i32
    scf.if %cond3A_461 {
      %add3A_813 = arith.constant 6 : i32
      %add3A_814 = arith.addi %mul3A_0, %add3A_813 : i32
      %dma_wait3A_815 = arith.constant 0 : i32
      %dma_wait3A_816 = tpu.memref_slice %arg4[%add3A_814, %dma_wait3A_815] : memref<26x100000xf32, #tpu.memory_space<hbm>> -> memref<1x100000xf32, #tpu.memory_space<hbm>>
      %dma_wait3A_817 = tpu.memref_squeeze %dma_wait3A_816 : memref<1x100000xf32, #tpu.memory_space<hbm>> -> memref<100000xf32, #tpu.memory_space<hbm>>
      tpu.wait_dma2 semaphore(%arg39 : memref<!tpu.dma_semaphore, #tpu.memory_space<semaphore_mem>>) src(%dma_wait3A_817 : memref<100000xf32, #tpu.memory_space<hbm>>) dst(%arg13 : memref<100000xf32, #tpu.memory_space<vmem_shared>>)
    } else {
    }
    %dma_wait3A_462 = arith.constant 0 : i32
    %dma_wait3A_463 = tpu.memref_slice %arg8[%dma_wait3A_462] : memref<100000xf32, #tpu.memory_space<vmem_shared>> -> memref<100000xf32, #tpu.memory_space<vmem_shared>>
    tpu.wait_indirect_dma semaphore(%arg42 : memref<!tpu.dma_semaphore, #tpu.memory_space<semaphore_mem>>) src(%dma_wait3A_463 : memref<100000xf32, #tpu.memory_space<vmem_shared>>) dst(%arg29 : memref<1024xf32, #tpu.memory_space<vmem>>)
    %dma_wait3A_464 = arith.constant 0 : i32
    %dma_wait3A_465 = tpu.memref_slice %arg12[%dma_wait3A_464] : memref<100000xf32, #tpu.memory_space<vmem_shared>> -> memref<100000xf32, #tpu.memory_space<vmem_shared>>
    tpu.wait_indirect_dma semaphore(%arg44 : memref<!tpu.dma_semaphore, #tpu.memory_space<semaphore_mem>>) src(%dma_wait3A_465 : memref<100000xf32, #tpu.memory_space<vmem_shared>>) dst(%arg31 : memref<1024xf32, #tpu.memory_space<vmem>>)
    %dma_wait3A_466 = tpu.memref_slice %arg5[%add3A_441, %mul3A_439] : memref<26x16384xf32, #tpu.memory_space<hbm>> -> memref<1x1024xf32, #tpu.memory_space<hbm>>
    %dma_wait3A_467 = tpu.memref_squeeze %dma_wait3A_466 : memref<1x1024xf32, #tpu.memory_space<hbm>> -> memref<1024xf32, #tpu.memory_space<hbm>>
    %dma_wait3A_468 = tpu.memref_slice %arg5[%add3A_441, %mul3A_439] : memref<26x16384xf32, #tpu.memory_space<hbm>> -> memref<1x1024xf32, #tpu.memory_space<hbm>>
    %dma_wait3A_469 = tpu.memref_squeeze %dma_wait3A_468 : memref<1x1024xf32, #tpu.memory_space<hbm>> -> memref<1024xf32, #tpu.memory_space<hbm>>
    tpu.wait_dma2 semaphore(%arg45 : memref<!tpu.dma_semaphore, #tpu.memory_space<semaphore_mem>>) src(%arg28 : memref<1024xf32, #tpu.memory_space<vmem>>) dst(%dma_wait3A_469 : memref<1024xf32, #tpu.memory_space<hbm>>)
    %dma_wait3A_470 = tpu.memref_slice %arg6[%add3A_447, %mul3A_439] : memref<26x16384xf32, #tpu.memory_space<hbm>> -> memref<1x1024xf32, #tpu.memory_space<hbm>>
    %dma_wait3A_471 = tpu.memref_squeeze %dma_wait3A_470 : memref<1x1024xf32, #tpu.memory_space<hbm>> -> memref<1024xf32, #tpu.memory_space<hbm>>
    %dma_wait3A_472 = tpu.memref_slice %arg6[%add3A_447, %mul3A_439] : memref<26x16384xf32, #tpu.memory_space<hbm>> -> memref<1x1024xf32, #tpu.memory_space<hbm>>
    %dma_wait3A_473 = tpu.memref_squeeze %dma_wait3A_472 : memref<1x1024xf32, #tpu.memory_space<hbm>> -> memref<1024xf32, #tpu.memory_space<hbm>>
    tpu.wait_dma2 semaphore(%arg47 : memref<!tpu.dma_semaphore, #tpu.memory_space<semaphore_mem>>) src(%arg30 : memref<1024xf32, #tpu.memory_space<vmem>>) dst(%dma_wait3A_473 : memref<1024xf32, #tpu.memory_space<hbm>>)
    %barrier3A_474 = arith.constant 0 : index
    tpu.barrier barrier_id(%barrier3A_474)
    %eq3A_475 = arith.constant 2 : i32
    %eq3A_476 = arith.cmpi eq, %arg1, %eq3A_475 : i32
    %convert_element_type3A_477 = arith.extui %eq3A_476 : i1 to i32
    %cond3A_478 = arith.constant 0 : i32
    %cond3A_479 = arith.cmpi ne, %convert_element_type3A_477, %cond3A_478 : i32
    scf.if %cond3A_479 {
      %add3A_813 = arith.constant 9 : i32
      %add3A_814 = arith.addi %mul3A_0, %add3A_813 : i32
      %dma_start3A_815 = arith.constant 0 : i32
      %dma_start3A_816 = tpu.memref_slice %arg3[%add3A_814, %dma_start3A_815] : memref<26x100000xf32, #tpu.memory_space<hbm>> -> memref<1x100000xf32, #tpu.memory_space<hbm>>
      %dma_start3A_817 = tpu.memref_squeeze %dma_start3A_816 : memref<1x100000xf32, #tpu.memory_space<hbm>> -> memref<100000xf32, #tpu.memory_space<hbm>>
      tpu.enqueue_dma source(%dma_start3A_817 : memref<100000xf32, #tpu.memory_space<hbm>>) target(%arg8 : memref<100000xf32, #tpu.memory_space<vmem_shared>>) target_semaphore(%arg34 : memref<!tpu.dma_semaphore, #tpu.memory_space<semaphore_mem>>)
    } else {
    }
    %eq3A_480 = arith.constant 3 : i32
    %eq3A_481 = arith.cmpi eq, %arg1, %eq3A_480 : i32
    %convert_element_type3A_482 = arith.extui %eq3A_481 : i1 to i32
    %cond3A_483 = arith.constant 0 : i32
    %cond3A_484 = arith.cmpi ne, %convert_element_type3A_482, %cond3A_483 : i32
    scf.if %cond3A_484 {
      %add3A_813 = arith.constant 9 : i32
      %add3A_814 = arith.addi %mul3A_0, %add3A_813 : i32
      %dma_start3A_815 = arith.constant 0 : i32
      %dma_start3A_816 = tpu.memref_slice %arg4[%add3A_814, %dma_start3A_815] : memref<26x100000xf32, #tpu.memory_space<hbm>> -> memref<1x100000xf32, #tpu.memory_space<hbm>>
      %dma_start3A_817 = tpu.memref_squeeze %dma_start3A_816 : memref<1x100000xf32, #tpu.memory_space<hbm>> -> memref<100000xf32, #tpu.memory_space<hbm>>
      tpu.enqueue_dma source(%dma_start3A_817 : memref<100000xf32, #tpu.memory_space<hbm>>) target(%arg12 : memref<100000xf32, #tpu.memory_space<vmem_shared>>) target_semaphore(%arg38 : memref<!tpu.dma_semaphore, #tpu.memory_space<semaphore_mem>>)
    } else {
    }
    %dma_start3A_485 = arith.constant 0 : i32
    %dma_start3A_486 = tpu.memref_slice %arg9[%dma_start3A_485] : memref<100000xf32, #tpu.memory_space<vmem_shared>> -> memref<100000xf32, #tpu.memory_space<vmem_shared>>
    tpu.enqueue_indirect_dma source(%dma_start3A_486 : memref<100000xf32, #tpu.memory_space<vmem_shared>>) target(%arg28 : memref<1024xf32, #tpu.memory_space<vmem>>) offsets(%arg21 : memref<1024xi32, #tpu.memory_space<vmem>>) semaphore(%arg41 : memref<!tpu.dma_semaphore, #tpu.memory_space<semaphore_mem>>)
    %dma_start3A_487 = arith.constant 0 : i32
    %dma_start3A_488 = tpu.memref_slice %arg13[%dma_start3A_487] : memref<100000xf32, #tpu.memory_space<vmem_shared>> -> memref<100000xf32, #tpu.memory_space<vmem_shared>>
    tpu.enqueue_indirect_dma source(%dma_start3A_488 : memref<100000xf32, #tpu.memory_space<vmem_shared>>) target(%arg30 : memref<1024xf32, #tpu.memory_space<vmem>>) offsets(%arg21 : memref<1024xi32, #tpu.memory_space<vmem>>) semaphore(%arg43 : memref<!tpu.dma_semaphore, #tpu.memory_space<semaphore_mem>>)
    %mul3A_489 = arith.constant 1024 : i32
    %mul3A_490 = arith.muli %arg1, %mul3A_489 : i32
    %add3A_491 = arith.constant 5 : i32
    %add3A_492 = arith.addi %mul3A_0, %add3A_491 : i32
    %dma_start3A_493 = tpu.memref_slice %arg5[%add3A_492, %mul3A_490] : memref<26x16384xf32, #tpu.memory_space<hbm>> -> memref<1x1024xf32, #tpu.memory_space<hbm>>
    %dma_start3A_494 = tpu.memref_squeeze %dma_start3A_493 : memref<1x1024xf32, #tpu.memory_space<hbm>> -> memref<1024xf32, #tpu.memory_space<hbm>>
    %dma_start3A_495 = tpu.memref_slice %arg5[%add3A_492, %mul3A_490] : memref<26x16384xf32, #tpu.memory_space<hbm>> -> memref<1x1024xf32, #tpu.memory_space<hbm>>
    %dma_start3A_496 = tpu.memref_squeeze %dma_start3A_495 : memref<1x1024xf32, #tpu.memory_space<hbm>> -> memref<1024xf32, #tpu.memory_space<hbm>>
    tpu.enqueue_dma source(%arg29 : memref<1024xf32, #tpu.memory_space<vmem>>) target(%dma_start3A_496 : memref<1024xf32, #tpu.memory_space<hbm>>) target_semaphore(%arg46 : memref<!tpu.dma_semaphore, #tpu.memory_space<semaphore_mem>>)
    %add3A_497 = arith.constant 5 : i32
    %add3A_498 = arith.addi %mul3A_0, %add3A_497 : i32
    %dma_start3A_499 = tpu.memref_slice %arg6[%add3A_498, %mul3A_490] : memref<26x16384xf32, #tpu.memory_space<hbm>> -> memref<1x1024xf32, #tpu.memory_space<hbm>>
    %dma_start3A_500 = tpu.memref_squeeze %dma_start3A_499 : memref<1x1024xf32, #tpu.memory_space<hbm>> -> memref<1024xf32, #tpu.memory_space<hbm>>
    %dma_start3A_501 = tpu.memref_slice %arg6[%add3A_498, %mul3A_490] : memref<26x16384xf32, #tpu.memory_space<hbm>> -> memref<1x1024xf32, #tpu.memory_space<hbm>>
    %dma_start3A_502 = tpu.memref_squeeze %dma_start3A_501 : memref<1x1024xf32, #tpu.memory_space<hbm>> -> memref<1024xf32, #tpu.memory_space<hbm>>
    tpu.enqueue_dma source(%arg31 : memref<1024xf32, #tpu.memory_space<vmem>>) target(%dma_start3A_502 : memref<1024xf32, #tpu.memory_space<hbm>>) target_semaphore(%arg48 : memref<!tpu.dma_semaphore, #tpu.memory_space<semaphore_mem>>)
    %eq3A_503 = arith.constant 14 : i32
    %eq3A_504 = arith.cmpi eq, %arg1, %eq3A_503 : i32
    %convert_element_type3A_505 = arith.extui %eq3A_504 : i1 to i32
    %cond3A_506 = arith.constant 0 : i32
    %cond3A_507 = arith.cmpi ne, %convert_element_type3A_505, %cond3A_506 : i32
    scf.if %cond3A_507 {
      %add3A_813 = arith.constant 7 : i32
      %add3A_814 = arith.addi %mul3A_0, %add3A_813 : i32
      %dma_wait3A_815 = arith.constant 0 : i32
      %dma_wait3A_816 = tpu.memref_slice %arg3[%add3A_814, %dma_wait3A_815] : memref<26x100000xf32, #tpu.memory_space<hbm>> -> memref<1x100000xf32, #tpu.memory_space<hbm>>
      %dma_wait3A_817 = tpu.memref_squeeze %dma_wait3A_816 : memref<1x100000xf32, #tpu.memory_space<hbm>> -> memref<100000xf32, #tpu.memory_space<hbm>>
      tpu.wait_dma2 semaphore(%arg36 : memref<!tpu.dma_semaphore, #tpu.memory_space<semaphore_mem>>) src(%dma_wait3A_817 : memref<100000xf32, #tpu.memory_space<hbm>>) dst(%arg10 : memref<100000xf32, #tpu.memory_space<vmem_shared>>)
    } else {
    }
    %eq3A_508 = arith.constant 15 : i32
    %eq3A_509 = arith.cmpi eq, %arg1, %eq3A_508 : i32
    %convert_element_type3A_510 = arith.extui %eq3A_509 : i1 to i32
    %cond3A_511 = arith.constant 0 : i32
    %cond3A_512 = arith.cmpi ne, %convert_element_type3A_510, %cond3A_511 : i32
    scf.if %cond3A_512 {
      %add3A_813 = arith.constant 7 : i32
      %add3A_814 = arith.addi %mul3A_0, %add3A_813 : i32
      %dma_wait3A_815 = arith.constant 0 : i32
      %dma_wait3A_816 = tpu.memref_slice %arg4[%add3A_814, %dma_wait3A_815] : memref<26x100000xf32, #tpu.memory_space<hbm>> -> memref<1x100000xf32, #tpu.memory_space<hbm>>
      %dma_wait3A_817 = tpu.memref_squeeze %dma_wait3A_816 : memref<1x100000xf32, #tpu.memory_space<hbm>> -> memref<100000xf32, #tpu.memory_space<hbm>>
      tpu.wait_dma2 semaphore(%arg40 : memref<!tpu.dma_semaphore, #tpu.memory_space<semaphore_mem>>) src(%dma_wait3A_817 : memref<100000xf32, #tpu.memory_space<hbm>>) dst(%arg14 : memref<100000xf32, #tpu.memory_space<vmem_shared>>)
    } else {
    }
    %dma_wait3A_513 = arith.constant 0 : i32
    %dma_wait3A_514 = tpu.memref_slice %arg9[%dma_wait3A_513] : memref<100000xf32, #tpu.memory_space<vmem_shared>> -> memref<100000xf32, #tpu.memory_space<vmem_shared>>
    tpu.wait_indirect_dma semaphore(%arg41 : memref<!tpu.dma_semaphore, #tpu.memory_space<semaphore_mem>>) src(%dma_wait3A_514 : memref<100000xf32, #tpu.memory_space<vmem_shared>>) dst(%arg28 : memref<1024xf32, #tpu.memory_space<vmem>>)
    %dma_wait3A_515 = arith.constant 0 : i32
    %dma_wait3A_516 = tpu.memref_slice %arg13[%dma_wait3A_515] : memref<100000xf32, #tpu.memory_space<vmem_shared>> -> memref<100000xf32, #tpu.memory_space<vmem_shared>>
    tpu.wait_indirect_dma semaphore(%arg43 : memref<!tpu.dma_semaphore, #tpu.memory_space<semaphore_mem>>) src(%dma_wait3A_516 : memref<100000xf32, #tpu.memory_space<vmem_shared>>) dst(%arg30 : memref<1024xf32, #tpu.memory_space<vmem>>)
    %dma_wait3A_517 = tpu.memref_slice %arg5[%add3A_492, %mul3A_490] : memref<26x16384xf32, #tpu.memory_space<hbm>> -> memref<1x1024xf32, #tpu.memory_space<hbm>>
    %dma_wait3A_518 = tpu.memref_squeeze %dma_wait3A_517 : memref<1x1024xf32, #tpu.memory_space<hbm>> -> memref<1024xf32, #tpu.memory_space<hbm>>
    %dma_wait3A_519 = tpu.memref_slice %arg5[%add3A_492, %mul3A_490] : memref<26x16384xf32, #tpu.memory_space<hbm>> -> memref<1x1024xf32, #tpu.memory_space<hbm>>
    %dma_wait3A_520 = tpu.memref_squeeze %dma_wait3A_519 : memref<1x1024xf32, #tpu.memory_space<hbm>> -> memref<1024xf32, #tpu.memory_space<hbm>>
    tpu.wait_dma2 semaphore(%arg46 : memref<!tpu.dma_semaphore, #tpu.memory_space<semaphore_mem>>) src(%arg29 : memref<1024xf32, #tpu.memory_space<vmem>>) dst(%dma_wait3A_520 : memref<1024xf32, #tpu.memory_space<hbm>>)
    %dma_wait3A_521 = tpu.memref_slice %arg6[%add3A_498, %mul3A_490] : memref<26x16384xf32, #tpu.memory_space<hbm>> -> memref<1x1024xf32, #tpu.memory_space<hbm>>
    %dma_wait3A_522 = tpu.memref_squeeze %dma_wait3A_521 : memref<1x1024xf32, #tpu.memory_space<hbm>> -> memref<1024xf32, #tpu.memory_space<hbm>>
    %dma_wait3A_523 = tpu.memref_slice %arg6[%add3A_498, %mul3A_490] : memref<26x16384xf32, #tpu.memory_space<hbm>> -> memref<1x1024xf32, #tpu.memory_space<hbm>>
    %dma_wait3A_524 = tpu.memref_squeeze %dma_wait3A_523 : memref<1x1024xf32, #tpu.memory_space<hbm>> -> memref<1024xf32, #tpu.memory_space<hbm>>
    tpu.wait_dma2 semaphore(%arg48 : memref<!tpu.dma_semaphore, #tpu.memory_space<semaphore_mem>>) src(%arg31 : memref<1024xf32, #tpu.memory_space<vmem>>) dst(%dma_wait3A_524 : memref<1024xf32, #tpu.memory_space<hbm>>)
    %barrier3A_525 = arith.constant 0 : index
    tpu.barrier barrier_id(%barrier3A_525)
    %eq3A_526 = arith.constant 4 : i32
    %eq3A_527 = arith.cmpi eq, %arg1, %eq3A_526 : i32
    %convert_element_type3A_528 = arith.extui %eq3A_527 : i1 to i32
    %cond3A_529 = arith.constant 0 : i32
    %cond3A_530 = arith.cmpi ne, %convert_element_type3A_528, %cond3A_529 : i32
    scf.if %cond3A_530 {
      %add3A_813 = arith.constant 10 : i32
      %add3A_814 = arith.addi %mul3A_0, %add3A_813 : i32
      %dma_start3A_815 = arith.constant 0 : i32
      %dma_start3A_816 = tpu.memref_slice %arg3[%add3A_814, %dma_start3A_815] : memref<26x100000xf32, #tpu.memory_space<hbm>> -> memref<1x100000xf32, #tpu.memory_space<hbm>>
      %dma_start3A_817 = tpu.memref_squeeze %dma_start3A_816 : memref<1x100000xf32, #tpu.memory_space<hbm>> -> memref<100000xf32, #tpu.memory_space<hbm>>
      tpu.enqueue_dma source(%dma_start3A_817 : memref<100000xf32, #tpu.memory_space<hbm>>) target(%arg9 : memref<100000xf32, #tpu.memory_space<vmem_shared>>) target_semaphore(%arg35 : memref<!tpu.dma_semaphore, #tpu.memory_space<semaphore_mem>>)
    } else {
    }
    %eq3A_531 = arith.constant 5 : i32
    %eq3A_532 = arith.cmpi eq, %arg1, %eq3A_531 : i32
    %convert_element_type3A_533 = arith.extui %eq3A_532 : i1 to i32
    %cond3A_534 = arith.constant 0 : i32
    %cond3A_535 = arith.cmpi ne, %convert_element_type3A_533, %cond3A_534 : i32
    scf.if %cond3A_535 {
      %add3A_813 = arith.constant 10 : i32
      %add3A_814 = arith.addi %mul3A_0, %add3A_813 : i32
      %dma_start3A_815 = arith.constant 0 : i32
      %dma_start3A_816 = tpu.memref_slice %arg4[%add3A_814, %dma_start3A_815] : memref<26x100000xf32, #tpu.memory_space<hbm>> -> memref<1x100000xf32, #tpu.memory_space<hbm>>
      %dma_start3A_817 = tpu.memref_squeeze %dma_start3A_816 : memref<1x100000xf32, #tpu.memory_space<hbm>> -> memref<100000xf32, #tpu.memory_space<hbm>>
      tpu.enqueue_dma source(%dma_start3A_817 : memref<100000xf32, #tpu.memory_space<hbm>>) target(%arg13 : memref<100000xf32, #tpu.memory_space<vmem_shared>>) target_semaphore(%arg39 : memref<!tpu.dma_semaphore, #tpu.memory_space<semaphore_mem>>)
    } else {
    }
    %dma_start3A_536 = arith.constant 0 : i32
    %dma_start3A_537 = tpu.memref_slice %arg10[%dma_start3A_536] : memref<100000xf32, #tpu.memory_space<vmem_shared>> -> memref<100000xf32, #tpu.memory_space<vmem_shared>>
    tpu.enqueue_indirect_dma source(%dma_start3A_537 : memref<100000xf32, #tpu.memory_space<vmem_shared>>) target(%arg29 : memref<1024xf32, #tpu.memory_space<vmem>>) offsets(%arg22 : memref<1024xi32, #tpu.memory_space<vmem>>) semaphore(%arg42 : memref<!tpu.dma_semaphore, #tpu.memory_space<semaphore_mem>>)
    %dma_start3A_538 = arith.constant 0 : i32
    %dma_start3A_539 = tpu.memref_slice %arg14[%dma_start3A_538] : memref<100000xf32, #tpu.memory_space<vmem_shared>> -> memref<100000xf32, #tpu.memory_space<vmem_shared>>
    tpu.enqueue_indirect_dma source(%dma_start3A_539 : memref<100000xf32, #tpu.memory_space<vmem_shared>>) target(%arg31 : memref<1024xf32, #tpu.memory_space<vmem>>) offsets(%arg22 : memref<1024xi32, #tpu.memory_space<vmem>>) semaphore(%arg44 : memref<!tpu.dma_semaphore, #tpu.memory_space<semaphore_mem>>)
    %mul3A_540 = arith.constant 1024 : i32
    %mul3A_541 = arith.muli %arg1, %mul3A_540 : i32
    %add3A_542 = arith.constant 6 : i32
    %add3A_543 = arith.addi %mul3A_0, %add3A_542 : i32
    %dma_start3A_544 = tpu.memref_slice %arg5[%add3A_543, %mul3A_541] : memref<26x16384xf32, #tpu.memory_space<hbm>> -> memref<1x1024xf32, #tpu.memory_space<hbm>>
    %dma_start3A_545 = tpu.memref_squeeze %dma_start3A_544 : memref<1x1024xf32, #tpu.memory_space<hbm>> -> memref<1024xf32, #tpu.memory_space<hbm>>
    %dma_start3A_546 = tpu.memref_slice %arg5[%add3A_543, %mul3A_541] : memref<26x16384xf32, #tpu.memory_space<hbm>> -> memref<1x1024xf32, #tpu.memory_space<hbm>>
    %dma_start3A_547 = tpu.memref_squeeze %dma_start3A_546 : memref<1x1024xf32, #tpu.memory_space<hbm>> -> memref<1024xf32, #tpu.memory_space<hbm>>
    tpu.enqueue_dma source(%arg28 : memref<1024xf32, #tpu.memory_space<vmem>>) target(%dma_start3A_547 : memref<1024xf32, #tpu.memory_space<hbm>>) target_semaphore(%arg45 : memref<!tpu.dma_semaphore, #tpu.memory_space<semaphore_mem>>)
    %add3A_548 = arith.constant 6 : i32
    %add3A_549 = arith.addi %mul3A_0, %add3A_548 : i32
    %dma_start3A_550 = tpu.memref_slice %arg6[%add3A_549, %mul3A_541] : memref<26x16384xf32, #tpu.memory_space<hbm>> -> memref<1x1024xf32, #tpu.memory_space<hbm>>
    %dma_start3A_551 = tpu.memref_squeeze %dma_start3A_550 : memref<1x1024xf32, #tpu.memory_space<hbm>> -> memref<1024xf32, #tpu.memory_space<hbm>>
    %dma_start3A_552 = tpu.memref_slice %arg6[%add3A_549, %mul3A_541] : memref<26x16384xf32, #tpu.memory_space<hbm>> -> memref<1x1024xf32, #tpu.memory_space<hbm>>
    %dma_start3A_553 = tpu.memref_squeeze %dma_start3A_552 : memref<1x1024xf32, #tpu.memory_space<hbm>> -> memref<1024xf32, #tpu.memory_space<hbm>>
    tpu.enqueue_dma source(%arg30 : memref<1024xf32, #tpu.memory_space<vmem>>) target(%dma_start3A_553 : memref<1024xf32, #tpu.memory_space<hbm>>) target_semaphore(%arg47 : memref<!tpu.dma_semaphore, #tpu.memory_space<semaphore_mem>>)
    %eq3A_554 = arith.constant 0 : i32
    %eq3A_555 = arith.cmpi eq, %arg1, %eq3A_554 : i32
    %convert_element_type3A_556 = arith.extui %eq3A_555 : i1 to i32
    %cond3A_557 = arith.constant 0 : i32
    %cond3A_558 = arith.cmpi ne, %convert_element_type3A_556, %cond3A_557 : i32
    scf.if %cond3A_558 {
      %add3A_813 = arith.constant 8 : i32
      %add3A_814 = arith.addi %mul3A_0, %add3A_813 : i32
      %dma_wait3A_815 = arith.constant 0 : i32
      %dma_wait3A_816 = tpu.memref_slice %arg3[%add3A_814, %dma_wait3A_815] : memref<26x100000xf32, #tpu.memory_space<hbm>> -> memref<1x100000xf32, #tpu.memory_space<hbm>>
      %dma_wait3A_817 = tpu.memref_squeeze %dma_wait3A_816 : memref<1x100000xf32, #tpu.memory_space<hbm>> -> memref<100000xf32, #tpu.memory_space<hbm>>
      tpu.wait_dma2 semaphore(%arg33 : memref<!tpu.dma_semaphore, #tpu.memory_space<semaphore_mem>>) src(%dma_wait3A_817 : memref<100000xf32, #tpu.memory_space<hbm>>) dst(%arg7 : memref<100000xf32, #tpu.memory_space<vmem_shared>>)
    } else {
    }
    %eq3A_559 = arith.constant 1 : i32
    %eq3A_560 = arith.cmpi eq, %arg1, %eq3A_559 : i32
    %convert_element_type3A_561 = arith.extui %eq3A_560 : i1 to i32
    %cond3A_562 = arith.constant 0 : i32
    %cond3A_563 = arith.cmpi ne, %convert_element_type3A_561, %cond3A_562 : i32
    scf.if %cond3A_563 {
      %add3A_813 = arith.constant 8 : i32
      %add3A_814 = arith.addi %mul3A_0, %add3A_813 : i32
      %dma_wait3A_815 = arith.constant 0 : i32
      %dma_wait3A_816 = tpu.memref_slice %arg4[%add3A_814, %dma_wait3A_815] : memref<26x100000xf32, #tpu.memory_space<hbm>> -> memref<1x100000xf32, #tpu.memory_space<hbm>>
      %dma_wait3A_817 = tpu.memref_squeeze %dma_wait3A_816 : memref<1x100000xf32, #tpu.memory_space<hbm>> -> memref<100000xf32, #tpu.memory_space<hbm>>
      tpu.wait_dma2 semaphore(%arg37 : memref<!tpu.dma_semaphore, #tpu.memory_space<semaphore_mem>>) src(%dma_wait3A_817 : memref<100000xf32, #tpu.memory_space<hbm>>) dst(%arg11 : memref<100000xf32, #tpu.memory_space<vmem_shared>>)
    } else {
    }
    %dma_wait3A_564 = arith.constant 0 : i32
    %dma_wait3A_565 = tpu.memref_slice %arg10[%dma_wait3A_564] : memref<100000xf32, #tpu.memory_space<vmem_shared>> -> memref<100000xf32, #tpu.memory_space<vmem_shared>>
    tpu.wait_indirect_dma semaphore(%arg42 : memref<!tpu.dma_semaphore, #tpu.memory_space<semaphore_mem>>) src(%dma_wait3A_565 : memref<100000xf32, #tpu.memory_space<vmem_shared>>) dst(%arg29 : memref<1024xf32, #tpu.memory_space<vmem>>)
    %dma_wait3A_566 = arith.constant 0 : i32
    %dma_wait3A_567 = tpu.memref_slice %arg14[%dma_wait3A_566] : memref<100000xf32, #tpu.memory_space<vmem_shared>> -> memref<100000xf32, #tpu.memory_space<vmem_shared>>
    tpu.wait_indirect_dma semaphore(%arg44 : memref<!tpu.dma_semaphore, #tpu.memory_space<semaphore_mem>>) src(%dma_wait3A_567 : memref<100000xf32, #tpu.memory_space<vmem_shared>>) dst(%arg31 : memref<1024xf32, #tpu.memory_space<vmem>>)
    %dma_wait3A_568 = tpu.memref_slice %arg5[%add3A_543, %mul3A_541] : memref<26x16384xf32, #tpu.memory_space<hbm>> -> memref<1x1024xf32, #tpu.memory_space<hbm>>
    %dma_wait3A_569 = tpu.memref_squeeze %dma_wait3A_568 : memref<1x1024xf32, #tpu.memory_space<hbm>> -> memref<1024xf32, #tpu.memory_space<hbm>>
    %dma_wait3A_570 = tpu.memref_slice %arg5[%add3A_543, %mul3A_541] : memref<26x16384xf32, #tpu.memory_space<hbm>> -> memref<1x1024xf32, #tpu.memory_space<hbm>>
    %dma_wait3A_571 = tpu.memref_squeeze %dma_wait3A_570 : memref<1x1024xf32, #tpu.memory_space<hbm>> -> memref<1024xf32, #tpu.memory_space<hbm>>
    tpu.wait_dma2 semaphore(%arg45 : memref<!tpu.dma_semaphore, #tpu.memory_space<semaphore_mem>>) src(%arg28 : memref<1024xf32, #tpu.memory_space<vmem>>) dst(%dma_wait3A_571 : memref<1024xf32, #tpu.memory_space<hbm>>)
    %dma_wait3A_572 = tpu.memref_slice %arg6[%add3A_549, %mul3A_541] : memref<26x16384xf32, #tpu.memory_space<hbm>> -> memref<1x1024xf32, #tpu.memory_space<hbm>>
    %dma_wait3A_573 = tpu.memref_squeeze %dma_wait3A_572 : memref<1x1024xf32, #tpu.memory_space<hbm>> -> memref<1024xf32, #tpu.memory_space<hbm>>
    %dma_wait3A_574 = tpu.memref_slice %arg6[%add3A_549, %mul3A_541] : memref<26x16384xf32, #tpu.memory_space<hbm>> -> memref<1x1024xf32, #tpu.memory_space<hbm>>
    %dma_wait3A_575 = tpu.memref_squeeze %dma_wait3A_574 : memref<1x1024xf32, #tpu.memory_space<hbm>> -> memref<1024xf32, #tpu.memory_space<hbm>>
    tpu.wait_dma2 semaphore(%arg47 : memref<!tpu.dma_semaphore, #tpu.memory_space<semaphore_mem>>) src(%arg30 : memref<1024xf32, #tpu.memory_space<vmem>>) dst(%dma_wait3A_575 : memref<1024xf32, #tpu.memory_space<hbm>>)
    %barrier3A_576 = arith.constant 0 : index
    tpu.barrier barrier_id(%barrier3A_576)
    %eq3A_577 = arith.constant 6 : i32
    %eq3A_578 = arith.cmpi eq, %arg1, %eq3A_577 : i32
    %convert_element_type3A_579 = arith.extui %eq3A_578 : i1 to i32
    %cond3A_580 = arith.constant 0 : i32
    %cond3A_581 = arith.cmpi ne, %convert_element_type3A_579, %cond3A_580 : i32
    scf.if %cond3A_581 {
      %add3A_813 = arith.constant 11 : i32
      %add3A_814 = arith.addi %mul3A_0, %add3A_813 : i32
      %dma_start3A_815 = arith.constant 0 : i32
      %dma_start3A_816 = tpu.memref_slice %arg3[%add3A_814, %dma_start3A_815] : memref<26x100000xf32, #tpu.memory_space<hbm>> -> memref<1x100000xf32, #tpu.memory_space<hbm>>
      %dma_start3A_817 = tpu.memref_squeeze %dma_start3A_816 : memref<1x100000xf32, #tpu.memory_space<hbm>> -> memref<100000xf32, #tpu.memory_space<hbm>>
      tpu.enqueue_dma source(%dma_start3A_817 : memref<100000xf32, #tpu.memory_space<hbm>>) target(%arg10 : memref<100000xf32, #tpu.memory_space<vmem_shared>>) target_semaphore(%arg36 : memref<!tpu.dma_semaphore, #tpu.memory_space<semaphore_mem>>)
    } else {
    }
    %eq3A_582 = arith.constant 7 : i32
    %eq3A_583 = arith.cmpi eq, %arg1, %eq3A_582 : i32
    %convert_element_type3A_584 = arith.extui %eq3A_583 : i1 to i32
    %cond3A_585 = arith.constant 0 : i32
    %cond3A_586 = arith.cmpi ne, %convert_element_type3A_584, %cond3A_585 : i32
    scf.if %cond3A_586 {
      %add3A_813 = arith.constant 11 : i32
      %add3A_814 = arith.addi %mul3A_0, %add3A_813 : i32
      %dma_start3A_815 = arith.constant 0 : i32
      %dma_start3A_816 = tpu.memref_slice %arg4[%add3A_814, %dma_start3A_815] : memref<26x100000xf32, #tpu.memory_space<hbm>> -> memref<1x100000xf32, #tpu.memory_space<hbm>>
      %dma_start3A_817 = tpu.memref_squeeze %dma_start3A_816 : memref<1x100000xf32, #tpu.memory_space<hbm>> -> memref<100000xf32, #tpu.memory_space<hbm>>
      tpu.enqueue_dma source(%dma_start3A_817 : memref<100000xf32, #tpu.memory_space<hbm>>) target(%arg14 : memref<100000xf32, #tpu.memory_space<vmem_shared>>) target_semaphore(%arg40 : memref<!tpu.dma_semaphore, #tpu.memory_space<semaphore_mem>>)
    } else {
    }
    %dma_start3A_587 = arith.constant 0 : i32
    %dma_start3A_588 = tpu.memref_slice %arg7[%dma_start3A_587] : memref<100000xf32, #tpu.memory_space<vmem_shared>> -> memref<100000xf32, #tpu.memory_space<vmem_shared>>
    tpu.enqueue_indirect_dma source(%dma_start3A_588 : memref<100000xf32, #tpu.memory_space<vmem_shared>>) target(%arg28 : memref<1024xf32, #tpu.memory_space<vmem>>) offsets(%arg23 : memref<1024xi32, #tpu.memory_space<vmem>>) semaphore(%arg41 : memref<!tpu.dma_semaphore, #tpu.memory_space<semaphore_mem>>)
    %dma_start3A_589 = arith.constant 0 : i32
    %dma_start3A_590 = tpu.memref_slice %arg11[%dma_start3A_589] : memref<100000xf32, #tpu.memory_space<vmem_shared>> -> memref<100000xf32, #tpu.memory_space<vmem_shared>>
    tpu.enqueue_indirect_dma source(%dma_start3A_590 : memref<100000xf32, #tpu.memory_space<vmem_shared>>) target(%arg30 : memref<1024xf32, #tpu.memory_space<vmem>>) offsets(%arg23 : memref<1024xi32, #tpu.memory_space<vmem>>) semaphore(%arg43 : memref<!tpu.dma_semaphore, #tpu.memory_space<semaphore_mem>>)
    %mul3A_591 = arith.constant 1024 : i32
    %mul3A_592 = arith.muli %arg1, %mul3A_591 : i32
    %add3A_593 = arith.constant 7 : i32
    %add3A_594 = arith.addi %mul3A_0, %add3A_593 : i32
    %dma_start3A_595 = tpu.memref_slice %arg5[%add3A_594, %mul3A_592] : memref<26x16384xf32, #tpu.memory_space<hbm>> -> memref<1x1024xf32, #tpu.memory_space<hbm>>
    %dma_start3A_596 = tpu.memref_squeeze %dma_start3A_595 : memref<1x1024xf32, #tpu.memory_space<hbm>> -> memref<1024xf32, #tpu.memory_space<hbm>>
    %dma_start3A_597 = tpu.memref_slice %arg5[%add3A_594, %mul3A_592] : memref<26x16384xf32, #tpu.memory_space<hbm>> -> memref<1x1024xf32, #tpu.memory_space<hbm>>
    %dma_start3A_598 = tpu.memref_squeeze %dma_start3A_597 : memref<1x1024xf32, #tpu.memory_space<hbm>> -> memref<1024xf32, #tpu.memory_space<hbm>>
    tpu.enqueue_dma source(%arg29 : memref<1024xf32, #tpu.memory_space<vmem>>) target(%dma_start3A_598 : memref<1024xf32, #tpu.memory_space<hbm>>) target_semaphore(%arg46 : memref<!tpu.dma_semaphore, #tpu.memory_space<semaphore_mem>>)
    %add3A_599 = arith.constant 7 : i32
    %add3A_600 = arith.addi %mul3A_0, %add3A_599 : i32
    %dma_start3A_601 = tpu.memref_slice %arg6[%add3A_600, %mul3A_592] : memref<26x16384xf32, #tpu.memory_space<hbm>> -> memref<1x1024xf32, #tpu.memory_space<hbm>>
    %dma_start3A_602 = tpu.memref_squeeze %dma_start3A_601 : memref<1x1024xf32, #tpu.memory_space<hbm>> -> memref<1024xf32, #tpu.memory_space<hbm>>
    %dma_start3A_603 = tpu.memref_slice %arg6[%add3A_600, %mul3A_592] : memref<26x16384xf32, #tpu.memory_space<hbm>> -> memref<1x1024xf32, #tpu.memory_space<hbm>>
    %dma_start3A_604 = tpu.memref_squeeze %dma_start3A_603 : memref<1x1024xf32, #tpu.memory_space<hbm>> -> memref<1024xf32, #tpu.memory_space<hbm>>
    tpu.enqueue_dma source(%arg31 : memref<1024xf32, #tpu.memory_space<vmem>>) target(%dma_start3A_604 : memref<1024xf32, #tpu.memory_space<hbm>>) target_semaphore(%arg48 : memref<!tpu.dma_semaphore, #tpu.memory_space<semaphore_mem>>)
    %eq3A_605 = arith.constant 2 : i32
    %eq3A_606 = arith.cmpi eq, %arg1, %eq3A_605 : i32
    %convert_element_type3A_607 = arith.extui %eq3A_606 : i1 to i32
    %cond3A_608 = arith.constant 0 : i32
    %cond3A_609 = arith.cmpi ne, %convert_element_type3A_607, %cond3A_608 : i32
    scf.if %cond3A_609 {
      %add3A_813 = arith.constant 9 : i32
      %add3A_814 = arith.addi %mul3A_0, %add3A_813 : i32
      %dma_wait3A_815 = arith.constant 0 : i32
      %dma_wait3A_816 = tpu.memref_slice %arg3[%add3A_814, %dma_wait3A_815] : memref<26x100000xf32, #tpu.memory_space<hbm>> -> memref<1x100000xf32, #tpu.memory_space<hbm>>
      %dma_wait3A_817 = tpu.memref_squeeze %dma_wait3A_816 : memref<1x100000xf32, #tpu.memory_space<hbm>> -> memref<100000xf32, #tpu.memory_space<hbm>>
      tpu.wait_dma2 semaphore(%arg34 : memref<!tpu.dma_semaphore, #tpu.memory_space<semaphore_mem>>) src(%dma_wait3A_817 : memref<100000xf32, #tpu.memory_space<hbm>>) dst(%arg8 : memref<100000xf32, #tpu.memory_space<vmem_shared>>)
    } else {
    }
    %eq3A_610 = arith.constant 3 : i32
    %eq3A_611 = arith.cmpi eq, %arg1, %eq3A_610 : i32
    %convert_element_type3A_612 = arith.extui %eq3A_611 : i1 to i32
    %cond3A_613 = arith.constant 0 : i32
    %cond3A_614 = arith.cmpi ne, %convert_element_type3A_612, %cond3A_613 : i32
    scf.if %cond3A_614 {
      %add3A_813 = arith.constant 9 : i32
      %add3A_814 = arith.addi %mul3A_0, %add3A_813 : i32
      %dma_wait3A_815 = arith.constant 0 : i32
      %dma_wait3A_816 = tpu.memref_slice %arg4[%add3A_814, %dma_wait3A_815] : memref<26x100000xf32, #tpu.memory_space<hbm>> -> memref<1x100000xf32, #tpu.memory_space<hbm>>
      %dma_wait3A_817 = tpu.memref_squeeze %dma_wait3A_816 : memref<1x100000xf32, #tpu.memory_space<hbm>> -> memref<100000xf32, #tpu.memory_space<hbm>>
      tpu.wait_dma2 semaphore(%arg38 : memref<!tpu.dma_semaphore, #tpu.memory_space<semaphore_mem>>) src(%dma_wait3A_817 : memref<100000xf32, #tpu.memory_space<hbm>>) dst(%arg12 : memref<100000xf32, #tpu.memory_space<vmem_shared>>)
    } else {
    }
    %dma_wait3A_615 = arith.constant 0 : i32
    %dma_wait3A_616 = tpu.memref_slice %arg7[%dma_wait3A_615] : memref<100000xf32, #tpu.memory_space<vmem_shared>> -> memref<100000xf32, #tpu.memory_space<vmem_shared>>
    tpu.wait_indirect_dma semaphore(%arg41 : memref<!tpu.dma_semaphore, #tpu.memory_space<semaphore_mem>>) src(%dma_wait3A_616 : memref<100000xf32, #tpu.memory_space<vmem_shared>>) dst(%arg28 : memref<1024xf32, #tpu.memory_space<vmem>>)
    %dma_wait3A_617 = arith.constant 0 : i32
    %dma_wait3A_618 = tpu.memref_slice %arg11[%dma_wait3A_617] : memref<100000xf32, #tpu.memory_space<vmem_shared>> -> memref<100000xf32, #tpu.memory_space<vmem_shared>>
    tpu.wait_indirect_dma semaphore(%arg43 : memref<!tpu.dma_semaphore, #tpu.memory_space<semaphore_mem>>) src(%dma_wait3A_618 : memref<100000xf32, #tpu.memory_space<vmem_shared>>) dst(%arg30 : memref<1024xf32, #tpu.memory_space<vmem>>)
    %dma_wait3A_619 = tpu.memref_slice %arg5[%add3A_594, %mul3A_592] : memref<26x16384xf32, #tpu.memory_space<hbm>> -> memref<1x1024xf32, #tpu.memory_space<hbm>>
    %dma_wait3A_620 = tpu.memref_squeeze %dma_wait3A_619 : memref<1x1024xf32, #tpu.memory_space<hbm>> -> memref<1024xf32, #tpu.memory_space<hbm>>
    %dma_wait3A_621 = tpu.memref_slice %arg5[%add3A_594, %mul3A_592] : memref<26x16384xf32, #tpu.memory_space<hbm>> -> memref<1x1024xf32, #tpu.memory_space<hbm>>
    %dma_wait3A_622 = tpu.memref_squeeze %dma_wait3A_621 : memref<1x1024xf32, #tpu.memory_space<hbm>> -> memref<1024xf32, #tpu.memory_space<hbm>>
    tpu.wait_dma2 semaphore(%arg46 : memref<!tpu.dma_semaphore, #tpu.memory_space<semaphore_mem>>) src(%arg29 : memref<1024xf32, #tpu.memory_space<vmem>>) dst(%dma_wait3A_622 : memref<1024xf32, #tpu.memory_space<hbm>>)
    %dma_wait3A_623 = tpu.memref_slice %arg6[%add3A_600, %mul3A_592] : memref<26x16384xf32, #tpu.memory_space<hbm>> -> memref<1x1024xf32, #tpu.memory_space<hbm>>
    %dma_wait3A_624 = tpu.memref_squeeze %dma_wait3A_623 : memref<1x1024xf32, #tpu.memory_space<hbm>> -> memref<1024xf32, #tpu.memory_space<hbm>>
    %dma_wait3A_625 = tpu.memref_slice %arg6[%add3A_600, %mul3A_592] : memref<26x16384xf32, #tpu.memory_space<hbm>> -> memref<1x1024xf32, #tpu.memory_space<hbm>>
    %dma_wait3A_626 = tpu.memref_squeeze %dma_wait3A_625 : memref<1x1024xf32, #tpu.memory_space<hbm>> -> memref<1024xf32, #tpu.memory_space<hbm>>
    tpu.wait_dma2 semaphore(%arg48 : memref<!tpu.dma_semaphore, #tpu.memory_space<semaphore_mem>>) src(%arg31 : memref<1024xf32, #tpu.memory_space<vmem>>) dst(%dma_wait3A_626 : memref<1024xf32, #tpu.memory_space<hbm>>)
    %barrier3A_627 = arith.constant 0 : index
    tpu.barrier barrier_id(%barrier3A_627)
    %eq3A_628 = arith.constant 8 : i32
    %eq3A_629 = arith.cmpi eq, %arg1, %eq3A_628 : i32
    %convert_element_type3A_630 = arith.extui %eq3A_629 : i1 to i32
    %cond3A_631 = arith.constant 0 : i32
    %cond3A_632 = arith.cmpi ne, %convert_element_type3A_630, %cond3A_631 : i32
    scf.if %cond3A_632 {
      %add3A_813 = arith.constant 12 : i32
      %add3A_814 = arith.addi %mul3A_0, %add3A_813 : i32
      %dma_start3A_815 = arith.constant 0 : i32
      %dma_start3A_816 = tpu.memref_slice %arg3[%add3A_814, %dma_start3A_815] : memref<26x100000xf32, #tpu.memory_space<hbm>> -> memref<1x100000xf32, #tpu.memory_space<hbm>>
      %dma_start3A_817 = tpu.memref_squeeze %dma_start3A_816 : memref<1x100000xf32, #tpu.memory_space<hbm>> -> memref<100000xf32, #tpu.memory_space<hbm>>
      tpu.enqueue_dma source(%dma_start3A_817 : memref<100000xf32, #tpu.memory_space<hbm>>) target(%arg7 : memref<100000xf32, #tpu.memory_space<vmem_shared>>) target_semaphore(%arg33 : memref<!tpu.dma_semaphore, #tpu.memory_space<semaphore_mem>>)
    } else {
    }
    %eq3A_633 = arith.constant 9 : i32
    %eq3A_634 = arith.cmpi eq, %arg1, %eq3A_633 : i32
    %convert_element_type3A_635 = arith.extui %eq3A_634 : i1 to i32
    %cond3A_636 = arith.constant 0 : i32
    %cond3A_637 = arith.cmpi ne, %convert_element_type3A_635, %cond3A_636 : i32
    scf.if %cond3A_637 {
      %add3A_813 = arith.constant 12 : i32
      %add3A_814 = arith.addi %mul3A_0, %add3A_813 : i32
      %dma_start3A_815 = arith.constant 0 : i32
      %dma_start3A_816 = tpu.memref_slice %arg4[%add3A_814, %dma_start3A_815] : memref<26x100000xf32, #tpu.memory_space<hbm>> -> memref<1x100000xf32, #tpu.memory_space<hbm>>
      %dma_start3A_817 = tpu.memref_squeeze %dma_start3A_816 : memref<1x100000xf32, #tpu.memory_space<hbm>> -> memref<100000xf32, #tpu.memory_space<hbm>>
      tpu.enqueue_dma source(%dma_start3A_817 : memref<100000xf32, #tpu.memory_space<hbm>>) target(%arg11 : memref<100000xf32, #tpu.memory_space<vmem_shared>>) target_semaphore(%arg37 : memref<!tpu.dma_semaphore, #tpu.memory_space<semaphore_mem>>)
    } else {
    }
    %dma_start3A_638 = arith.constant 0 : i32
    %dma_start3A_639 = tpu.memref_slice %arg8[%dma_start3A_638] : memref<100000xf32, #tpu.memory_space<vmem_shared>> -> memref<100000xf32, #tpu.memory_space<vmem_shared>>
    tpu.enqueue_indirect_dma source(%dma_start3A_639 : memref<100000xf32, #tpu.memory_space<vmem_shared>>) target(%arg29 : memref<1024xf32, #tpu.memory_space<vmem>>) offsets(%arg24 : memref<1024xi32, #tpu.memory_space<vmem>>) semaphore(%arg42 : memref<!tpu.dma_semaphore, #tpu.memory_space<semaphore_mem>>)
    %dma_start3A_640 = arith.constant 0 : i32
    %dma_start3A_641 = tpu.memref_slice %arg12[%dma_start3A_640] : memref<100000xf32, #tpu.memory_space<vmem_shared>> -> memref<100000xf32, #tpu.memory_space<vmem_shared>>
    tpu.enqueue_indirect_dma source(%dma_start3A_641 : memref<100000xf32, #tpu.memory_space<vmem_shared>>) target(%arg31 : memref<1024xf32, #tpu.memory_space<vmem>>) offsets(%arg24 : memref<1024xi32, #tpu.memory_space<vmem>>) semaphore(%arg44 : memref<!tpu.dma_semaphore, #tpu.memory_space<semaphore_mem>>)
    %mul3A_642 = arith.constant 1024 : i32
    %mul3A_643 = arith.muli %arg1, %mul3A_642 : i32
    %add3A_644 = arith.constant 8 : i32
    %add3A_645 = arith.addi %mul3A_0, %add3A_644 : i32
    %dma_start3A_646 = tpu.memref_slice %arg5[%add3A_645, %mul3A_643] : memref<26x16384xf32, #tpu.memory_space<hbm>> -> memref<1x1024xf32, #tpu.memory_space<hbm>>
    %dma_start3A_647 = tpu.memref_squeeze %dma_start3A_646 : memref<1x1024xf32, #tpu.memory_space<hbm>> -> memref<1024xf32, #tpu.memory_space<hbm>>
    %dma_start3A_648 = tpu.memref_slice %arg5[%add3A_645, %mul3A_643] : memref<26x16384xf32, #tpu.memory_space<hbm>> -> memref<1x1024xf32, #tpu.memory_space<hbm>>
    %dma_start3A_649 = tpu.memref_squeeze %dma_start3A_648 : memref<1x1024xf32, #tpu.memory_space<hbm>> -> memref<1024xf32, #tpu.memory_space<hbm>>
    tpu.enqueue_dma source(%arg28 : memref<1024xf32, #tpu.memory_space<vmem>>) target(%dma_start3A_649 : memref<1024xf32, #tpu.memory_space<hbm>>) target_semaphore(%arg45 : memref<!tpu.dma_semaphore, #tpu.memory_space<semaphore_mem>>)
    %add3A_650 = arith.constant 8 : i32
    %add3A_651 = arith.addi %mul3A_0, %add3A_650 : i32
    %dma_start3A_652 = tpu.memref_slice %arg6[%add3A_651, %mul3A_643] : memref<26x16384xf32, #tpu.memory_space<hbm>> -> memref<1x1024xf32, #tpu.memory_space<hbm>>
    %dma_start3A_653 = tpu.memref_squeeze %dma_start3A_652 : memref<1x1024xf32, #tpu.memory_space<hbm>> -> memref<1024xf32, #tpu.memory_space<hbm>>
    %dma_start3A_654 = tpu.memref_slice %arg6[%add3A_651, %mul3A_643] : memref<26x16384xf32, #tpu.memory_space<hbm>> -> memref<1x1024xf32, #tpu.memory_space<hbm>>
    %dma_start3A_655 = tpu.memref_squeeze %dma_start3A_654 : memref<1x1024xf32, #tpu.memory_space<hbm>> -> memref<1024xf32, #tpu.memory_space<hbm>>
    tpu.enqueue_dma source(%arg30 : memref<1024xf32, #tpu.memory_space<vmem>>) target(%dma_start3A_655 : memref<1024xf32, #tpu.memory_space<hbm>>) target_semaphore(%arg47 : memref<!tpu.dma_semaphore, #tpu.memory_space<semaphore_mem>>)
    %eq3A_656 = arith.constant 4 : i32
    %eq3A_657 = arith.cmpi eq, %arg1, %eq3A_656 : i32
    %convert_element_type3A_658 = arith.extui %eq3A_657 : i1 to i32
    %cond3A_659 = arith.constant 0 : i32
    %cond3A_660 = arith.cmpi ne, %convert_element_type3A_658, %cond3A_659 : i32
    scf.if %cond3A_660 {
      %add3A_813 = arith.constant 10 : i32
      %add3A_814 = arith.addi %mul3A_0, %add3A_813 : i32
      %dma_wait3A_815 = arith.constant 0 : i32
      %dma_wait3A_816 = tpu.memref_slice %arg3[%add3A_814, %dma_wait3A_815] : memref<26x100000xf32, #tpu.memory_space<hbm>> -> memref<1x100000xf32, #tpu.memory_space<hbm>>
      %dma_wait3A_817 = tpu.memref_squeeze %dma_wait3A_816 : memref<1x100000xf32, #tpu.memory_space<hbm>> -> memref<100000xf32, #tpu.memory_space<hbm>>
      tpu.wait_dma2 semaphore(%arg35 : memref<!tpu.dma_semaphore, #tpu.memory_space<semaphore_mem>>) src(%dma_wait3A_817 : memref<100000xf32, #tpu.memory_space<hbm>>) dst(%arg9 : memref<100000xf32, #tpu.memory_space<vmem_shared>>)
    } else {
    }
    %eq3A_661 = arith.constant 5 : i32
    %eq3A_662 = arith.cmpi eq, %arg1, %eq3A_661 : i32
    %convert_element_type3A_663 = arith.extui %eq3A_662 : i1 to i32
    %cond3A_664 = arith.constant 0 : i32
    %cond3A_665 = arith.cmpi ne, %convert_element_type3A_663, %cond3A_664 : i32
    scf.if %cond3A_665 {
      %add3A_813 = arith.constant 10 : i32
      %add3A_814 = arith.addi %mul3A_0, %add3A_813 : i32
      %dma_wait3A_815 = arith.constant 0 : i32
      %dma_wait3A_816 = tpu.memref_slice %arg4[%add3A_814, %dma_wait3A_815] : memref<26x100000xf32, #tpu.memory_space<hbm>> -> memref<1x100000xf32, #tpu.memory_space<hbm>>
      %dma_wait3A_817 = tpu.memref_squeeze %dma_wait3A_816 : memref<1x100000xf32, #tpu.memory_space<hbm>> -> memref<100000xf32, #tpu.memory_space<hbm>>
      tpu.wait_dma2 semaphore(%arg39 : memref<!tpu.dma_semaphore, #tpu.memory_space<semaphore_mem>>) src(%dma_wait3A_817 : memref<100000xf32, #tpu.memory_space<hbm>>) dst(%arg13 : memref<100000xf32, #tpu.memory_space<vmem_shared>>)
    } else {
    }
    %dma_wait3A_666 = arith.constant 0 : i32
    %dma_wait3A_667 = tpu.memref_slice %arg8[%dma_wait3A_666] : memref<100000xf32, #tpu.memory_space<vmem_shared>> -> memref<100000xf32, #tpu.memory_space<vmem_shared>>
    tpu.wait_indirect_dma semaphore(%arg42 : memref<!tpu.dma_semaphore, #tpu.memory_space<semaphore_mem>>) src(%dma_wait3A_667 : memref<100000xf32, #tpu.memory_space<vmem_shared>>) dst(%arg29 : memref<1024xf32, #tpu.memory_space<vmem>>)
    %dma_wait3A_668 = arith.constant 0 : i32
    %dma_wait3A_669 = tpu.memref_slice %arg12[%dma_wait3A_668] : memref<100000xf32, #tpu.memory_space<vmem_shared>> -> memref<100000xf32, #tpu.memory_space<vmem_shared>>
    tpu.wait_indirect_dma semaphore(%arg44 : memref<!tpu.dma_semaphore, #tpu.memory_space<semaphore_mem>>) src(%dma_wait3A_669 : memref<100000xf32, #tpu.memory_space<vmem_shared>>) dst(%arg31 : memref<1024xf32, #tpu.memory_space<vmem>>)
    %dma_wait3A_670 = tpu.memref_slice %arg5[%add3A_645, %mul3A_643] : memref<26x16384xf32, #tpu.memory_space<hbm>> -> memref<1x1024xf32, #tpu.memory_space<hbm>>
    %dma_wait3A_671 = tpu.memref_squeeze %dma_wait3A_670 : memref<1x1024xf32, #tpu.memory_space<hbm>> -> memref<1024xf32, #tpu.memory_space<hbm>>
    %dma_wait3A_672 = tpu.memref_slice %arg5[%add3A_645, %mul3A_643] : memref<26x16384xf32, #tpu.memory_space<hbm>> -> memref<1x1024xf32, #tpu.memory_space<hbm>>
    %dma_wait3A_673 = tpu.memref_squeeze %dma_wait3A_672 : memref<1x1024xf32, #tpu.memory_space<hbm>> -> memref<1024xf32, #tpu.memory_space<hbm>>
    tpu.wait_dma2 semaphore(%arg45 : memref<!tpu.dma_semaphore, #tpu.memory_space<semaphore_mem>>) src(%arg28 : memref<1024xf32, #tpu.memory_space<vmem>>) dst(%dma_wait3A_673 : memref<1024xf32, #tpu.memory_space<hbm>>)
    %dma_wait3A_674 = tpu.memref_slice %arg6[%add3A_651, %mul3A_643] : memref<26x16384xf32, #tpu.memory_space<hbm>> -> memref<1x1024xf32, #tpu.memory_space<hbm>>
    %dma_wait3A_675 = tpu.memref_squeeze %dma_wait3A_674 : memref<1x1024xf32, #tpu.memory_space<hbm>> -> memref<1024xf32, #tpu.memory_space<hbm>>
    %dma_wait3A_676 = tpu.memref_slice %arg6[%add3A_651, %mul3A_643] : memref<26x16384xf32, #tpu.memory_space<hbm>> -> memref<1x1024xf32, #tpu.memory_space<hbm>>
    %dma_wait3A_677 = tpu.memref_squeeze %dma_wait3A_676 : memref<1x1024xf32, #tpu.memory_space<hbm>> -> memref<1024xf32, #tpu.memory_space<hbm>>
    tpu.wait_dma2 semaphore(%arg47 : memref<!tpu.dma_semaphore, #tpu.memory_space<semaphore_mem>>) src(%arg30 : memref<1024xf32, #tpu.memory_space<vmem>>) dst(%dma_wait3A_677 : memref<1024xf32, #tpu.memory_space<hbm>>)
    %barrier3A_678 = arith.constant 0 : index
    tpu.barrier barrier_id(%barrier3A_678)
    %dma_start3A_679 = arith.constant 0 : i32
    %dma_start3A_680 = tpu.memref_slice %arg9[%dma_start3A_679] : memref<100000xf32, #tpu.memory_space<vmem_shared>> -> memref<100000xf32, #tpu.memory_space<vmem_shared>>
    tpu.enqueue_indirect_dma source(%dma_start3A_680 : memref<100000xf32, #tpu.memory_space<vmem_shared>>) target(%arg28 : memref<1024xf32, #tpu.memory_space<vmem>>) offsets(%arg25 : memref<1024xi32, #tpu.memory_space<vmem>>) semaphore(%arg41 : memref<!tpu.dma_semaphore, #tpu.memory_space<semaphore_mem>>)
    %dma_start3A_681 = arith.constant 0 : i32
    %dma_start3A_682 = tpu.memref_slice %arg13[%dma_start3A_681] : memref<100000xf32, #tpu.memory_space<vmem_shared>> -> memref<100000xf32, #tpu.memory_space<vmem_shared>>
    tpu.enqueue_indirect_dma source(%dma_start3A_682 : memref<100000xf32, #tpu.memory_space<vmem_shared>>) target(%arg30 : memref<1024xf32, #tpu.memory_space<vmem>>) offsets(%arg25 : memref<1024xi32, #tpu.memory_space<vmem>>) semaphore(%arg43 : memref<!tpu.dma_semaphore, #tpu.memory_space<semaphore_mem>>)
    %mul3A_683 = arith.constant 1024 : i32
    %mul3A_684 = arith.muli %arg1, %mul3A_683 : i32
    %add3A_685 = arith.constant 9 : i32
    %add3A_686 = arith.addi %mul3A_0, %add3A_685 : i32
    %dma_start3A_687 = tpu.memref_slice %arg5[%add3A_686, %mul3A_684] : memref<26x16384xf32, #tpu.memory_space<hbm>> -> memref<1x1024xf32, #tpu.memory_space<hbm>>
    %dma_start3A_688 = tpu.memref_squeeze %dma_start3A_687 : memref<1x1024xf32, #tpu.memory_space<hbm>> -> memref<1024xf32, #tpu.memory_space<hbm>>
    %dma_start3A_689 = tpu.memref_slice %arg5[%add3A_686, %mul3A_684] : memref<26x16384xf32, #tpu.memory_space<hbm>> -> memref<1x1024xf32, #tpu.memory_space<hbm>>
    %dma_start3A_690 = tpu.memref_squeeze %dma_start3A_689 : memref<1x1024xf32, #tpu.memory_space<hbm>> -> memref<1024xf32, #tpu.memory_space<hbm>>
    tpu.enqueue_dma source(%arg29 : memref<1024xf32, #tpu.memory_space<vmem>>) target(%dma_start3A_690 : memref<1024xf32, #tpu.memory_space<hbm>>) target_semaphore(%arg46 : memref<!tpu.dma_semaphore, #tpu.memory_space<semaphore_mem>>)
    %add3A_691 = arith.constant 9 : i32
    %add3A_692 = arith.addi %mul3A_0, %add3A_691 : i32
    %dma_start3A_693 = tpu.memref_slice %arg6[%add3A_692, %mul3A_684] : memref<26x16384xf32, #tpu.memory_space<hbm>> -> memref<1x1024xf32, #tpu.memory_space<hbm>>
    %dma_start3A_694 = tpu.memref_squeeze %dma_start3A_693 : memref<1x1024xf32, #tpu.memory_space<hbm>> -> memref<1024xf32, #tpu.memory_space<hbm>>
    %dma_start3A_695 = tpu.memref_slice %arg6[%add3A_692, %mul3A_684] : memref<26x16384xf32, #tpu.memory_space<hbm>> -> memref<1x1024xf32, #tpu.memory_space<hbm>>
    %dma_start3A_696 = tpu.memref_squeeze %dma_start3A_695 : memref<1x1024xf32, #tpu.memory_space<hbm>> -> memref<1024xf32, #tpu.memory_space<hbm>>
    tpu.enqueue_dma source(%arg31 : memref<1024xf32, #tpu.memory_space<vmem>>) target(%dma_start3A_696 : memref<1024xf32, #tpu.memory_space<hbm>>) target_semaphore(%arg48 : memref<!tpu.dma_semaphore, #tpu.memory_space<semaphore_mem>>)
    %eq3A_697 = arith.constant 6 : i32
    %eq3A_698 = arith.cmpi eq, %arg1, %eq3A_697 : i32
    %convert_element_type3A_699 = arith.extui %eq3A_698 : i1 to i32
    %cond3A_700 = arith.constant 0 : i32
    %cond3A_701 = arith.cmpi ne, %convert_element_type3A_699, %cond3A_700 : i32
    scf.if %cond3A_701 {
      %add3A_813 = arith.constant 11 : i32
      %add3A_814 = arith.addi %mul3A_0, %add3A_813 : i32
      %dma_wait3A_815 = arith.constant 0 : i32
      %dma_wait3A_816 = tpu.memref_slice %arg3[%add3A_814, %dma_wait3A_815] : memref<26x100000xf32, #tpu.memory_space<hbm>> -> memref<1x100000xf32, #tpu.memory_space<hbm>>
      %dma_wait3A_817 = tpu.memref_squeeze %dma_wait3A_816 : memref<1x100000xf32, #tpu.memory_space<hbm>> -> memref<100000xf32, #tpu.memory_space<hbm>>
      tpu.wait_dma2 semaphore(%arg36 : memref<!tpu.dma_semaphore, #tpu.memory_space<semaphore_mem>>) src(%dma_wait3A_817 : memref<100000xf32, #tpu.memory_space<hbm>>) dst(%arg10 : memref<100000xf32, #tpu.memory_space<vmem_shared>>)
    } else {
    }
    %eq3A_702 = arith.constant 7 : i32
    %eq3A_703 = arith.cmpi eq, %arg1, %eq3A_702 : i32
    %convert_element_type3A_704 = arith.extui %eq3A_703 : i1 to i32
    %cond3A_705 = arith.constant 0 : i32
    %cond3A_706 = arith.cmpi ne, %convert_element_type3A_704, %cond3A_705 : i32
    scf.if %cond3A_706 {
      %add3A_813 = arith.constant 11 : i32
      %add3A_814 = arith.addi %mul3A_0, %add3A_813 : i32
      %dma_wait3A_815 = arith.constant 0 : i32
      %dma_wait3A_816 = tpu.memref_slice %arg4[%add3A_814, %dma_wait3A_815] : memref<26x100000xf32, #tpu.memory_space<hbm>> -> memref<1x100000xf32, #tpu.memory_space<hbm>>
      %dma_wait3A_817 = tpu.memref_squeeze %dma_wait3A_816 : memref<1x100000xf32, #tpu.memory_space<hbm>> -> memref<100000xf32, #tpu.memory_space<hbm>>
      tpu.wait_dma2 semaphore(%arg40 : memref<!tpu.dma_semaphore, #tpu.memory_space<semaphore_mem>>) src(%dma_wait3A_817 : memref<100000xf32, #tpu.memory_space<hbm>>) dst(%arg14 : memref<100000xf32, #tpu.memory_space<vmem_shared>>)
    } else {
    }
    %dma_wait3A_707 = arith.constant 0 : i32
    %dma_wait3A_708 = tpu.memref_slice %arg9[%dma_wait3A_707] : memref<100000xf32, #tpu.memory_space<vmem_shared>> -> memref<100000xf32, #tpu.memory_space<vmem_shared>>
    tpu.wait_indirect_dma semaphore(%arg41 : memref<!tpu.dma_semaphore, #tpu.memory_space<semaphore_mem>>) src(%dma_wait3A_708 : memref<100000xf32, #tpu.memory_space<vmem_shared>>) dst(%arg28 : memref<1024xf32, #tpu.memory_space<vmem>>)
    %dma_wait3A_709 = arith.constant 0 : i32
    %dma_wait3A_710 = tpu.memref_slice %arg13[%dma_wait3A_709] : memref<100000xf32, #tpu.memory_space<vmem_shared>> -> memref<100000xf32, #tpu.memory_space<vmem_shared>>
    tpu.wait_indirect_dma semaphore(%arg43 : memref<!tpu.dma_semaphore, #tpu.memory_space<semaphore_mem>>) src(%dma_wait3A_710 : memref<100000xf32, #tpu.memory_space<vmem_shared>>) dst(%arg30 : memref<1024xf32, #tpu.memory_space<vmem>>)
    %dma_wait3A_711 = tpu.memref_slice %arg5[%add3A_686, %mul3A_684] : memref<26x16384xf32, #tpu.memory_space<hbm>> -> memref<1x1024xf32, #tpu.memory_space<hbm>>
    %dma_wait3A_712 = tpu.memref_squeeze %dma_wait3A_711 : memref<1x1024xf32, #tpu.memory_space<hbm>> -> memref<1024xf32, #tpu.memory_space<hbm>>
    %dma_wait3A_713 = tpu.memref_slice %arg5[%add3A_686, %mul3A_684] : memref<26x16384xf32, #tpu.memory_space<hbm>> -> memref<1x1024xf32, #tpu.memory_space<hbm>>
    %dma_wait3A_714 = tpu.memref_squeeze %dma_wait3A_713 : memref<1x1024xf32, #tpu.memory_space<hbm>> -> memref<1024xf32, #tpu.memory_space<hbm>>
    tpu.wait_dma2 semaphore(%arg46 : memref<!tpu.dma_semaphore, #tpu.memory_space<semaphore_mem>>) src(%arg29 : memref<1024xf32, #tpu.memory_space<vmem>>) dst(%dma_wait3A_714 : memref<1024xf32, #tpu.memory_space<hbm>>)
    %dma_wait3A_715 = tpu.memref_slice %arg6[%add3A_692, %mul3A_684] : memref<26x16384xf32, #tpu.memory_space<hbm>> -> memref<1x1024xf32, #tpu.memory_space<hbm>>
    %dma_wait3A_716 = tpu.memref_squeeze %dma_wait3A_715 : memref<1x1024xf32, #tpu.memory_space<hbm>> -> memref<1024xf32, #tpu.memory_space<hbm>>
    %dma_wait3A_717 = tpu.memref_slice %arg6[%add3A_692, %mul3A_684] : memref<26x16384xf32, #tpu.memory_space<hbm>> -> memref<1x1024xf32, #tpu.memory_space<hbm>>
    %dma_wait3A_718 = tpu.memref_squeeze %dma_wait3A_717 : memref<1x1024xf32, #tpu.memory_space<hbm>> -> memref<1024xf32, #tpu.memory_space<hbm>>
    tpu.wait_dma2 semaphore(%arg48 : memref<!tpu.dma_semaphore, #tpu.memory_space<semaphore_mem>>) src(%arg31 : memref<1024xf32, #tpu.memory_space<vmem>>) dst(%dma_wait3A_718 : memref<1024xf32, #tpu.memory_space<hbm>>)
    %barrier3A_719 = arith.constant 0 : index
    tpu.barrier barrier_id(%barrier3A_719)
    %dma_start3A_720 = arith.constant 0 : i32
    %dma_start3A_721 = tpu.memref_slice %arg10[%dma_start3A_720] : memref<100000xf32, #tpu.memory_space<vmem_shared>> -> memref<100000xf32, #tpu.memory_space<vmem_shared>>
    tpu.enqueue_indirect_dma source(%dma_start3A_721 : memref<100000xf32, #tpu.memory_space<vmem_shared>>) target(%arg29 : memref<1024xf32, #tpu.memory_space<vmem>>) offsets(%arg26 : memref<1024xi32, #tpu.memory_space<vmem>>) semaphore(%arg42 : memref<!tpu.dma_semaphore, #tpu.memory_space<semaphore_mem>>)
    %dma_start3A_722 = arith.constant 0 : i32
    %dma_start3A_723 = tpu.memref_slice %arg14[%dma_start3A_722] : memref<100000xf32, #tpu.memory_space<vmem_shared>> -> memref<100000xf32, #tpu.memory_space<vmem_shared>>
    tpu.enqueue_indirect_dma source(%dma_start3A_723 : memref<100000xf32, #tpu.memory_space<vmem_shared>>) target(%arg31 : memref<1024xf32, #tpu.memory_space<vmem>>) offsets(%arg26 : memref<1024xi32, #tpu.memory_space<vmem>>) semaphore(%arg44 : memref<!tpu.dma_semaphore, #tpu.memory_space<semaphore_mem>>)
    %mul3A_724 = arith.constant 1024 : i32
    %mul3A_725 = arith.muli %arg1, %mul3A_724 : i32
    %add3A_726 = arith.constant 10 : i32
    %add3A_727 = arith.addi %mul3A_0, %add3A_726 : i32
    %dma_start3A_728 = tpu.memref_slice %arg5[%add3A_727, %mul3A_725] : memref<26x16384xf32, #tpu.memory_space<hbm>> -> memref<1x1024xf32, #tpu.memory_space<hbm>>
    %dma_start3A_729 = tpu.memref_squeeze %dma_start3A_728 : memref<1x1024xf32, #tpu.memory_space<hbm>> -> memref<1024xf32, #tpu.memory_space<hbm>>
    %dma_start3A_730 = tpu.memref_slice %arg5[%add3A_727, %mul3A_725] : memref<26x16384xf32, #tpu.memory_space<hbm>> -> memref<1x1024xf32, #tpu.memory_space<hbm>>
    %dma_start3A_731 = tpu.memref_squeeze %dma_start3A_730 : memref<1x1024xf32, #tpu.memory_space<hbm>> -> memref<1024xf32, #tpu.memory_space<hbm>>
    tpu.enqueue_dma source(%arg28 : memref<1024xf32, #tpu.memory_space<vmem>>) target(%dma_start3A_731 : memref<1024xf32, #tpu.memory_space<hbm>>) target_semaphore(%arg45 : memref<!tpu.dma_semaphore, #tpu.memory_space<semaphore_mem>>)
    %add3A_732 = arith.constant 10 : i32
    %add3A_733 = arith.addi %mul3A_0, %add3A_732 : i32
    %dma_start3A_734 = tpu.memref_slice %arg6[%add3A_733, %mul3A_725] : memref<26x16384xf32, #tpu.memory_space<hbm>> -> memref<1x1024xf32, #tpu.memory_space<hbm>>
    %dma_start3A_735 = tpu.memref_squeeze %dma_start3A_734 : memref<1x1024xf32, #tpu.memory_space<hbm>> -> memref<1024xf32, #tpu.memory_space<hbm>>
    %dma_start3A_736 = tpu.memref_slice %arg6[%add3A_733, %mul3A_725] : memref<26x16384xf32, #tpu.memory_space<hbm>> -> memref<1x1024xf32, #tpu.memory_space<hbm>>
    %dma_start3A_737 = tpu.memref_squeeze %dma_start3A_736 : memref<1x1024xf32, #tpu.memory_space<hbm>> -> memref<1024xf32, #tpu.memory_space<hbm>>
    tpu.enqueue_dma source(%arg30 : memref<1024xf32, #tpu.memory_space<vmem>>) target(%dma_start3A_737 : memref<1024xf32, #tpu.memory_space<hbm>>) target_semaphore(%arg47 : memref<!tpu.dma_semaphore, #tpu.memory_space<semaphore_mem>>)
    %eq3A_738 = arith.constant 8 : i32
    %eq3A_739 = arith.cmpi eq, %arg1, %eq3A_738 : i32
    %convert_element_type3A_740 = arith.extui %eq3A_739 : i1 to i32
    %cond3A_741 = arith.constant 0 : i32
    %cond3A_742 = arith.cmpi ne, %convert_element_type3A_740, %cond3A_741 : i32
    scf.if %cond3A_742 {
      %add3A_813 = arith.constant 12 : i32
      %add3A_814 = arith.addi %mul3A_0, %add3A_813 : i32
      %dma_wait3A_815 = arith.constant 0 : i32
      %dma_wait3A_816 = tpu.memref_slice %arg3[%add3A_814, %dma_wait3A_815] : memref<26x100000xf32, #tpu.memory_space<hbm>> -> memref<1x100000xf32, #tpu.memory_space<hbm>>
      %dma_wait3A_817 = tpu.memref_squeeze %dma_wait3A_816 : memref<1x100000xf32, #tpu.memory_space<hbm>> -> memref<100000xf32, #tpu.memory_space<hbm>>
      tpu.wait_dma2 semaphore(%arg33 : memref<!tpu.dma_semaphore, #tpu.memory_space<semaphore_mem>>) src(%dma_wait3A_817 : memref<100000xf32, #tpu.memory_space<hbm>>) dst(%arg7 : memref<100000xf32, #tpu.memory_space<vmem_shared>>)
    } else {
    }
    %eq3A_743 = arith.constant 9 : i32
    %eq3A_744 = arith.cmpi eq, %arg1, %eq3A_743 : i32
    %convert_element_type3A_745 = arith.extui %eq3A_744 : i1 to i32
    %cond3A_746 = arith.constant 0 : i32
    %cond3A_747 = arith.cmpi ne, %convert_element_type3A_745, %cond3A_746 : i32
    scf.if %cond3A_747 {
      %add3A_813 = arith.constant 12 : i32
      %add3A_814 = arith.addi %mul3A_0, %add3A_813 : i32
      %dma_wait3A_815 = arith.constant 0 : i32
      %dma_wait3A_816 = tpu.memref_slice %arg4[%add3A_814, %dma_wait3A_815] : memref<26x100000xf32, #tpu.memory_space<hbm>> -> memref<1x100000xf32, #tpu.memory_space<hbm>>
      %dma_wait3A_817 = tpu.memref_squeeze %dma_wait3A_816 : memref<1x100000xf32, #tpu.memory_space<hbm>> -> memref<100000xf32, #tpu.memory_space<hbm>>
      tpu.wait_dma2 semaphore(%arg37 : memref<!tpu.dma_semaphore, #tpu.memory_space<semaphore_mem>>) src(%dma_wait3A_817 : memref<100000xf32, #tpu.memory_space<hbm>>) dst(%arg11 : memref<100000xf32, #tpu.memory_space<vmem_shared>>)
    } else {
    }
    %dma_wait3A_748 = arith.constant 0 : i32
    %dma_wait3A_749 = tpu.memref_slice %arg10[%dma_wait3A_748] : memref<100000xf32, #tpu.memory_space<vmem_shared>> -> memref<100000xf32, #tpu.memory_space<vmem_shared>>
    tpu.wait_indirect_dma semaphore(%arg42 : memref<!tpu.dma_semaphore, #tpu.memory_space<semaphore_mem>>) src(%dma_wait3A_749 : memref<100000xf32, #tpu.memory_space<vmem_shared>>) dst(%arg29 : memref<1024xf32, #tpu.memory_space<vmem>>)
    %dma_wait3A_750 = arith.constant 0 : i32
    %dma_wait3A_751 = tpu.memref_slice %arg14[%dma_wait3A_750] : memref<100000xf32, #tpu.memory_space<vmem_shared>> -> memref<100000xf32, #tpu.memory_space<vmem_shared>>
    tpu.wait_indirect_dma semaphore(%arg44 : memref<!tpu.dma_semaphore, #tpu.memory_space<semaphore_mem>>) src(%dma_wait3A_751 : memref<100000xf32, #tpu.memory_space<vmem_shared>>) dst(%arg31 : memref<1024xf32, #tpu.memory_space<vmem>>)
    %dma_wait3A_752 = tpu.memref_slice %arg5[%add3A_727, %mul3A_725] : memref<26x16384xf32, #tpu.memory_space<hbm>> -> memref<1x1024xf32, #tpu.memory_space<hbm>>
    %dma_wait3A_753 = tpu.memref_squeeze %dma_wait3A_752 : memref<1x1024xf32, #tpu.memory_space<hbm>> -> memref<1024xf32, #tpu.memory_space<hbm>>
    %dma_wait3A_754 = tpu.memref_slice %arg5[%add3A_727, %mul3A_725] : memref<26x16384xf32, #tpu.memory_space<hbm>> -> memref<1x1024xf32, #tpu.memory_space<hbm>>
    %dma_wait3A_755 = tpu.memref_squeeze %dma_wait3A_754 : memref<1x1024xf32, #tpu.memory_space<hbm>> -> memref<1024xf32, #tpu.memory_space<hbm>>
    tpu.wait_dma2 semaphore(%arg45 : memref<!tpu.dma_semaphore, #tpu.memory_space<semaphore_mem>>) src(%arg28 : memref<1024xf32, #tpu.memory_space<vmem>>) dst(%dma_wait3A_755 : memref<1024xf32, #tpu.memory_space<hbm>>)
    %dma_wait3A_756 = tpu.memref_slice %arg6[%add3A_733, %mul3A_725] : memref<26x16384xf32, #tpu.memory_space<hbm>> -> memref<1x1024xf32, #tpu.memory_space<hbm>>
    %dma_wait3A_757 = tpu.memref_squeeze %dma_wait3A_756 : memref<1x1024xf32, #tpu.memory_space<hbm>> -> memref<1024xf32, #tpu.memory_space<hbm>>
    %dma_wait3A_758 = tpu.memref_slice %arg6[%add3A_733, %mul3A_725] : memref<26x16384xf32, #tpu.memory_space<hbm>> -> memref<1x1024xf32, #tpu.memory_space<hbm>>
    %dma_wait3A_759 = tpu.memref_squeeze %dma_wait3A_758 : memref<1x1024xf32, #tpu.memory_space<hbm>> -> memref<1024xf32, #tpu.memory_space<hbm>>
    tpu.wait_dma2 semaphore(%arg47 : memref<!tpu.dma_semaphore, #tpu.memory_space<semaphore_mem>>) src(%arg30 : memref<1024xf32, #tpu.memory_space<vmem>>) dst(%dma_wait3A_759 : memref<1024xf32, #tpu.memory_space<hbm>>)
    %barrier3A_760 = arith.constant 0 : index
    tpu.barrier barrier_id(%barrier3A_760)
    %dma_start3A_761 = arith.constant 0 : i32
    %dma_start3A_762 = tpu.memref_slice %arg7[%dma_start3A_761] : memref<100000xf32, #tpu.memory_space<vmem_shared>> -> memref<100000xf32, #tpu.memory_space<vmem_shared>>
    tpu.enqueue_indirect_dma source(%dma_start3A_762 : memref<100000xf32, #tpu.memory_space<vmem_shared>>) target(%arg28 : memref<1024xf32, #tpu.memory_space<vmem>>) offsets(%arg27 : memref<1024xi32, #tpu.memory_space<vmem>>) semaphore(%arg41 : memref<!tpu.dma_semaphore, #tpu.memory_space<semaphore_mem>>)
    %dma_start3A_763 = arith.constant 0 : i32
    %dma_start3A_764 = tpu.memref_slice %arg11[%dma_start3A_763] : memref<100000xf32, #tpu.memory_space<vmem_shared>> -> memref<100000xf32, #tpu.memory_space<vmem_shared>>
    tpu.enqueue_indirect_dma source(%dma_start3A_764 : memref<100000xf32, #tpu.memory_space<vmem_shared>>) target(%arg30 : memref<1024xf32, #tpu.memory_space<vmem>>) offsets(%arg27 : memref<1024xi32, #tpu.memory_space<vmem>>) semaphore(%arg43 : memref<!tpu.dma_semaphore, #tpu.memory_space<semaphore_mem>>)
    %mul3A_765 = arith.constant 1024 : i32
    %mul3A_766 = arith.muli %arg1, %mul3A_765 : i32
    %add3A_767 = arith.constant 11 : i32
    %add3A_768 = arith.addi %mul3A_0, %add3A_767 : i32
    %dma_start3A_769 = tpu.memref_slice %arg5[%add3A_768, %mul3A_766] : memref<26x16384xf32, #tpu.memory_space<hbm>> -> memref<1x1024xf32, #tpu.memory_space<hbm>>
    %dma_start3A_770 = tpu.memref_squeeze %dma_start3A_769 : memref<1x1024xf32, #tpu.memory_space<hbm>> -> memref<1024xf32, #tpu.memory_space<hbm>>
    %dma_start3A_771 = tpu.memref_slice %arg5[%add3A_768, %mul3A_766] : memref<26x16384xf32, #tpu.memory_space<hbm>> -> memref<1x1024xf32, #tpu.memory_space<hbm>>
    %dma_start3A_772 = tpu.memref_squeeze %dma_start3A_771 : memref<1x1024xf32, #tpu.memory_space<hbm>> -> memref<1024xf32, #tpu.memory_space<hbm>>
    tpu.enqueue_dma source(%arg29 : memref<1024xf32, #tpu.memory_space<vmem>>) target(%dma_start3A_772 : memref<1024xf32, #tpu.memory_space<hbm>>) target_semaphore(%arg46 : memref<!tpu.dma_semaphore, #tpu.memory_space<semaphore_mem>>)
    %add3A_773 = arith.constant 11 : i32
    %add3A_774 = arith.addi %mul3A_0, %add3A_773 : i32
    %dma_start3A_775 = tpu.memref_slice %arg6[%add3A_774, %mul3A_766] : memref<26x16384xf32, #tpu.memory_space<hbm>> -> memref<1x1024xf32, #tpu.memory_space<hbm>>
    %dma_start3A_776 = tpu.memref_squeeze %dma_start3A_775 : memref<1x1024xf32, #tpu.memory_space<hbm>> -> memref<1024xf32, #tpu.memory_space<hbm>>
    %dma_start3A_777 = tpu.memref_slice %arg6[%add3A_774, %mul3A_766] : memref<26x16384xf32, #tpu.memory_space<hbm>> -> memref<1x1024xf32, #tpu.memory_space<hbm>>
    %dma_start3A_778 = tpu.memref_squeeze %dma_start3A_777 : memref<1x1024xf32, #tpu.memory_space<hbm>> -> memref<1024xf32, #tpu.memory_space<hbm>>
    tpu.enqueue_dma source(%arg31 : memref<1024xf32, #tpu.memory_space<vmem>>) target(%dma_start3A_778 : memref<1024xf32, #tpu.memory_space<hbm>>) target_semaphore(%arg48 : memref<!tpu.dma_semaphore, #tpu.memory_space<semaphore_mem>>)
    %dma_wait3A_779 = arith.constant 0 : i32
    %dma_wait3A_780 = tpu.memref_slice %arg7[%dma_wait3A_779] : memref<100000xf32, #tpu.memory_space<vmem_shared>> -> memref<100000xf32, #tpu.memory_space<vmem_shared>>
    tpu.wait_indirect_dma semaphore(%arg41 : memref<!tpu.dma_semaphore, #tpu.memory_space<semaphore_mem>>) src(%dma_wait3A_780 : memref<100000xf32, #tpu.memory_space<vmem_shared>>) dst(%arg28 : memref<1024xf32, #tpu.memory_space<vmem>>)
    %dma_wait3A_781 = arith.constant 0 : i32
    %dma_wait3A_782 = tpu.memref_slice %arg11[%dma_wait3A_781] : memref<100000xf32, #tpu.memory_space<vmem_shared>> -> memref<100000xf32, #tpu.memory_space<vmem_shared>>
    tpu.wait_indirect_dma semaphore(%arg43 : memref<!tpu.dma_semaphore, #tpu.memory_space<semaphore_mem>>) src(%dma_wait3A_782 : memref<100000xf32, #tpu.memory_space<vmem_shared>>) dst(%arg30 : memref<1024xf32, #tpu.memory_space<vmem>>)
    %mul3A_783 = arith.constant 1024 : i32
    %mul3A_784 = arith.muli %arg1, %mul3A_783 : i32
    %add3A_785 = arith.constant 12 : i32
    %add3A_786 = arith.addi %mul3A_0, %add3A_785 : i32
    %dma_start3A_787 = tpu.memref_slice %arg5[%add3A_786, %mul3A_784] : memref<26x16384xf32, #tpu.memory_space<hbm>> -> memref<1x1024xf32, #tpu.memory_space<hbm>>
    %dma_start3A_788 = tpu.memref_squeeze %dma_start3A_787 : memref<1x1024xf32, #tpu.memory_space<hbm>> -> memref<1024xf32, #tpu.memory_space<hbm>>
    %dma_start3A_789 = tpu.memref_slice %arg5[%add3A_786, %mul3A_784] : memref<26x16384xf32, #tpu.memory_space<hbm>> -> memref<1x1024xf32, #tpu.memory_space<hbm>>
    %dma_start3A_790 = tpu.memref_squeeze %dma_start3A_789 : memref<1x1024xf32, #tpu.memory_space<hbm>> -> memref<1024xf32, #tpu.memory_space<hbm>>
    tpu.enqueue_dma source(%arg28 : memref<1024xf32, #tpu.memory_space<vmem>>) target(%dma_start3A_790 : memref<1024xf32, #tpu.memory_space<hbm>>) target_semaphore(%arg45 : memref<!tpu.dma_semaphore, #tpu.memory_space<semaphore_mem>>)
    %add3A_791 = arith.constant 12 : i32
    %add3A_792 = arith.addi %mul3A_0, %add3A_791 : i32
    %dma_start3A_793 = tpu.memref_slice %arg6[%add3A_792, %mul3A_784] : memref<26x16384xf32, #tpu.memory_space<hbm>> -> memref<1x1024xf32, #tpu.memory_space<hbm>>
    %dma_start3A_794 = tpu.memref_squeeze %dma_start3A_793 : memref<1x1024xf32, #tpu.memory_space<hbm>> -> memref<1024xf32, #tpu.memory_space<hbm>>
    %dma_start3A_795 = tpu.memref_slice %arg6[%add3A_792, %mul3A_784] : memref<26x16384xf32, #tpu.memory_space<hbm>> -> memref<1x1024xf32, #tpu.memory_space<hbm>>
    %dma_start3A_796 = tpu.memref_squeeze %dma_start3A_795 : memref<1x1024xf32, #tpu.memory_space<hbm>> -> memref<1024xf32, #tpu.memory_space<hbm>>
    tpu.enqueue_dma source(%arg30 : memref<1024xf32, #tpu.memory_space<vmem>>) target(%dma_start3A_796 : memref<1024xf32, #tpu.memory_space<hbm>>) target_semaphore(%arg47 : memref<!tpu.dma_semaphore, #tpu.memory_space<semaphore_mem>>)
    %dma_wait3A_797 = tpu.memref_slice %arg5[%add3A_768, %mul3A_766] : memref<26x16384xf32, #tpu.memory_space<hbm>> -> memref<1x1024xf32, #tpu.memory_space<hbm>>
    %dma_wait3A_798 = tpu.memref_squeeze %dma_wait3A_797 : memref<1x1024xf32, #tpu.memory_space<hbm>> -> memref<1024xf32, #tpu.memory_space<hbm>>
    %dma_wait3A_799 = tpu.memref_slice %arg5[%add3A_768, %mul3A_766] : memref<26x16384xf32, #tpu.memory_space<hbm>> -> memref<1x1024xf32, #tpu.memory_space<hbm>>
    %dma_wait3A_800 = tpu.memref_squeeze %dma_wait3A_799 : memref<1x1024xf32, #tpu.memory_space<hbm>> -> memref<1024xf32, #tpu.memory_space<hbm>>
    tpu.wait_dma2 semaphore(%arg46 : memref<!tpu.dma_semaphore, #tpu.memory_space<semaphore_mem>>) src(%arg29 : memref<1024xf32, #tpu.memory_space<vmem>>) dst(%dma_wait3A_800 : memref<1024xf32, #tpu.memory_space<hbm>>)
    %dma_wait3A_801 = tpu.memref_slice %arg6[%add3A_774, %mul3A_766] : memref<26x16384xf32, #tpu.memory_space<hbm>> -> memref<1x1024xf32, #tpu.memory_space<hbm>>
    %dma_wait3A_802 = tpu.memref_squeeze %dma_wait3A_801 : memref<1x1024xf32, #tpu.memory_space<hbm>> -> memref<1024xf32, #tpu.memory_space<hbm>>
    %dma_wait3A_803 = tpu.memref_slice %arg6[%add3A_774, %mul3A_766] : memref<26x16384xf32, #tpu.memory_space<hbm>> -> memref<1x1024xf32, #tpu.memory_space<hbm>>
    %dma_wait3A_804 = tpu.memref_squeeze %dma_wait3A_803 : memref<1x1024xf32, #tpu.memory_space<hbm>> -> memref<1024xf32, #tpu.memory_space<hbm>>
    tpu.wait_dma2 semaphore(%arg48 : memref<!tpu.dma_semaphore, #tpu.memory_space<semaphore_mem>>) src(%arg31 : memref<1024xf32, #tpu.memory_space<vmem>>) dst(%dma_wait3A_804 : memref<1024xf32, #tpu.memory_space<hbm>>)
    %dma_wait3A_805 = tpu.memref_slice %arg5[%add3A_786, %mul3A_784] : memref<26x16384xf32, #tpu.memory_space<hbm>> -> memref<1x1024xf32, #tpu.memory_space<hbm>>
    %dma_wait3A_806 = tpu.memref_squeeze %dma_wait3A_805 : memref<1x1024xf32, #tpu.memory_space<hbm>> -> memref<1024xf32, #tpu.memory_space<hbm>>
    %dma_wait3A_807 = tpu.memref_slice %arg5[%add3A_786, %mul3A_784] : memref<26x16384xf32, #tpu.memory_space<hbm>> -> memref<1x1024xf32, #tpu.memory_space<hbm>>
    %dma_wait3A_808 = tpu.memref_squeeze %dma_wait3A_807 : memref<1x1024xf32, #tpu.memory_space<hbm>> -> memref<1024xf32, #tpu.memory_space<hbm>>
    tpu.wait_dma2 semaphore(%arg45 : memref<!tpu.dma_semaphore, #tpu.memory_space<semaphore_mem>>) src(%arg28 : memref<1024xf32, #tpu.memory_space<vmem>>) dst(%dma_wait3A_808 : memref<1024xf32, #tpu.memory_space<hbm>>)
    %dma_wait3A_809 = tpu.memref_slice %arg6[%add3A_792, %mul3A_784] : memref<26x16384xf32, #tpu.memory_space<hbm>> -> memref<1x1024xf32, #tpu.memory_space<hbm>>
    %dma_wait3A_810 = tpu.memref_squeeze %dma_wait3A_809 : memref<1x1024xf32, #tpu.memory_space<hbm>> -> memref<1024xf32, #tpu.memory_space<hbm>>
    %dma_wait3A_811 = tpu.memref_slice %arg6[%add3A_792, %mul3A_784] : memref<26x16384xf32, #tpu.memory_space<hbm>> -> memref<1x1024xf32, #tpu.memory_space<hbm>>
    %dma_wait3A_812 = tpu.memref_squeeze %dma_wait3A_811 : memref<1x1024xf32, #tpu.memory_space<hbm>> -> memref<1024xf32, #tpu.memory_space<hbm>>
    tpu.wait_dma2 semaphore(%arg47 : memref<!tpu.dma_semaphore, #tpu.memory_space<semaphore_mem>>) src(%arg30 : memref<1024xf32, #tpu.memory_space<vmem>>) dst(%dma_wait3A_812 : memref<1024xf32, #tpu.memory_space<hbm>>)
    return
  }
}

</mosaic_0001>

<sc_bundles>
// kernel: kernel.3.cloned.1.call-start
scs
__scs_entry_jumppad:
0x0: {  	(pc) =	sbr.rel $0x88, $3  }
0x1: {  	(tag) =	ssettag $0x0;
	lr =	simm.s32 $0x1  }
0x2: {  	[smem:$0x3F9E] =	sst lr;
	_ =	strace $0xD0000000  }
0x3: {  	_ = 	snop  }
0x4: {  	_ = 	snop  }
0x5: {  	_ = 	snop  }
0x6: {  	_ = 	snop  }
0x7: {  	_ = 	snop  }
__scs_overlays_trampoline_lowered:
0x8: {  	[smem:$0x3FAD] =	sst s0  }
0x9: {  	[smem:$0x3FAE] =	sst s1  }
0xa: {  	[smem:$0x3FAF] =	sst s2  }
0xb: {  	[smem:$0x3FB0] =	sst s3  }
0xc: {  	[smem:$0x3FB1] =	sst s4  }
0xd: {  	[smem:$0x3FB2] =	sst s5  }
0xe: {  	[smem:$0x3FB3] =	sst s6  }
0xf: {  	[smem:$0x3FB4] =	sst s7  }
0x10: {  	[smem:$0x3FB5] =	sst s8  }
0x11: {  	[smem:$0x3FB6] =	sst s9;
	s0 =	simm.s32 @!p0 $0x0  }
0x12: {  	s1 =	sld [smem:$0x3F9C];
	s0 =	simm.s32 @p0 $0x1  }
0x13: {  	[smem:$0x3FB7] =	sst s0;
	s0 =	simm.s32 @!p1 $0x0  }
0x14: {  	s2 =	sld [smem:$0x3F9B];
	s0 =	simm.s32 @p1 $0x1  }
0x15: {  	[smem:$0x3FB8] =	sst s0;
	s0 =	simm.s32 @!p2 $0x0  }
0x16: {  	s3 =	sld [smem:$0x3FDB];
	s0 =	simm.s32 @p2 $0x1  }
0x17: {  	s4 =	simm.s32 $0x1BF5;
	[smem:$0x3FBA] =	sst s0  }
0x18: {  	s0 =	sld [smem:$0x3F9D];
	_ =	swait.ge [sflag:s4], $0x0  }
0x19: {  	s7 =	sld [smem:$0x3F9E]  }
0x1a: {  	s8 =	sadd.s32 $0xFFFFE003, lr  }
0x1b: {  	s9 =	sadd.s32 $0xFFFFFEF7, lr;
	s5 =	simm.s32 $0xFFFFFFFF;
	p2 =	slt.u32 s8, $0xFFFFF086  }
0x1c: {  	p1 =	slt.u32 s9, $0xF7A;
	s5 =	simm.s32 @!p2 $0x0  }
0x1d: {  	s5 =	simm.s32 @p1 $0x1;
	p0 =	seq.s32 s7, s2  }
0x1e: {  	s7 =	smul.u32 @!p0 $0xF7A, s2;
	p2 =	seq.s32 @!p0 s5, $0x0  }
0x1f: {  	s9 =	smul.u32 $0xF7A, s1;
	s8 =	simm.s32 @!p0 $0x1BF5;
	p2 =	por !p2, p0  }
0x20: {  	[sflag:s8] =	ssyncset.s32 @!p0 $0xFFFFF086;
	s6 =	sadd.s32 @!p0 s3, s7;
	s7 =	simm.s32 @!p0 $0x108  }
0x21: {  	s3 =	sadd.s32 s3, s9;
	s6 =	sadd.s32 @!p0 $0x88, s6;
	s7 =	simm.s32 @p2 $0x1082  }
0x22: {  	[simem:s7], [sflag:s8] =	dma.local @!p0 [hbm:s6], $0xF7A  }
0x23: {  	s9 =	sor.u32 $0xD0000000, s2;
	s6 =	simm.s32 $0x108;
	_ =	swait.ge @!p0 [sflag:s8], $0x0  }
0x24: {  	s3 =	sadd.s32 $0x88, s3;
	s6 =	simm.s32 @!p1 $0x1082;
	[sflag:s4] =	ssyncset.s32 $0xFFFFF086  }
0x25: {  	[simem:s6], [sflag:s4] =	dma.local [hbm:s3], $0xF7A  }
0x26: {  	[smem:$0x3F9E] =	sst s1;
	(tag) =	ssettag s2;
	_ =	strace s9  }
0x27: {  	s1 =	sld [smem:$0x3FAE]  }
0x28: {  	s2 =	sld [smem:$0x3FAF]  }
0x29: {  	s4 =	sld [smem:$0x3FB1]  }
0x2a: {  	p0 =	seq.s32 s5, $0x0;
	s5 =	sld [smem:$0x3FB2]  }
0x2b: {  	s6 =	sld [smem:$0x3FB3]  }
0x2c: {  	s7 =	sld [smem:$0x3FB4]  }
0x2d: {  	s3 =	simm.s32 $0x108;
	s8 =	sld [smem:$0x3FB5]  }
0x2e: {  	s3 =	simm.s32 @!p0 $0x1082;
	s9 =	sld [smem:$0x3FB6]  }
0x2f: {  	lr =	sadd.s32 s0, s3;
	s0 =	sld [smem:$0x3FAD]  }
0x30: {  	s3 =	sld [smem:$0x3FB0]  }
0x31: {  	[smem:$0x3FB9] =	sst s10  }
0x32: {  	s10 =	sld [smem:$0x3FB7];
	_ =	sdelay $0x3  }
0x33: {  	p0 =	seq.s32 s10, $0x1;
	s10 =	sld [smem:$0x3FB9];
	_ =	sdelay $0x3  }
0x34: {  	[smem:$0x3FB9] =	sst s10  }
0x35: {  	s10 =	sld [smem:$0x3FB8];
	_ =	sdelay $0x3  }
0x36: {  	p1 =	seq.s32 s10, $0x1;
	s10 =	sld [smem:$0x3FB9];
	_ =	sdelay $0x3  }
0x37: {  	[smem:$0x3FB9] =	sst s10  }
0x38: {  	s10 =	sld [smem:$0x3FBA]  }
0x39: {  	_ = 	snop;
	(pc) =	sbr.ind lr, $3  }
0x3a: {  	_ = 	snop  }
0x3b: {  	_ = 	snop  }
0x3c: {  	p2 =	seq.s32 s10, $0x1;
	s10 =	sld [smem:$0x3FB9]  }
0x3d: {  	_ =	shalt  }
0x3e: {  	_ =	shalt  }
0x3f: {  	_ =	shalt  }
0x40: {  	_ =	shalt  }
0x41: {  	_ =	shalt  }
0x42: {  	_ =	shalt  }
0x43: {  	_ =	shalt  }
0x44: {  	_ =	shalt  }
0x45: {  	_ =	shalt  }
0x46: {  	_ =	shalt  }
0x47: {  	_ =	shalt  }
0x48: {  	_ =	shalt  }
0x49: {  	_ =	shalt  }
0x4a: {  	_ =	shalt  }
0x4b: {  	_ =	shalt  }
0x4c: {  	_ =	shalt  }
0x4d: {  	_ =	shalt  }
0x4e: {  	_ =	shalt  }
0x4f: {  	_ =	shalt  }
0x50: {  	_ =	shalt  }
0x51: {  	_ =	shalt  }
0x52: {  	_ =	shalt  }
0x53: {  	_ =	shalt  }
0x54: {  	_ =	shalt  }
0x55: {  	_ =	shalt  }
0x56: {  	_ =	shalt  }
0x57: {  	_ =	shalt  }
0x58: {  	_ =	shalt  }
0x59: {  	_ =	shalt  }
0x5a: {  	_ =	shalt  }
0x5b: {  	_ =	shalt  }
0x5c: {  	_ =	shalt  }
0x5d: {  	_ =	shalt  }
0x5e: {  	_ =	shalt  }
0x5f: {  	_ =	shalt  }
0x60: {  	_ =	shalt  }
0x61: {  	_ =	shalt  }
0x62: {  	_ =	shalt  }
0x63: {  	_ =	shalt  }
0x64: {  	_ =	shalt  }
0x65: {  	_ =	shalt  }
0x66: {  	_ =	shalt  }
0x67: {  	_ =	shalt  }
0x68: {  	_ =	shalt  }
0x69: {  	_ =	shalt  }
0x6a: {  	_ =	shalt  }
0x6b: {  	_ =	shalt  }
0x6c: {  	_ =	shalt  }
0x6d: {  	_ =	shalt  }
0x6e: {  	_ =	shalt  }
0x6f: {  	_ =	shalt  }
0x70: {  	_ =	shalt  }
0x71: {  	_ =	shalt  }
0x72: {  	_ =	shalt  }
0x73: {  	_ =	shalt  }
0x74: {  	_ =	shalt  }
0x75: {  	_ =	shalt  }
0x76: {  	_ =	shalt  }
0x77: {  	_ =	shalt  }
0x78: {  	_ =	shalt  }
0x79: {  	_ =	shalt  }
0x7a: {  	_ =	shalt  }
0x7b: {  	_ =	shalt  }
0x7c: {  	_ =	shalt  }
0x7d: {  	_ =	shalt  }
0x7e: {  	_ =	shalt  }
0x7f: {  	_ =	shalt  }
0x80: {  	_ =	shalt  }
0x81: {  	_ =	shalt  }
0x82: {  	_ =	shalt  }
0x83: {  	_ =	shalt  }
0x84: {  	_ =	shalt  }
0x85: {  	_ =	shalt  }
0x86: {  	_ =	shalt  }
0x87: {  	_ =	shalt  }
.Lfunc_end0:
.L_simem_size_0:
called_computation_lowered:
.L_overlay_start_0:
0x88: {  	s2 =	sld [smem:$0x3FD9]  }
0x89: {  	s3 =	sld [smem:$0x3FFE];
	_ =	sdelay $0x1  }
0x8a: {  	s1 =	srdreg.scid  }
0x8b: {  	s0 =	sand.u32 $0x1, s1  }
0x8c: {  	s15 =	sshll.u32 s0, $0xA;
	s2 =	sadd.s32 s3, s2  }
0x8d: {  	s2 =	sadd.s32 s2, s15  }
0x8e: {  	[smem:$0x3FC5] =	sst s2  }
0x8f: {  	_ = 	snop  }
0x90: {  	s2 =	sld [smem:$0x3FD0]  }
0x91: {  	s16 =	sld [smem:$0x3FC9]  }
0x92: {  	s4 =	sld [smem:$0x3FC8]  }
0x93: {  	s6 =	simm.s32 $0xA;
	s7 =	simm.s32 $0x10;
	s5 =	sld [smem:$0x3FC7]  }
0x94: {  	[smem:s7], [sflag:s6] =	dma.local [hbm:s2], $0x1  }
0x95: {  	_ =	swait.eq [sflag:s6], $0x1  }
0x96: {  	[sflag:s6] =	ssyncset.done $0x0  }
0x97: {  	s17 =	sld [smem:$0x10];
	[sflag:s6] =	ssyncadd.s32 $0xFFFFFFFF  }
0x98: {  	s18 =	sld [smem:$0x11];
	(tm) =	ssettm $0x1  }
0x99: {  	s19 =	sld [smem:$0x3FFB];
	_ =	sdelay $0x3  }
0x9a: {  	_ =	strace s19  }
0x9b: {  	s7 =	sld [smem:$0x3FFC];
	_ =	sdelay $0x3  }
0x9c: {  	_ =	strace s7  }
0x9d: {  	s7 =	sld [smem:$0x3FFD];
	_ =	sdelay $0x3  }
0x9e: {  	_ =	strace s7  }
0x9f: {  	_ =	strace $0x8FFFFFFF  }
0xa0: {  	s20 =	sld [smem:$0x3FDB];
	_ =	sdelay $0x1  }
0xa1: {  	s8 =	simm.s32 $_scs_section_size  }
0xa2: {  	s9 =	simm.s32 $_size__tile_overlayer_lowered;
	s10 =	simm.s32 $_tile_overlayer_lowered  }
0xa3: {  	s23 =	simm.s32 $0x1BFF;
	s22 =	sshll.u32 s10, $0x1;
	s7 =	sadd.s32 s8, s20  }
0xa4: {  	s11 =	simm.s32 $0x0;
	s21 =	sshll.u32 s9, $0x1;
	s9 =	sadd.s32 s22, s7  }
0xa5: {  	[timem:s11], [sflag:s23] =	dma.local [hbm:s9], s21  }
0xa6: {  	_ =	swait.ge [sflag:s23], s21  }
0xa7: {  	s8 =	ssub.s32 $0x0, s21;
	[sflag:s23] =	ssyncset.done $0x0  }
0xa8: {  	[sflag:s23] =	ssyncadd.s32 s8;
	_ =	sdelay $0x1  }
0xa9: {  	s24 =	simm.s32 $0x1B8B  }
0xaa: {  	_ =	swait.ge [sflag:s24], $0x1  }
0xab: {  	[sflag:s24] =	ssyncset.done $0x0  }
0xac: {  	s25 =	simm.s32 $0x1B8E;
	[sflag:s24] =	ssyncadd.s32 $0xFFFFFFFF  }
0xad: {  	s26 =	simm.s32 $execute0_lowered;
	[smem:$0x3FD2] =	sst s25  }
0xae: {  	s8 =	sshll.u32 s26, $0x1;
	_ =	strace $0x80000046;
	[dreg:$0x1] =	wrdreg $0xFFFFFFFF  }
0xaf: {  	s28 =	simm.s32 $_size_execute0_lowered;
	s7 =	sadd.s32 s7, s8;
	[dreg:$0x0] =	wrdreg $0x0  }
0xb0: {  	s8 =	sshll.u32 s28, $0x1;
	[dreg:$0x2] =	wrdreg s7  }
0xb1: {  	[dreg:$0x3] =	wrdreg s8  }
0xb2: {  	[dreg:$0x4] =	wrdreg $0xC0  }
0xb3: {  	_ =	task [dreg:s11], $0x5FFFF  }
0xb4: {  	[dreg:$0x1] =	wrdreg $0xFFFFFFFF  }
0xb5: {  	[dreg:$0x0] =	wrdreg $0x60  }
0xb6: {  	[dreg:$0x2] =	wrdreg s16  }
0xb7: {  	[dreg:$0x3] =	wrdreg s4  }
0xb8: {  	[dreg:$0x4] =	wrdreg s5  }
0xb9: {  	[dreg:$0x5] =	wrdreg s17  }
0xba: {  	[dreg:$0x6] =	wrdreg s18  }
0xbb: {  	[dreg:$0x7] =	wrdreg $0x0  }
0xbc: {  	[dreg:$0x8] =	wrdreg $0x61C00  }
0xbd: {  	[dreg:$0x9] =	wrdreg $0x18700  }
0xbe: {  	[dreg:$0xa] =	wrdreg $0x7A300  }
0xbf: {  	[dreg:$0xb] =	wrdreg $0x30E00  }
0xc0: {  	[dreg:$0xc] =	wrdreg $0x92A00  }
0xc1: {  	[dreg:$0xd] =	wrdreg $0x49500  }
0xc2: {  	[dreg:$0xe] =	wrdreg $0xAB100  }
0xc3: {  	[dreg:$0xf] =	wrdreg $0x9  }
0xc4: {  	_ =	task.clear_ibuf [dreg:s11], $0x10FFFF;
	_ =	strace $0x90000046  }
0xc5: {  	s29 =	simm.s32 $0x9;
	_ =	strace $0x80000048  }
0xc6: {  	_ =	swait.ge [sflag:s29], $0x1  }
0xc7: {  	[sflag:s29] =	ssyncadd.s32 $0xFFFFFFFF  }
0xc8: {  	_ =	strace $0x90000048  }
0xc9: {  	_ =	sfence  }
0xca: {  	s30 =	sld [smem:$0x0];
	_ =	sdelay $0x2  }
0xcb: {  	s31 =	sshll.u32 s1, $0xD;
	s1 =	sshrl.u32 s1, $0x2  }
0xcc: {  	s3 =	sand.u32 $0x4000, s31;
	s1 =	sadd.s32 s1, s30  }
0xcd: {  	s0 =	sor.u32 s3, s0;
	s1 =	sshll.u32 s1, $0x11  }
0xce: {  	s0 =	sor.u32 s1, s0  }
0xcf: {  	s0 =	sadd.s32 $0x8F2B, s0  }
0xd0: {  	[sflag:s0] =	ssyncadd.remote.s32 $0x1  }
0xd1: {  	_ =	sfence.sel $0xFFFF  }
0xd2: {  	[dreg:$0x0] =	wrdreg $0xFFFFFFFF;
	(pc) =	sbr.abs _section_cstart, $3  }
0xd3: {  	[dreg:$0x1] =	wrdreg $0xFFFFFFFF  }
0xd4: {  	_ =	task.clear_ibuf [dreg:s11], $0x2FFFF;
	_ =	strace $0x9FFFFFFF  }
0xd5: {  	(tm) =	ssettm $0x7FFFFFFF  }
tec
execute0_lowered:
.L_overlay_start_1:
0x0: {  	(tag) =	ssettag $0x1  }
0x1: {  	s0 =	srdreg.scid  }
0x2: {  	s25 =	simm.s32 $0x0;
	s2 =	sand.u32 $0x1, s0;
	s0 =	stileid.u32  }
0x3: {  	[smem:$0x7B5] =	sst s2;
	s1 =	ssub.s32 $0x2, s2;
	s2 =	smul.u32 $0xD, s2  }
0x4: {  	[smem:$0x7FF] =	sst s25;
	s4 =	sshll.u32 s0, $0xD;
	s3 =	sshrl.u32 s1, $0x1  }
0x5: {  	s1 =	ssub.s32 s1, s3;
	s26 =	sshrl.u32 s2, $0x3;
	s6 =	sadd.s32 $0x1, s2  }
0x6: {  	s10 =	sadd.s32 $0x2, s2;
	s12 =	sadd.s32 $0x3, s2;
	s16 =	sadd.s32 $0x4, s2  }
0x7: {  	s19 =	sadd.s32 $0x5, s2;
	s20 =	sadd.s32 $0x6, s2;
	s25 =	sadd.s32 $0x7, s2  }
0x8: {  	s29 =	sadd.s32 $0x8, s2;
	s30 =	sadd.s32 $0x9, s2;
	[smem:$0x7ED] =	sst s1  }
0x9: {  	[smem:$0x7B6] =	sst s26;
	s7 =	sshll.u32 s26, $0x11;
	s8 =	sshrl.u32 s6, $0x3  }
0xa: {  	s11 =	sshll.u32 s10, $0x7;
	s10 =	sshrl.u32 s10, $0x3;
	s13 =	sshrl.u32 s12, $0x3  }
0xb: {  	s17 =	sshrl.u32 s16, $0x3;
	s21 =	sshrl.u32 s19, $0x3;
	s22 =	sshrl.u32 s20, $0x3  }
0xc: {  	s26 =	sshrl.u32 s25, $0x3;
	s29 =	sshrl.u32 s29, $0x3;
	s31 =	sshrl.u32 s30, $0x3  }
0xd: {  	s1 =	sor.u32 s4, s7;
	s14 =	sshll.u32 s10, $0x11;
	s15 =	sshll.u32 s13, $0x11  }
0xe: {  	s18 =	sshll.u32 s17, $0x11;
	s23 =	sshll.u32 s21, $0x11;
	s24 =	sshll.u32 s22, $0x11  }
0xf: {  	s28 =	sshll.u32 s26, $0x11;
	s9 =	sshll.u32 s29, $0x11;
	[smem:$0x7B7] =	sst s1  }
0x10: {  	s1 =	sshll.u32 s8, $0x11;
	s5 =	sor.u32 s4, s14;
	s7 =	sor.u32 s4, s15  }
0x11: {  	s18 =	sor.u32 s4, s18;
	s23 =	sor.u32 s4, s23;
	s24 =	sor.u32 s4, s24  }
0x12: {  	s14 =	sshll.u32 s31, $0x11;
	s3 =	sor.u32 s4, s1;
	[smem:$0x7B2] =	sst s5  }
0x13: {  	[smem:$0x7B4] =	sst s7;
	s5 =	sadd.s32 $0xA, s2;
	s1 =	sor.u32 s4, s9  }
0x14: {  	s15 =	sor.u32 s4, s14;
	[smem:$0x7B3] =	sst s3;
	s3 =	sshrl.u32 s5, $0x3  }
0x15: {  	s14 =	sadd.s32 $0xB, s2;
	s9 =	sadd.s32 $0xC, s2;
	s2 =	sshll.u32 s3, $0x11  }
0x16: {  	s28 =	sor.u32 s4, s28;
	[smem:$0x7B9] =	sst s15;
	s7 =	sor.u32 s4, s2  }
0x17: {  	s15 =	sshrl.u32 s9, $0x3;
	[smem:$0x7BA] =	sst s7;
	s7 =	sshrl.u32 s14, $0x3  }
0x18: {  	[smem:$0x7B8] =	sst s1;
	s2 =	sshll.u32 s15, $0x11;
	s1 =	sshll.u32 s7, $0x11  }
0x19: {  	s2 =	sor.u32 s4, s2;
	s1 =	sor.u32 s4, s1;
	s4 =	sld [smem:$0x7B2]  }
0x1a: {  	_ = 	snop  }
0x1b: {  	s11 =	sand.u32 $0x380, s11  }
0x1c: {  	s10 =	smul.u32 $0xC3800, s10;
	s4 =	sor.u32 s11, s4  }
0x1d: {  	[smem:$0x7C4] =	sst s4  }
0x1e: {  	s4 =	sor.u32 s11, s10;
	s11 =	smul.u32 $0xC3800, s13;
	s13 =	sld [smem:$0x7B3]  }
0x1f: {  	s6 =	sshll.u32 s6, $0x7  }
0x20: {  	s6 =	sand.u32 $0x380, s6  }
0x21: {  	s10 =	sshll.u32 s12, $0x7;
	s12 =	sor.u32 s6, s13;
	s13 =	sld [smem:$0x7B4]  }
0x22: {  	s8 =	smul.u32 $0xC3800, s8  }
0x23: {  	[smem:$0x7C3] =	sst s12;
	s12 =	sand.u32 $0x380, s10  }
0x24: {  	s25 =	sshll.u32 s25, $0x7;
	s8 =	sor.u32 s6, s8;
	s10 =	sor.u32 s12, s13  }
0x25: {  	s13 =	smul.u32 $0xC3800, s17;
	[smem:$0x7C5] =	sst s10;
	s10 =	sor.u32 s12, s11  }
0x26: {  	s11 =	sshll.u32 s16, $0x7;
	s12 =	sshll.u32 s19, $0x7;
	s16 =	smul.u32 $0xC3800, s21  }
0x27: {  	s19 =	sshll.u32 s20, $0x7;
	s6 =	sand.u32 $0x380, s11;
	s11 =	sand.u32 $0x380, s12  }
0x28: {  	s17 =	sor.u32 s6, s18;
	s21 =	sor.u32 s6, s13;
	s18 =	sor.u32 s11, s23  }
0x29: {  	s6 =	sand.u32 $0x380, s19;
	s23 =	smul.u32 $0xC3800, s22;
	s13 =	sld [smem:$0x7B5]  }
0x2a: {  	s26 =	smul.u32 $0xC3800, s26;
	s19 =	sor.u32 s6, s24;
	s24 =	sld [smem:$0x7B6]  }
0x2b: {  	s22 =	sor.u32 s6, s23;
	s23 =	sand.u32 $0x380, s25;
	s25 =	sld [smem:$0x7B7]  }
0x2c: {  	s20 =	sor.u32 s11, s16;
	s11 =	smul.u32 $0x280, s13;
	s13 =	sor.u32 s23, s28  }
0x2d: {  	s23 =	sor.u32 s23, s26;
	s26 =	sld [smem:$0x7B8];
	s12 =	smul.u32 $0xC3800, s24  }
0x2e: {  	s5 =	sshll.u32 s5, $0x7;
	s9 =	sshll.u32 s9, $0x7;
	s16 =	sor.u32 s11, s25  }
0x2f: {  	s25 =	smul.u32 $0xC3800, s29;
	s28 =	sor.u32 s11, s12;
	s12 =	sld [smem:$0x7B9]  }
0x30: {  	s24 =	sshll.u32 s30, $0x7;
	s6 =	sor.u32 s11, s26;
	s26 =	smul.u32 $0xC3800, s31  }
0x31: {  	s3 =	smul.u32 $0xC3800, s3;
	s24 =	sand.u32 $0x380, s24;
	s25 =	sor.u32 s11, s25  }
0x32: {  	s11 =	sor.u32 s24, s12;
	s24 =	sor.u32 s24, s26;
	s26 =	sld [smem:$0x7BA]  }
0x33: {  	s5 =	sand.u32 $0x380, s5;
	s9 =	sand.u32 $0x380, s9  }
0x34: {  	s15 =	smul.u32 $0xC3800, s15;
	s3 =	sor.u32 s5, s3;
	s14 =	sshll.u32 s14, $0x7  }
0x35: {  	s7 =	smul.u32 $0xC3800, s7;
	s12 =	sor.u32 s5, s26;
	s5 =	sand.u32 $0x380, s14  }
0x36: {  	s2 =	sor.u32 s9, s2;
	s4 =	sshrl.u32 s4, $0x3;
	s1 =	sor.u32 s5, s1  }
0x37: {  	s5 =	sor.u32 s5, s7;
	s7 =	sor.u32 s9, s15;
	s9 =	rddreg [dreg:$0x2]  }
0x38: {  	s14 =	rddreg [dreg:$0x1];
	s26 =	sadd.s32 s9, s4  }
0x39: {  	s8 =	sshrl.u32 s8, $0x3;
	s4 =	sadd.s32 s14, s4;
	[dreg:$0xe] =	wrdreg s26  }
0x3a: {  	[dreg:$0xf] =	wrdreg s4;
	s26 =	sadd.s32 s9, s8  }
0x3b: {  	s4 =	sshrl.u32 s28, $0x3;
	s8 =	sadd.s32 s14, s8;
	[dreg:$0x10] =	wrdreg s26  }
0x3c: {  	[dreg:$0x11] =	wrdreg s8;
	s15 =	sadd.s32 s9, s4  }
0x3d: {  	s8 =	sshrl.u32 s10, $0x3;
	s4 =	sadd.s32 s14, s4;
	[dreg:$0x12] =	wrdreg s15  }
0x3e: {  	[dreg:$0x13] =	wrdreg s4;
	s15 =	sadd.s32 s9, s8  }
0x3f: {  	s26 =	sshrl.u32 s21, $0x3;
	s8 =	sadd.s32 s14, s8;
	[dreg:$0x14] =	wrdreg s15  }
0x40: {  	s21 =	sadd.s32 s9, s26;
	[dreg:$0x15] =	wrdreg s8  }
0x41: {  	s20 =	sshrl.u32 s20, $0x3;
	s4 =	sadd.s32 s14, s26;
	[dreg:$0x16] =	wrdreg s21  }
0x42: {  	[dreg:$0x17] =	wrdreg s4;
	s15 =	sadd.s32 s9, s20  }
0x43: {  	s26 =	sshrl.u32 s22, $0x3;
	s8 =	sadd.s32 s14, s20;
	[dreg:$0x18] =	wrdreg s15  }
0x44: {  	s21 =	sadd.s32 s9, s26;
	[dreg:$0x19] =	wrdreg s8  }
0x45: {  	s22 =	sshrl.u32 s25, $0x3;
	s4 =	sadd.s32 s14, s26;
	[dreg:$0x1a] =	wrdreg s21  }
0x46: {  	s24 =	sshrl.u32 s24, $0x3;
	s25 =	sadd.s32 s14, s22;
	[dreg:$0x1b] =	wrdreg s4  }
0x47: {  	s26 =	sadd.s32 s14, s24;
	[dreg:$0x1e] =	wrdreg s25  }
0x48: {  	s20 =	sshrl.u32 s23, $0x3;
	[smem:$0x7BB] =	sst s26  }
0x49: {  	s23 =	sadd.s32 s9, s20;
	s25 =	sld [smem:$0x7C5]  }
0x4a: {  	s8 =	sadd.s32 s14, s20;
	[dreg:$0x1c] =	wrdreg s23  }
0x4b: {  	s3 =	sshrl.u32 s3, $0x3;
	s4 =	sadd.s32 s9, s22;
	[dreg:$0x1d] =	wrdreg s8  }
0x4c: {  	s15 =	sadd.s32 s14, s3;
	[dreg:$0x1f] =	wrdreg s4  }
0x4d: {  	s10 =	sshrl.u32 s5, $0x3;
	s3 =	sadd.s32 s9, s3;
	[smem:$0x7BD] =	sst s15  }
0x4e: {  	s21 =	sadd.s32 s14, s10;
	[smem:$0x7BE] =	sst s3  }
0x4f: {  	[smem:$0x7BF] =	sst s21  }
0x50: {  	s23 =	sld [smem:$0x7C3]  }
0x51: {  	s20 =	sshrl.u32 s7, $0x3;
	s8 =	sadd.s32 s9, s24;
	s24 =	sld [smem:$0x7C4]  }
0x52: {  	s22 =	sadd.s32 s14, s20;
	s14 =	rddreg [dreg:$0x0]  }
0x53: {  	s4 =	sadd.s32 s9, s10;
	[smem:$0x7BC] =	sst s8  }
0x54: {  	[smem:$0x7C0] =	sst s4  }
0x55: {  	s13 =	sshrl.u32 s13, $0x3;
	s3 =	sadd.s32 s9, s20;
	[smem:$0x7C1] =	sst s22  }
0x56: {  	s9 =	sshrl.u32 s18, $0x3;
	s10 =	sshrl.u32 s19, $0x3;
	[smem:$0x7C2] =	sst s3  }
0x57: {  	s3 =	sshrl.u32 s16, $0x3;
	s16 =	rddreg [dreg:$0x3];
	s21 =	sadd.s32 s14, s9  }
0x58: {  	s6 =	sshrl.u32 s6, $0x3;
	s22 =	sadd.s32 s14, s10;
	[smem:$0x7CB] =	sst s21  }
0x59: {  	s8 =	sshrl.u32 s17, $0x3;
	s26 =	sadd.s32 s14, s3;
	[smem:$0x7CC] =	sst s22  }
0x5a: {  	s11 =	sshrl.u32 s11, $0x3;
	s20 =	sadd.s32 s14, s8;
	[smem:$0x7C6] =	sst s26  }
0x5b: {  	s7 =	sshrl.u32 s25, $0x3;
	s25 =	sadd.s32 s14, s11;
	[smem:$0x7CA] =	sst s20  }
0x5c: {  	s12 =	sshrl.u32 s12, $0x3;
	s19 =	sadd.s32 s14, s7;
	[smem:$0x7CF] =	sst s25  }
0x5d: {  	s4 =	sshrl.u32 s23, $0x3;
	s23 =	sadd.s32 s14, s13;
	[smem:$0x7C9] =	sst s19  }
0x5e: {  	s5 =	sshrl.u32 s24, $0x3;
	s24 =	sadd.s32 s14, s6;
	[smem:$0x7CD] =	sst s23  }
0x5f: {  	s26 =	sadd.s32 s14, s12;
	[smem:$0x7CE] =	sst s24  }
0x60: {  	s25 =	sadd.s32 s16, s7;
	[smem:$0x7D0] =	sst s26  }
0x61: {  	s17 =	sadd.s32 s14, s4;
	[smem:$0x7D9] =	sst s25  }
0x62: {  	s1 =	sshrl.u32 s1, $0x3;
	s18 =	sadd.s32 s14, s5;
	[smem:$0x7C7] =	sst s17  }
0x63: {  	s15 =	sshrl.u32 s2, $0x3;
	s19 =	sadd.s32 s16, s3;
	[smem:$0x7C8] =	sst s18  }
0x64: {  	s17 =	sadd.s32 s14, s1;
	s18 =	sadd.s32 s14, s15;
	s14 =	rddreg [dreg:$0x4]  }
0x65: {  	s21 =	sadd.s32 s16, s4;
	[smem:$0x7D3] =	sst s19  }
0x66: {  	s23 =	sadd.s32 s16, s5;
	[smem:$0x7D5] =	sst s21  }
0x67: {  	[smem:$0x7D7] =	sst s23  }
0x68: {  	[smem:$0x7D1] =	sst s17  }
0x69: {  	s19 =	sadd.s32 s16, s11;
	[smem:$0x7D2] =	sst s18  }
0x6a: {  	s21 =	sadd.s32 s16, s12;
	[smem:$0x7E5] =	sst s19  }
0x6b: {  	s23 =	sadd.s32 s16, s1;
	[smem:$0x7E7] =	sst s21  }
0x6c: {  	s20 =	sadd.s32 s14, s3;
	[smem:$0x7E9] =	sst s23  }
0x6d: {  	s22 =	sadd.s32 s14, s4;
	[smem:$0x7D4] =	sst s20  }
0x6e: {  	s24 =	sadd.s32 s14, s5;
	[smem:$0x7D6] =	sst s22  }
0x6f: {  	s26 =	sadd.s32 s14, s7;
	[smem:$0x7D8] =	sst s24  }
0x70: {  	s3 =	sadd.s32 s16, s8;
	[smem:$0x7DA] =	sst s26  }
0x71: {  	s4 =	sadd.s32 s14, s8;
	[smem:$0x7DB] =	sst s3  }
0x72: {  	s5 =	sadd.s32 s16, s9;
	[smem:$0x7DC] =	sst s4  }
0x73: {  	s7 =	sadd.s32 s14, s9;
	[smem:$0x7DD] =	sst s5  }
0x74: {  	s8 =	sadd.s32 s16, s10;
	[smem:$0x7DE] =	sst s7  }
0x75: {  	s9 =	sadd.s32 s14, s10;
	[smem:$0x7DF] =	sst s8  }
0x76: {  	s10 =	sadd.s32 s16, s13;
	[smem:$0x7E0] =	sst s9  }
0x77: {  	s13 =	sadd.s32 s14, s13;
	[smem:$0x7E1] =	sst s10  }
0x78: {  	p5 =	seq.s32 s0, $0x0;
	s17 =	sadd.s32 s16, s6;
	[smem:$0x7E2] =	sst s13  }
0x79: {  	p0 =	seq.s32 @!p5 s0, $0x1;
	s18 =	sadd.s32 s14, s6;
	[smem:$0x7E3] =	sst s17  }
0x7a: {  	p1 =	por p0, p5;
	s1 =	sadd.s32 s14, s1;
	[smem:$0x7E4] =	sst s18  }
0x7b: {  	p1 =	seq.s32 @!p1 s0, $0x2;
	s25 =	sadd.s32 s14, s15;
	[smem:$0x7EA] =	sst s1  }
0x7c: {  	p1 =	por @!p5 !p1, p0;
	s20 =	sadd.s32 s14, s11;
	[smem:$0x7EC] =	sst s25  }
0x7d: {  	p0 =	por !p0, p5;
	s22 =	sadd.s32 s14, s12;
	[smem:$0x7E6] =	sst s20  }
0x7e: {  	s24 =	sadd.s32 s16, s15;
	s1 =	simm.s32 @!p0 $0x0;
	[smem:$0x7E8] =	sst s22  }
0x7f: {  	[smem:$0x7EB] =	sst s24;
	s1 =	simm.s32 @p0 $0x1;
	p0 =	por p1, p5  }
0x80: {  	_ =	strace $0x80000047;
	[smem:$0x7EE] =	sst s1;
	s1 =	simm.s32 @!p0 $0x0  }
0x81: {  	p2 =	seq.s32 s0, $0x9;
	p1 =	por !p1, p5;
	s1 =	simm.s32 @p0 $0x1  }
0x82: {  	p0 =	sne.s32 @!p2 s0, $0x8;
	[smem:$0x7EF] =	sst s1;
	s1 =	simm.s32 @!p1 $0x0  }
0x83: {  	s1 =	simm.s32 @p1 $0x1;
	p1 =	por p0, p2  }
0x84: {  	s30 =	simm.s32 $0xB;
	[smem:$0x7F0] =	sst s1;
	s1 =	simm.s32 @!p1 $0x0  }
0x85: {  	s29 =	simm.s32 $0xE780;
	s31 =	stileid.u32;
	s1 =	simm.s32 @p1 $0x1  }
0x86: {  	s2 =	simm.s32 $0xD780;
	[smem:$0x7F1] =	sst s1;
	s1 =	simm.s32 @!p2 $0x0  }
0x87: {  	s6 =	simm.s32 $0xDB80;
	p0 =	por !p0, p2;
	s1 =	simm.s32 @p2 $0x1  }
0x88: {  	p1 =	seq.s32 s0, $0xB;
	[smem:$0x7F2] =	sst s1;
	s1 =	simm.s32 @!p0 $0x0  }
0x89: {  	s19 =	simm.s32 $0xD;
	s1 =	simm.s32 @p0 $0x1;
	p0 =	sne.s32 @!p1 s0, $0xA  }
0x8a: {  	s21 =	simm.s32 $0x10;
	s23 =	simm.s32 $0xF;
	p3 =	por p0, p1  }
0x8b: {  	s15 =	simm.s32 $0x80;
	[smem:$0x7F3] =	sst s1;
	s1 =	simm.s32 @!p3 $0x0  }
0x8c: {  	s16 =	simm.s32 $0x400;
	s5 =	simm.s32 $0xC380;
	s1 =	simm.s32 @p3 $0x1  }
0x8d: {  	s7 =	simm.s32 $0xC780;
	[smem:$0x7F4] =	sst s1;
	s1 =	simm.s32 @!p1 $0x0  }
0x8e: {  	s25 =	simm.s32 $0xCF80;
	p0 =	por !p0, p1;
	s1 =	simm.s32 @p1 $0x1  }
0x8f: {  	p2 =	seq.s32 s0, $0xD;
	[smem:$0x7F5] =	sst s1;
	s1 =	simm.s32 @!p0 $0x0  }
0x90: {  	s8 =	simm.s32 $0xDF80;
	s1 =	simm.s32 @p0 $0x1;
	p0 =	sne.s32 @!p2 s0, $0xC  }
0x91: {  	s11 =	simm.s32 $0xE380;
	s13 =	simm.s32 $0xEF80;
	p1 =	por p0, p2  }
0x92: {  	s17 =	simm.s32 $0xF380;
	[smem:$0x7F6] =	sst s1;
	s1 =	simm.s32 @!p1 $0x0  }
0x93: {  	s3 =	simm.s32 $0x1;
	s10 =	simm.s32 $0xA;
	s1 =	simm.s32 @p1 $0x1  }
0x94: {  	s12 =	simm.s32 $0xC;
	[smem:$0x7F7] =	sst s1;
	s1 =	simm.s32 @!p2 $0x0  }
0x95: {  	s9 =	simm.s32 $0xF780;
	p0 =	por !p0, p2;
	s1 =	simm.s32 @p2 $0x1  }
0x96: {  	s18 =	simm.s32 $0xFF80;
	[smem:$0x7F8] =	sst s1;
	s1 =	simm.s32 @!p0 $0x0  }
0x97: {  	s14 =	simm.s32 $0xFB80;
	s1 =	simm.s32 @p0 $0x1;
	p0 =	seq.s32 s0, $0x6  }
0x98: {  	s4 =	simm.s32 $0x10380;
	[smem:$0x7F9] =	sst s1;
	s1 =	simm.s32 @!p0 $0x0  }
0x99: {  	s26 =	sld [smem:$0x7ED];
	s1 =	simm.s32 @p0 $0x1;
	p0 =	seq.s32 s0, $0x7  }
0x9a: {  	s22 =	simm.s32 $0xCB80;
	[smem:$0x7FA] =	sst s1;
	s1 =	simm.s32 @!p0 $0x0  }
.Ltmp0:
0x9b: {  	s1 =	simm.s32 @p0 $0x1;
	p0 =	sgt.s32 s0, $0x2;
	(pc) =	sbr.rel .LBB2_1-.Ltmp0, $4  }
0x9c: {  	s20 =	simm.s32 $0xE;
	s24 =	simm.s32 $0x11;
	s0 =	simm.s32 @!p0 $0x0  }
0x9d: {  	[smem:$0x7FB] =	sst s1;
	s1 =	simm.s32 @!p5 $0x0;
	s0 =	simm.s32 @p0 $0x1  }
0x9e: {  	s28 =	smax.u32 s26, $0x1;
	s1 =	simm.s32 @p5 $0x1;
	[smem:$0x7FC] =	sst s0  }
0x9f: {  	s26 =	simm.s32 $0xEB80;
	s0 =	simm.s32 $0xD380;
	[smem:$0x7FD] =	sst s1  }
.LBB2_6:
0xa0: {  	s0 =	simm.s32 $0x6  }
0xa1: {  	_ =	swait.ge [sflag:s0], $0x30E0  }
0xa2: {  	[sflag:s0] =	ssyncset.done $0x0  }
0xa3: {  	[sflag:s0] =	ssyncadd.s32 $0xFFFFCF20  }
0xa4: {  	[bflag:$0x0] =	sbarrier.arrive $0xFFFF  }
0xa5: {  	s29 =	sld [smem:$0x7FB];
	_ =	sdelay $0x2  }
0xa6: {  	s31 =	sld [smem:$0x7FA];
	p0 =	seq.s32 s29, $0x1  }
0xa7: {  	s0 =	simm.s32 @!p0 $0x0  }
0xa8: {  	s0 =	simm.s32 @p0 $0x1  }
0xa9: {  	p2 =	seq.s32 s31, $0x1;
	[smem:$0x7AB] =	sst s0  }
.LBB2_10:
0xaa: {  	s0 =	simm.s32 @!p2 $0x0;
	s31 =	rddreg [dreg:$0x5]  }
0xab: {  	s17 =	rddreg [dreg:$0x6];
	s0 =	simm.s32 @p2 $0x1  }
0xac: {  	[tilespmem:s9], [sflag:$0xA] =	stream.indirect.gather [spmem:s31], $0x1, s5, s16, $0xb8;
	[tilespmem:$0x10780] =	vst v63  }
0xad: {  	[smem:$0x7A6] =	sst s0;
	s0 =	simm.s32 @p4 $0x3  }
0xae: {  	[tilespmem:s18], [sflag:$0xC] =	stream.indirect.gather [spmem:s17], $0x1, s5, s16, $0xb8;
	[tilespmem:$0x10780] =	vst v63  }
0xaf: {  	_ =	swait.ge @p4 [sflag:s0], $0x30E0  }
0xb0: {  	s5 =	sld [smem:$0x7B0];
	_ =	sdelay $0x2  }
0xb1: {  	[sflag:s0] =	ssyncset.done @p4 $0x0;
	p0 =	seq.s32 s5, $0x1  }
0xb2: {  	[sflag:s0] =	ssyncadd.s32 @p4 $0xFFFFCF20;
	s0 =	simm.s32 @!p0 $0x0  }
0xb3: {  	s0 =	simm.s32 @p0 $0x1  }
0xb4: {  	[smem:$0x7B0] =	sst s0;
	s0 =	simm.s32 @p0 $0x7  }
0xb5: {  	_ =	swait.ge @p0 [sflag:s0], $0x30E0  }
0xb6: {  	[sflag:s0] =	ssyncset.done @p0 $0x0  }
0xb7: {  	[sflag:s0] =	ssyncadd.s32 @p0 $0xFFFFCF20;
	s0 =	simm.s32 @p0 $0x7  }
0xb8: {  	[smem:$0x7A7] =	sst s0  }
0xb9: {  	_ =	swait.ge [sflag:s10], $0x400  }
0xba: {  	[sflag:s10] =	ssyncset.done $0x0  }
0xbb: {  	[sflag:s10] =	ssyncadd.s32 $0xFFFFFC00  }
0xbc: {  	_ =	swait.ge [sflag:s12], $0x400  }
0xbd: {  	[sflag:s12] =	ssyncset.done $0x0  }
0xbe: {  	[sflag:s12] =	ssyncadd.s32 $0xFFFFFC00  }
0xbf: {  	[bflag:$0x0] =	sbarrier.arrive $0xFFFF  }
0xc0: {  	s6 =	sld [smem:$0x7F2];
	_ =	sdelay $0x2  }
0xc1: {  	p0 =	seq.s32 s6, $0x1  }
0xc2: {  	s2 =	rddreg [dreg:$0x16];
	s1 =	sshrl.u32 @p0 s17, $0x3;
	s6 =	simm.s32 @p0 $0x1  }
0xc3: {  	s8 =	simm.s32 @p0 $0x10;
	s11 =	simm.s32 @p0 $0x80;
	s26 =	simm.s32 @p0 $0x1E46  }
0xc4: {  	[spmem:s1@s8], [sflag:s26] =	dma.strided @p0 [hbm:s2@s11], $0x30E0, s6, $0x10   }
0xc5: {  	s8 =	sld [smem:$0x7F1];
	_ =	sdelay $0x2  }
0xc6: {  	p1 =	seq.s32 s8, $0x1  }
0xc7: {  	s2 =	rddreg [dreg:$0x17];
	s1 =	sshrl.u32 @!p1 s31, $0x3;
	s6 =	simm.s32 @!p1 $0x1  }
0xc8: {  	s8 =	simm.s32 @!p1 $0x10;
	s11 =	simm.s32 @!p1 $0x80;
	s26 =	simm.s32 @!p1 $0x1E02  }
0xc9: {  	[spmem:s1@s8], [sflag:s26] =	dma.strided @!p1 [hbm:s2@s11], $0x30E0, s6, $0x10   }
0xca: {  	s5 =	rddreg [dreg:$0x7]  }
0xcb: {  	s2 =	rddreg [dreg:$0x8]  }
0xcc: {  	s17 =	sld [smem:$0x7B1]  }
0xcd: {  	[tilespmem:s14], [sflag:$0xB] =	stream.indirect.gather [spmem:s5], $0x1, s7, s16, $0xb8;
	[tilespmem:$0x10780] =	vst v63  }
0xce: {  	s1 =	sld [smem:$0x7D3]  }
0xcf: {  	[tilespmem:s4], [sflag:$0xD] =	stream.indirect.gather [spmem:s2], $0x1, s7, s16, $0xb8;
	[tilespmem:$0x10780] =	vst v63  }
0xd0: {  	p3 =	seq.s32 s17, $0x1  }
0xd1: {  	s11 =	sld [smem:$0x7D4];
	s0 =	simm.s32 @!p3 $0x0  }
0xd2: {  	[hbm4b:s1+s15] =	stream.strided.scatter [tilespmem:s9], [sflag:$0xE], $0x400, s16, s15, $0x38;
	[tilespmem:$0x10780] =	vst v63  }
0xd3: {  	s0 =	simm.s32 @p3 $0x1  }
0xd4: {  	[smem:$0x7B1] =	sst s0;
	s0 =	simm.s32 @p3 $0x4  }
0xd5: {  	[hbm4b:s11+s15] =	stream.strided.scatter [tilespmem:s18], [sflag:$0x10], $0x400, s16, s15, $0x38;
	[tilespmem:$0x10780] =	vst v63  }
0xd6: {  	_ =	swait.ge @p3 [sflag:s0], $0x30E0  }
0xd7: {  	s26 =	sld [smem:$0x7AF];
	_ =	sdelay $0x1  }
0xd8: {  	[sflag:s0] =	ssyncset.done @p3 $0x0  }
0xd9: {  	[sflag:s0] =	ssyncadd.s32 @p3 $0xFFFFCF20;
	s0 =	simm.s32 @p3 $0x4;
	p3 =	seq.s32 s26, $0x1  }
0xda: {  	[smem:$0x7AA] =	sst s0;
	s0 =	simm.s32 @!p3 $0x0  }
0xdb: {  	s0 =	simm.s32 @p3 $0x1  }
0xdc: {  	[smem:$0x7AF] =	sst s0;
	s0 =	simm.s32 @p3 $0x8  }
0xdd: {  	_ =	swait.ge @p3 [sflag:s0], $0x30E0  }
0xde: {  	[sflag:s0] =	ssyncset.done @p3 $0x0  }
0xdf: {  	[sflag:s0] =	ssyncadd.s32 @p3 $0xFFFFCF20  }
0xe0: {  	_ =	swait.ge [sflag:s30], $0x400  }
0xe1: {  	[sflag:s30] =	ssyncset.done $0x0  }
0xe2: {  	[sflag:s30] =	ssyncadd.s32 $0xFFFFFC00  }
0xe3: {  	_ =	swait.ge [sflag:s19], $0x400  }
0xe4: {  	[sflag:s19] =	ssyncset.done $0x0  }
0xe5: {  	[sflag:s19] =	ssyncadd.s32 $0xFFFFFC00  }
0xe6: {  	_ =	swait.ge [sflag:s20], $0x400  }
0xe7: {  	[sflag:s20] =	ssyncset.done $0x0  }
0xe8: {  	[sflag:s20] =	ssyncadd.s32 $0xFFFFFC00  }
0xe9: {  	_ =	swait.ge [sflag:s21], $0x400  }
0xea: {  	[sflag:s21] =	ssyncset.done $0x0  }
0xeb: {  	[sflag:s21] =	ssyncadd.s32 $0xFFFFFC00  }
0xec: {  	[bflag:$0x0] =	sbarrier.arrive $0xFFFF  }
0xed: {  	s1 =	sld [smem:$0x7F5];
	_ =	sdelay $0x2  }
0xee: {  	s26 =	simm.s32 @p3 $0x8;
	p3 =	seq.s32 s1, $0x1  }
0xef: {  	s1 =	sshrl.u32 @p3 s2, $0x3;
	s6 =	simm.s32 @p3 $0x1;
	s8 =	simm.s32 @p3 $0x10  }
0xf0: {  	s11 =	simm.s32 @p3 $0x80;
	s29 =	simm.s32 @p3 $0x1EC7;
	s2 =	rddreg [dreg:$0x18]  }
0xf1: {  	[spmem:s1@s8], [sflag:s29] =	dma.strided @p3 [hbm:s2@s11], $0x30E0, s6, $0x10   }
0xf2: {  	s2 =	sld [smem:$0x7F4];
	_ =	sdelay $0x2  }
0xf3: {  	p5 =	seq.s32 s2, $0x1  }
0xf4: {  	s2 =	rddreg [dreg:$0x19];
	s1 =	sshrl.u32 @!p5 s5, $0x3;
	s6 =	simm.s32 @!p5 $0x1  }
0xf5: {  	s8 =	simm.s32 @!p5 $0x10;
	s11 =	simm.s32 @!p5 $0x80;
	s29 =	simm.s32 @!p5 $0x1E83  }
0xf6: {  	[spmem:s1@s8], [sflag:s29] =	dma.strided @!p5 [hbm:s2@s11], $0x30E0, s6, $0x10   }
0xf7: {  	s0 =	rddreg [dreg:$0x9]  }
0xf8: {  	s2 =	rddreg [dreg:$0xa]  }
0xf9: {  	[tilespmem:s9], [sflag:$0xA] =	stream.indirect.gather [spmem:s0], $0x1, s22, s16, $0xb8;
	[tilespmem:$0x10780] =	vst v63  }
0xfa: {  	s1 =	sld [smem:$0x7D5]  }
0xfb: {  	[tilespmem:s18], [sflag:$0xC] =	stream.indirect.gather [spmem:s2], $0x1, s22, s16, $0xb8;
	[tilespmem:$0x10780] =	vst v63  }
0xfc: {  	s5 =	sld [smem:$0x7D6]  }
0xfd: {  	[hbm4b:s1+s15] =	stream.strided.scatter [tilespmem:s14], [sflag:$0xF], $0x400, s16, s15, $0x38;
	[tilespmem:$0x10780] =	vst v63  }
0xfe: {  	s8 =	simm.s32 @p2 $0x5  }
0xff: {  	[hbm4b:s5+s15] =	stream.strided.scatter [tilespmem:s4], [sflag:$0x11], $0x400, s16, s15, $0x38;
	[tilespmem:$0x10780] =	vst v63  }
0x100: {  	_ =	swait.ge @p2 [sflag:s8], $0x30E0  }
0x101: {  	s6 =	sld [smem:$0x7AB];
	_ =	sdelay $0x2  }
0x102: {  	s13 =	simm.s32 @p4 $0x3;
	p4 =	seq.s32 s6, $0x1  }
0x103: {  	s1 =	simm.s32 @!p4 $0x0  }
0x104: {  	[sflag:s8] =	ssyncset.done @p2 $0x0;
	s1 =	simm.s32 @p4 $0x1  }
0x105: {  	[sflag:s8] =	ssyncadd.s32 @p2 $0xFFFFCF20;
	[smem:$0x7AB] =	sst s1;
	s1 =	simm.s32 @p4 $0x9  }
0x106: {  	_ =	swait.ge @p4 [sflag:s1], $0x30E0  }
0x107: {  	[sflag:s1] =	ssyncset.done @p4 $0x0  }
0x108: {  	[sflag:s1] =	ssyncadd.s32 @p4 $0xFFFFCF20  }
0x109: {  	_ =	swait.ge [sflag:s10], $0x400  }
0x10a: {  	[sflag:s10] =	ssyncset.done $0x0  }
0x10b: {  	[sflag:s10] =	ssyncadd.s32 $0xFFFFFC00  }
0x10c: {  	_ =	swait.ge [sflag:s12], $0x400  }
0x10d: {  	[sflag:s12] =	ssyncset.done $0x0  }
0x10e: {  	[sflag:s12] =	ssyncadd.s32 $0xFFFFFC00  }
0x10f: {  	_ =	swait.ge [sflag:s23], $0x400  }
0x110: {  	[sflag:s23] =	ssyncset.done $0x0  }
0x111: {  	[sflag:s23] =	ssyncadd.s32 $0xFFFFFC00  }
0x112: {  	_ =	swait.ge [sflag:s24], $0x400  }
0x113: {  	[sflag:s24] =	ssyncset.done $0x0  }
0x114: {  	[sflag:s24] =	ssyncadd.s32 $0xFFFFFC00  }
0x115: {  	[bflag:$0x0] =	sbarrier.arrive $0xFFFF  }
0x116: {  	s7 =	sld [smem:$0x7F8];
	_ =	sdelay $0x2  }
0x117: {  	p2 =	seq.s32 s7, $0x1  }
0x118: {  	s5 =	rddreg [dreg:$0x1a];
	s6 =	sshrl.u32 @p2 s2, $0x3;
	s11 =	simm.s32 @p2 $0x1  }
0x119: {  	s29 =	simm.s32 @p2 $0x10;
	s7 =	simm.s32 @p2 $0x80;
	s2 =	simm.s32 @p2 $0x1F48  }
0x11a: {  	[spmem:s6@s29], [sflag:s2] =	dma.strided @p2 [hbm:s5@s7], $0x30E0, s11, $0x10   }
0x11b: {  	s2 =	sld [smem:$0x7F7];
	_ =	sdelay $0x2  }
0x11c: {  	p2 =	seq.s32 s2, $0x1  }
0x11d: {  	s5 =	rddreg [dreg:$0x1b];
	s2 =	sshrl.u32 @!p2 s0, $0x3;
	s6 =	simm.s32 @!p2 $0x1  }
0x11e: {  	s7 =	simm.s32 @!p2 $0x10;
	s11 =	simm.s32 @!p2 $0x80;
	s29 =	simm.s32 @!p2 $0x1F04  }
0x11f: {  	[spmem:s2@s7], [sflag:s29] =	dma.strided @!p2 [hbm:s5@s11], $0x30E0, s6, $0x10   }
0x120: {  	s28 =	rddreg [dreg:$0xb]  }
0x121: {  	s17 =	rddreg [dreg:$0xc]  }
0x122: {  	s2 =	sld [smem:$0x7D7]  }
0x123: {  	[tilespmem:s14], [sflag:$0xB] =	stream.indirect.gather [spmem:s28], $0x1, s25, s16, $0xb8;
	[tilespmem:$0x10780] =	vst v63  }
0x124: {  	s0 =	stileid.u32;
	s22 =	sld [smem:$0x7F3]  }
0x125: {  	[tilespmem:s4], [sflag:$0xD] =	stream.indirect.gather [spmem:s17], $0x1, s25, s16, $0xb8;
	[tilespmem:$0x10780] =	vst v63  }
0x126: {  	p6 =	por $0x0, $0x0;
	p4 =	sne.s32 s0, $0x8;
	s11 =	sld [smem:$0x7D8]  }
0x127: {  	[hbm4b:s2+s15] =	stream.strided.scatter [tilespmem:s9], [sflag:$0xE], $0x400, s16, s15, $0x38;
	[tilespmem:$0x10780] =	vst v63  }
0x128: {  	p2 =	por @!p1 $0x0, $0x0;
	p1 =	seq.s32 s22, $0x1;
	s2 =	simm.s32 @!p4 $0x0  }
0x129: {  	p2 =	por @!p1 p6, p6;
	p1 =	por @p0 $0x1, $0x1;
	s2 =	simm.s32 @p4 $0x1  }
0x12a: {  	[hbm4b:s11+s15] =	stream.strided.scatter [tilespmem:s18], [sflag:$0x10], $0x400, s16, s15, $0x38;
	[tilespmem:$0x10780] =	vst v63  }
0x12b: {  	s6 =	simm.s32 @!p4 $0x2;
	p1 =	por @!p0 p2, p2;
	[smem:$0x7A8] =	sst s2  }
0x12c: {  	s2 =	simm.s32 @!p1 $0x0;
	_ =	swait.ge @!p4 [sflag:s6], $0x30E0  }
0x12d: {  	s2 =	simm.s32 @p1 $0x1;
	[sflag:s6] =	ssyncset.done @!p4 $0x0  }
0x12e: {  	s11 =	simm.s32 @p1 $0x6;
	[smem:$0x7A9] =	sst s2;
	[sflag:s6] =	ssyncadd.s32 @!p4 $0xFFFFCF20  }
0x12f: {  	_ =	swait.ge @p1 [sflag:s11], $0x30E0  }
0x130: {  	[sflag:s11] =	ssyncset.done @p1 $0x0  }
0x131: {  	[sflag:s11] =	ssyncadd.s32 @p1 $0xFFFFCF20  }
0x132: {  	_ =	swait.ge [sflag:s30], $0x400  }
0x133: {  	[sflag:s30] =	ssyncset.done $0x0  }
0x134: {  	[sflag:s30] =	ssyncadd.s32 $0xFFFFFC00  }
0x135: {  	_ =	swait.ge [sflag:s19], $0x400  }
0x136: {  	[sflag:s19] =	ssyncset.done $0x0  }
0x137: {  	[sflag:s19] =	ssyncadd.s32 $0xFFFFFC00  }
0x138: {  	_ =	swait.ge [sflag:s20], $0x400  }
0x139: {  	[sflag:s20] =	ssyncset.done $0x0  }
0x13a: {  	[sflag:s20] =	ssyncadd.s32 $0xFFFFFC00  }
0x13b: {  	_ =	swait.ge [sflag:s21], $0x400  }
0x13c: {  	p2 =	seq.s32 s0, $0xF;
	[sflag:s21] =	ssyncset.done $0x0  }
0x13d: {  	s7 =	simm.s32 @p2 $0x1;
	s29 =	simm.s32 @p2 $0x10;
	[sflag:s21] =	ssyncadd.s32 $0xFFFFFC00  }
0x13e: {  	s5 =	simm.s32 @p2 $0x80;
	s22 =	simm.s32 @p2 $0x1FC9;
	[bflag:$0x0] =	sbarrier.arrive $0xFFFF  }
0x13f: {  	p0 =	sne.s32 @!p2 s0, $0xE;
	s2 =	sshrl.u32 @p2 s17, $0x3;
	s25 =	rddreg [dreg:$0x1c]  }
0x140: {  	[spmem:s2@s29], [sflag:s22] =	dma.strided @p2 [hbm:s25@s5], $0x30E0, s7, $0x10   }
0x141: {  	s2 =	simm.s32 @!p0 $0x0  }
0x142: {  	s2 =	simm.s32 @p0 $0x1;
	p0 =	por p0, p2;
	s25 =	rddreg [dreg:$0x1d]  }
0x143: {  	[smem:$0x7A5] =	sst s2;
	s2 =	simm.s32 @!p0 $0x0;
	s5 =	simm.s32 @!p0 $0x1  }
0x144: {  	s7 =	simm.s32 @!p0 $0x10;
	s22 =	simm.s32 @!p0 $0x80;
	s2 =	simm.s32 @p0 $0x1  }
0x145: {  	s29 =	simm.s32 @!p0 $0x1F85;
	[smem:$0x7A4] =	sst s2;
	s2 =	sshrl.u32 @!p0 s28, $0x3  }
0x146: {  	[spmem:s2@s7], [sflag:s29] =	dma.strided @!p0 [hbm:s25@s22], $0x30E0, s5, $0x10   }
0x147: {  	s25 =	simm.s32 $0xD380  }
0x148: {  	[tilespmem:s9], [sflag:$0xA] =	stream.indirect.gather [spmem:s31], $0x1, s25, s16, $0xb8;
	[tilespmem:$0x10780] =	vst v63  }
0x149: {  	s5 =	smov.u32 s31;
	s31 =	rddreg [dreg:$0x6]  }
0x14a: {  	s7 =	sld [smem:$0x7D9]  }
0x14b: {  	[tilespmem:s18], [sflag:$0xC] =	stream.indirect.gather [spmem:s31], $0x1, s25, s16, $0xb8;
	[tilespmem:$0x10780] =	vst v63  }
0x14c: {  	s22 =	sld [smem:$0x7DA]  }
0x14d: {  	[hbm4b:s7+s15] =	stream.strided.scatter [tilespmem:s14], [sflag:$0xF], $0x400, s16, s15, $0x38;
	[tilespmem:$0x10780] =	vst v63  }
0x14e: {  	s7 =	sld [smem:$0x7F6]  }
0x14f: {  	p6 =	por $0x0, $0x0;
	p4 =	sne.s32 s0, $0xA  }
0x150: {  	[hbm4b:s22+s15] =	stream.strided.scatter [tilespmem:s4], [sflag:$0x11], $0x400, s16, s15, $0x38;
	[tilespmem:$0x10780] =	vst v63  }
0x151: {  	s2 =	simm.s32 @!p4 $0x3;
	p0 =	por @!p5 $0x0, $0x0;
	p1 =	seq.s32 s7, $0x1  }
0x152: {  	_ =	swait.ge @!p4 [sflag:s2], $0x30E0;
	p0 =	por @!p1 p6, p6;
	p1 =	por @p3 $0x1, $0x1  }
0x153: {  	[sflag:s2] =	ssyncset.done @!p4 $0x0;
	p1 =	por @!p3 p0, p0  }
0x154: {  	[sflag:s2] =	ssyncadd.s32 @!p4 $0xFFFFCF20;
	s2 =	simm.s32 @p1 $0x7  }
0x155: {  	_ =	swait.ge @p1 [sflag:s2], $0x30E0  }
0x156: {  	[sflag:s2] =	ssyncset.done @p1 $0x0  }
0x157: {  	[sflag:s2] =	ssyncadd.s32 @p1 $0xFFFFCF20  }
0x158: {  	_ =	swait.ge [sflag:s10], $0x400  }
0x159: {  	[sflag:s10] =	ssyncset.done $0x0  }
0x15a: {  	[sflag:s10] =	ssyncadd.s32 $0xFFFFFC00  }
0x15b: {  	_ =	swait.ge [sflag:s12], $0x400  }
0x15c: {  	[sflag:s12] =	ssyncset.done $0x0  }
0x15d: {  	[sflag:s12] =	ssyncadd.s32 $0xFFFFFC00  }
0x15e: {  	_ =	swait.ge [sflag:s23], $0x400  }
0x15f: {  	[sflag:s23] =	ssyncset.done $0x0  }
0x160: {  	[sflag:s23] =	ssyncadd.s32 $0xFFFFFC00  }
0x161: {  	_ =	swait.ge [sflag:s24], $0x400  }
0x162: {  	p6 =	sne.s32 s0, $0x0;
	[sflag:s24] =	ssyncset.done $0x0  }
0x163: {  	s7 =	simm.s32 @!p6 $0x10;
	[sflag:s24] =	ssyncadd.s32 $0xFFFFFC00  }
0x164: {  	s22 =	simm.s32 @!p6 $0x80;
	s29 =	simm.s32 @!p6 $0x1C02;
	[bflag:$0x0] =	sbarrier.arrive $0xFFFF  }
0x165: {  	s2 =	sshrl.u32 @!p6 s5, $0x3;
	s5 =	simm.s32 @!p6 $0x1;
	s25 =	rddreg [dreg:$0x1e]  }
0x166: {  	[spmem:s2@s7], [sflag:s29] =	dma.strided @!p6 [hbm:s25@s22], $0x30E0, s5, $0x10   }
0x167: {  	s2 =	sld [smem:$0x7AE];
	_ =	sdelay $0x2  }
0x168: {  	s25 =	rddreg [dreg:$0x1f];
	p5 =	seq.s32 s2, $0x1  }
0x169: {  	s2 =	sshll.u32 @p5 s0, $0x6;
	s5 =	sshrl.u32 @p5 s31, $0x3;
	s7 =	simm.s32 @p5 $0x1  }
0x16a: {  	s22 =	simm.s32 @p5 $0x10;
	s29 =	simm.s32 @p5 $0x80;
	s2 =	sor.u32 @p5 $0x1C06, s2  }
0x16b: {  	[spmem:s5@s22], [sflag:s2] =	dma.strided @p5 [hbm:s25@s29], $0x30E0, s7, $0x10   }
0x16c: {  	s5 =	rddreg [dreg:$0x7]  }
0x16d: {  	s25 =	simm.s32 $0xD780;
	s31 =	rddreg [dreg:$0x8]  }
0x16e: {  	[tilespmem:s14], [sflag:$0xB] =	stream.indirect.gather [spmem:s5], $0x1, s25, s16, $0xb8;
	[tilespmem:$0x10780] =	vst v63  }
0x16f: {  	s7 =	sld [smem:$0x7DB]  }
0x170: {  	[tilespmem:s4], [sflag:$0xD] =	stream.indirect.gather [spmem:s31], $0x1, s25, s16, $0xb8;
	[tilespmem:$0x10780] =	vst v63  }
0x171: {  	p0 =	sne.s32 s0, $0xC;
	s22 =	sld [smem:$0x7DC]  }
0x172: {  	[hbm4b:s7+s15] =	stream.strided.scatter [tilespmem:s9], [sflag:$0xE], $0x400, s16, s15, $0x38;
	[tilespmem:$0x10780] =	vst v63  }
0x173: {  	s2 =	simm.s32 @!p0 $0x4;
	s7 =	sld [smem:$0x7F7]  }
0x174: {  	[hbm4b:s22+s15] =	stream.strided.scatter [tilespmem:s18], [sflag:$0x10], $0x400, s16, s15, $0x38;
	[tilespmem:$0x10780] =	vst v63  }
0x175: {  	s25 =	sld [smem:$0x7F9];
	_ =	swait.ge @!p0 [sflag:s2], $0x30E0  }
0x176: {  	s22 =	sld [smem:$0x7F8]  }
0x177: {  	p1 =	seq.s32 s7, $0x1  }
0x178: {  	p4 =	por $0x0, $0x0;
	p3 =	seq.s32 s25, $0x1;
	p1 =	por @!p1 $0x0, $0x0  }
0x179: {  	p1 =	por @!p3 p4, p4;
	p3 =	seq.s32 s22, $0x1  }
0x17a: {  	p4 =	por @p3 $0x1, $0x1  }
0x17b: {  	[sflag:s2] =	ssyncset.done @!p0 $0x0;
	p4 =	por @!p3 p1, p1  }
0x17c: {  	[sflag:s2] =	ssyncadd.s32 @!p0 $0xFFFFCF20;
	s2 =	simm.s32 @p4 $0x8  }
0x17d: {  	_ =	swait.ge @p4 [sflag:s2], $0x30E0  }
0x17e: {  	[sflag:s2] =	ssyncset.done @p4 $0x0  }
0x17f: {  	[sflag:s2] =	ssyncadd.s32 @p4 $0xFFFFCF20  }
0x180: {  	_ =	swait.ge [sflag:s30], $0x400  }
0x181: {  	[sflag:s30] =	ssyncset.done $0x0  }
0x182: {  	[sflag:s30] =	ssyncadd.s32 $0xFFFFFC00  }
0x183: {  	_ =	swait.ge [sflag:s19], $0x400  }
0x184: {  	[sflag:s19] =	ssyncset.done $0x0  }
0x185: {  	[sflag:s19] =	ssyncadd.s32 $0xFFFFFC00  }
0x186: {  	_ =	swait.ge [sflag:s20], $0x400  }
0x187: {  	[sflag:s20] =	ssyncset.done $0x0  }
0x188: {  	[sflag:s20] =	ssyncadd.s32 $0xFFFFFC00  }
0x189: {  	_ =	swait.ge [sflag:s21], $0x400  }
0x18a: {  	[sflag:s21] =	ssyncset.done $0x0;
	s25 =	sld [smem:$0x7AD]  }
0x18b: {  	[sflag:s21] =	ssyncadd.s32 $0xFFFFFC00  }
0x18c: {  	[bflag:$0x0] =	sbarrier.arrive $0xFFFF  }
0x18d: {  	p0 =	seq.s32 s25, $0x1;
	s25 =	sld [smem:$0x7BB]  }
0x18e: {  	s2 =	sshll.u32 @p0 s0, $0x6;
	s5 =	sshrl.u32 @p0 s5, $0x3;
	s7 =	simm.s32 @p0 $0x1  }
0x18f: {  	s22 =	simm.s32 @p0 $0x10;
	s29 =	simm.s32 @p0 $0x80;
	s2 =	sor.u32 @p0 $0x1C03, s2  }
0x190: {  	[spmem:s5@s22], [sflag:s2] =	dma.strided @p0 [hbm:s25@s29], $0x30E0, s7, $0x10   }
0x191: {  	s2 =	sld [smem:$0x7B0];
	_ =	sdelay $0x2  }
0x192: {  	s25 =	sld [smem:$0x7BC];
	p0 =	seq.s32 s2, $0x1  }
0x193: {  	s2 =	sshll.u32 @p0 s0, $0x6;
	s5 =	sshrl.u32 @p0 s31, $0x3;
	s7 =	simm.s32 @p0 $0x1  }
0x194: {  	s22 =	simm.s32 @p0 $0x10;
	s29 =	simm.s32 @p0 $0x80;
	s2 =	sor.u32 @p0 $0x1C07, s2  }
0x195: {  	[spmem:s5@s22], [sflag:s2] =	dma.strided @p0 [hbm:s25@s29], $0x30E0, s7, $0x10   }
0x196: {  	s5 =	rddreg [dreg:$0x9]  }
0x197: {  	s31 =	rddreg [dreg:$0xa]  }
0x198: {  	s7 =	simm.s32 $0xDB80;
	s22 =	sld [smem:$0x7DD]  }
0x199: {  	[tilespmem:s9], [sflag:$0xA] =	stream.indirect.gather [spmem:s5], $0x1, s7, s16, $0xb8;
	[tilespmem:$0x10780] =	vst v63  }
0x19a: {  	s25 =	sld [smem:$0x7DE]  }
0x19b: {  	[tilespmem:s18], [sflag:$0xC] =	stream.indirect.gather [spmem:s31], $0x1, s7, s16, $0xb8;
	[tilespmem:$0x10780] =	vst v63  }
0x19c: {  	s7 =	sld [smem:$0x7A4]  }
0x19d: {  	[hbm4b:s22+s15] =	stream.strided.scatter [tilespmem:s14], [sflag:$0xF], $0x400, s16, s15, $0x38;
	[tilespmem:$0x10780] =	vst v63  }
0x19e: {  	s22 =	sld [smem:$0x7A5]  }
0x19f: {  	p4 =	por $0x0, $0x0  }
0x1a0: {  	[hbm4b:s25+s15] =	stream.strided.scatter [tilespmem:s4], [sflag:$0x11], $0x400, s16, s15, $0x38;
	[tilespmem:$0x10780] =	vst v63  }
0x1a1: {  	p0 =	sne.s32 s0, $0xE;
	p1 =	seq.s32 s7, $0x1;
	p3 =	seq.s32 s22, $0x1  }
0x1a2: {  	s2 =	simm.s32 @!p0 $0x5;
	p1 =	por @!p1 $0x0, $0x0;
	p3 =	por !p3, p2  }
0x1a3: {  	_ =	swait.ge @!p0 [sflag:s2], $0x30E0;
	p1 =	por @!p3 p4, p4;
	p4 =	por @p2 $0x1, $0x1  }
0x1a4: {  	[sflag:s2] =	ssyncset.done @!p0 $0x0;
	p4 =	por @!p2 p1, p1  }
0x1a5: {  	[sflag:s2] =	ssyncadd.s32 @!p0 $0xFFFFCF20;
	s2 =	simm.s32 @p4 $0x9  }
0x1a6: {  	_ =	swait.ge @p4 [sflag:s2], $0x30E0  }
0x1a7: {  	[sflag:s2] =	ssyncset.done @p4 $0x0  }
0x1a8: {  	[sflag:s2] =	ssyncadd.s32 @p4 $0xFFFFCF20  }
0x1a9: {  	_ =	swait.ge [sflag:s10], $0x400  }
0x1aa: {  	[sflag:s10] =	ssyncset.done $0x0  }
0x1ab: {  	[sflag:s10] =	ssyncadd.s32 $0xFFFFFC00  }
0x1ac: {  	_ =	swait.ge [sflag:s12], $0x400  }
0x1ad: {  	[sflag:s12] =	ssyncset.done $0x0  }
0x1ae: {  	[sflag:s12] =	ssyncadd.s32 $0xFFFFFC00  }
0x1af: {  	_ =	swait.ge [sflag:s23], $0x400  }
0x1b0: {  	[sflag:s23] =	ssyncset.done $0x0  }
0x1b1: {  	[sflag:s23] =	ssyncadd.s32 $0xFFFFFC00  }
0x1b2: {  	_ =	swait.ge [sflag:s24], $0x400  }
0x1b3: {  	[sflag:s24] =	ssyncset.done $0x0;
	s25 =	sld [smem:$0x7B1]  }
0x1b4: {  	[sflag:s24] =	ssyncadd.s32 $0xFFFFFC00  }
0x1b5: {  	[bflag:$0x0] =	sbarrier.arrive $0xFFFF  }
0x1b6: {  	p4 =	por p6, p6;
	p6 =	seq.s32 s25, $0x1;
	s25 =	sld [smem:$0x7BD]  }
0x1b7: {  	s2 =	sshll.u32 @p6 s0, $0x6;
	s5 =	sshrl.u32 @p6 s5, $0x3;
	s7 =	simm.s32 @p6 $0x1  }
0x1b8: {  	s22 =	simm.s32 @p6 $0x10;
	s29 =	simm.s32 @p6 $0x80;
	s2 =	sor.u32 @p6 $0x1C04, s2  }
0x1b9: {  	[spmem:s5@s22], [sflag:s2] =	dma.strided @p6 [hbm:s25@s29], $0x30E0, s7, $0x10   }
0x1ba: {  	s2 =	sld [smem:$0x7AF];
	_ =	sdelay $0x2  }
0x1bb: {  	s25 =	sld [smem:$0x7BE];
	p0 =	seq.s32 s2, $0x1  }
0x1bc: {  	s2 =	sshll.u32 @p0 s0, $0x6;
	s5 =	sshrl.u32 @p0 s31, $0x3;
	s7 =	simm.s32 @p0 $0x1  }
0x1bd: {  	s22 =	simm.s32 @p0 $0x10;
	s29 =	simm.s32 @p0 $0x80;
	s2 =	sor.u32 @p0 $0x1C08, s2  }
0x1be: {  	[spmem:s5@s22], [sflag:s2] =	dma.strided @p0 [hbm:s25@s29], $0x30E0, s7, $0x10   }
0x1bf: {  	s7 =	simm.s32 $0xDF80  }
0x1c0: {  	[tilespmem:s14], [sflag:$0xB] =	stream.indirect.gather [spmem:s28], $0x1, s7, s16, $0xb8;
	[tilespmem:$0x10780] =	vst v63  }
0x1c1: {  	s22 =	sld [smem:$0x7DF]  }
0x1c2: {  	[tilespmem:s4], [sflag:$0xD] =	stream.indirect.gather [spmem:s17], $0x1, s7, s16, $0xb8;
	[tilespmem:$0x10780] =	vst v63  }
0x1c3: {  	s25 =	sld [smem:$0x7E0]  }
0x1c4: {  	[hbm4b:s22+s15] =	stream.strided.scatter [tilespmem:s9], [sflag:$0xE], $0x400, s16, s15, $0x38;
	[tilespmem:$0x10780] =	vst v63  }
0x1c5: {  	s2 =	simm.s32 @!p4 $0x2  }
0x1c6: {  	[hbm4b:s25+s15] =	stream.strided.scatter [tilespmem:s18], [sflag:$0x10], $0x400, s16, s15, $0x38;
	[tilespmem:$0x10780] =	vst v63  }
0x1c7: {  	_ =	swait.ge @!p4 [sflag:s2], $0x30E0  }
0x1c8: {  	[sflag:s2] =	ssyncset.done @!p4 $0x0  }
0x1c9: {  	[sflag:s2] =	ssyncadd.s32 @!p4 $0xFFFFCF20;
	s2 =	simm.s32 @p5 $0x6  }
0x1ca: {  	_ =	swait.ge @p5 [sflag:s2], $0x30E0  }
0x1cb: {  	[sflag:s2] =	ssyncset.done @p5 $0x0  }
0x1cc: {  	[sflag:s2] =	ssyncadd.s32 @p5 $0xFFFFCF20  }
0x1cd: {  	_ =	swait.ge [sflag:s30], $0x400  }
0x1ce: {  	[sflag:s30] =	ssyncset.done $0x0  }
0x1cf: {  	[sflag:s30] =	ssyncadd.s32 $0xFFFFFC00  }
0x1d0: {  	_ =	swait.ge [sflag:s19], $0x400  }
0x1d1: {  	[sflag:s19] =	ssyncset.done $0x0  }
0x1d2: {  	[sflag:s19] =	ssyncadd.s32 $0xFFFFFC00  }
0x1d3: {  	_ =	swait.ge [sflag:s20], $0x400  }
0x1d4: {  	[sflag:s20] =	ssyncset.done $0x0  }
0x1d5: {  	[sflag:s20] =	ssyncadd.s32 $0xFFFFFC00  }
0x1d6: {  	_ =	swait.ge [sflag:s21], $0x400  }
0x1d7: {  	[sflag:s21] =	ssyncset.done $0x0;
	s5 =	sld [smem:$0x7A6]  }
0x1d8: {  	[sflag:s21] =	ssyncadd.s32 $0xFFFFFC00  }
0x1d9: {  	[bflag:$0x0] =	sbarrier.arrive $0xFFFF  }
0x1da: {  	p5 =	seq.s32 s5, $0x1;
	s25 =	sld [smem:$0x7BF]  }
0x1db: {  	s2 =	sshll.u32 @p5 s0, $0x6;
	s5 =	sshrl.u32 @p5 s28, $0x3;
	s7 =	simm.s32 @p5 $0x1  }
0x1dc: {  	s22 =	simm.s32 @p5 $0x10;
	s29 =	simm.s32 @p5 $0x80;
	s2 =	sor.u32 @p5 $0x1C05, s2  }
0x1dd: {  	[spmem:s5@s22], [sflag:s2] =	dma.strided @p5 [hbm:s25@s29], $0x30E0, s7, $0x10   }
0x1de: {  	s2 =	sld [smem:$0x7AB];
	_ =	sdelay $0x2  }
0x1df: {  	s25 =	sld [smem:$0x7C0];
	p1 =	seq.s32 s2, $0x1  }
0x1e0: {  	s2 =	sshll.u32 @p1 s0, $0x6;
	s5 =	sshrl.u32 @p1 s17, $0x3;
	s7 =	simm.s32 @p1 $0x1  }
0x1e1: {  	s22 =	simm.s32 @p1 $0x10;
	s29 =	simm.s32 @p1 $0x80;
	s2 =	sor.u32 @p1 $0x1C09, s2  }
0x1e2: {  	[spmem:s5@s22], [sflag:s2] =	dma.strided @p1 [hbm:s25@s29], $0x30E0, s7, $0x10   }
0x1e3: {  	s5 =	rddreg [dreg:$0x5]  }
0x1e4: {  	s7 =	simm.s32 $0xE380;
	s28 =	rddreg [dreg:$0x6]  }
0x1e5: {  	[tilespmem:s9], [sflag:$0xA] =	stream.indirect.gather [spmem:s5], $0x1, s7, s16, $0xb8;
	[tilespmem:$0x10780] =	vst v63  }
0x1e6: {  	s22 =	sld [smem:$0x7E1]  }
0x1e7: {  	[tilespmem:s18], [sflag:$0xC] =	stream.indirect.gather [spmem:s28], $0x1, s7, s16, $0xb8;
	[tilespmem:$0x10780] =	vst v63  }
0x1e8: {  	s7 =	sld [smem:$0x7AD]  }
0x1e9: {  	s25 =	sld [smem:$0x7E2]  }
0x1ea: {  	[hbm4b:s22+s15] =	stream.strided.scatter [tilespmem:s14], [sflag:$0xF], $0x400, s16, s15, $0x38;
	[tilespmem:$0x10780] =	vst v63  }
0x1eb: {  	p2 =	seq.s32 s7, $0x1  }
0x1ec: {  	[hbm4b:s25+s15] =	stream.strided.scatter [tilespmem:s4], [sflag:$0x11], $0x400, s16, s15, $0x38;
	[tilespmem:$0x10780] =	vst v63  }
0x1ed: {  	_ =	swait.ge @p2 [sflag:s13], $0x30E0  }
0x1ee: {  	s22 =	sld [smem:$0x7B0]  }
0x1ef: {  	s2 =	sld [smem:$0x7A7]  }
0x1f0: {  	[sflag:s13] =	ssyncset.done @p2 $0x0  }
0x1f1: {  	[sflag:s13] =	ssyncadd.s32 @p2 $0xFFFFCF20;
	p2 =	seq.s32 s22, $0x1  }
0x1f2: {  	_ =	swait.ge @p2 [sflag:s2], $0x30E0  }
0x1f3: {  	[sflag:s2] =	ssyncset.done @p2 $0x0  }
0x1f4: {  	[sflag:s2] =	ssyncadd.s32 @p2 $0xFFFFCF20  }
0x1f5: {  	_ =	swait.ge [sflag:s10], $0x400  }
0x1f6: {  	[sflag:s10] =	ssyncset.done $0x0  }
0x1f7: {  	[sflag:s10] =	ssyncadd.s32 $0xFFFFFC00  }
0x1f8: {  	_ =	swait.ge [sflag:s12], $0x400  }
0x1f9: {  	[sflag:s12] =	ssyncset.done $0x0  }
0x1fa: {  	[sflag:s12] =	ssyncadd.s32 $0xFFFFFC00  }
0x1fb: {  	_ =	swait.ge [sflag:s23], $0x400  }
0x1fc: {  	[sflag:s23] =	ssyncset.done $0x0  }
0x1fd: {  	[sflag:s23] =	ssyncadd.s32 $0xFFFFFC00  }
0x1fe: {  	_ =	swait.ge [sflag:s24], $0x400  }
0x1ff: {  	[sflag:s24] =	ssyncset.done $0x0  }
0x200: {  	[sflag:s24] =	ssyncadd.s32 $0xFFFFFC00  }
0x201: {  	[bflag:$0x0] =	sbarrier.arrive $0xFFFF  }
0x202: {  	s25 =	sld [smem:$0x7A8];
	_ =	sdelay $0x2  }
0x203: {  	p2 =	seq.s32 s25, $0x1;
	s25 =	sld [smem:$0x7C1]  }
0x204: {  	s2 =	sshrl.u32 @!p2 s5, $0x3;
	s5 =	simm.s32 @!p2 $0x1  }
0x205: {  	s7 =	simm.s32 @!p2 $0x10;
	s22 =	simm.s32 @!p2 $0x80;
	s29 =	simm.s32 @!p2 $0x1E02  }
0x206: {  	[spmem:s2@s7], [sflag:s29] =	dma.strided @!p2 [hbm:s25@s22], $0x30E0, s5, $0x10   }
0x207: {  	s2 =	sld [smem:$0x7A9];
	_ =	sdelay $0x2  }
0x208: {  	s25 =	sld [smem:$0x7C2];
	p3 =	seq.s32 s2, $0x1  }
0x209: {  	s2 =	sshll.u32 @p3 s0, $0x6;
	s5 =	sshrl.u32 @p3 s28, $0x3;
	s7 =	simm.s32 @p3 $0x1  }
0x20a: {  	s22 =	simm.s32 @p3 $0x10;
	s29 =	simm.s32 @p3 $0x80;
	s2 =	sor.u32 @p3 $0x1C06, s2  }
0x20b: {  	[spmem:s5@s22], [sflag:s2] =	dma.strided @p3 [hbm:s25@s29], $0x30E0, s7, $0x10   }
0x20c: {  	s2 =	rddreg [dreg:$0x7]  }
0x20d: {  	s29 =	simm.s32 $0xE780;
	s13 =	rddreg [dreg:$0x8]  }
0x20e: {  	[tilespmem:s14], [sflag:$0xB] =	stream.indirect.gather [spmem:s2], $0x1, s29, s16, $0xb8;
	[tilespmem:$0x10780] =	vst v63  }
0x20f: {  	s2 =	sld [smem:$0x7E3]  }
0x210: {  	[tilespmem:s4], [sflag:$0xD] =	stream.indirect.gather [spmem:s13], $0x1, s29, s16, $0xb8;
	[tilespmem:$0x10780] =	vst v63  }
0x211: {  	s0 =	sld [smem:$0x7E4]  }
0x212: {  	[hbm4b:s2+s15] =	stream.strided.scatter [tilespmem:s9], [sflag:$0xE], $0x400, s16, s15, $0x38;
	[tilespmem:$0x10780] =	vst v63  }
0x213: {  	_ = 	snop  }
0x214: {  	[hbm4b:s0+s15] =	stream.strided.scatter [tilespmem:s18], [sflag:$0x10], $0x400, s16, s15, $0x38;
	[tilespmem:$0x10780] =	vst v63  }
0x215: {  	s0 =	sld [smem:$0x7AA];
	_ =	sdelay $0x2  }
0x216: {  	_ =	swait.ge @p6 [sflag:s0], $0x30E0  }
0x217: {  	[sflag:s0] =	ssyncset.done @p6 $0x0  }
0x218: {  	[sflag:s0] =	ssyncadd.s32 @p6 $0xFFFFCF20  }
0x219: {  	_ =	swait.ge @p0 [sflag:s26], $0x30E0  }
0x21a: {  	[sflag:s26] =	ssyncset.done @p0 $0x0  }
0x21b: {  	[sflag:s26] =	ssyncadd.s32 @p0 $0xFFFFCF20  }
0x21c: {  	_ =	swait.ge [sflag:s30], $0x400  }
0x21d: {  	[sflag:s30] =	ssyncset.done $0x0  }
0x21e: {  	[sflag:s30] =	ssyncadd.s32 $0xFFFFFC00  }
0x21f: {  	_ =	swait.ge [sflag:s19], $0x400  }
0x220: {  	[sflag:s19] =	ssyncset.done $0x0  }
0x221: {  	[sflag:s19] =	ssyncadd.s32 $0xFFFFFC00  }
0x222: {  	_ =	swait.ge [sflag:s20], $0x400  }
0x223: {  	[sflag:s20] =	ssyncset.done $0x0  }
0x224: {  	[sflag:s20] =	ssyncadd.s32 $0xFFFFFC00  }
0x225: {  	_ =	swait.ge [sflag:s21], $0x400  }
0x226: {  	[sflag:s21] =	ssyncset.done $0x0  }
0x227: {  	[sflag:s21] =	ssyncadd.s32 $0xFFFFFC00  }
0x228: {  	[bflag:$0x0] =	sbarrier.arrive $0xFFFF  }
0x229: {  	s13 =	rddreg [dreg:$0x9]  }
0x22a: {  	s26 =	simm.s32 $0xEB80;
	s2 =	rddreg [dreg:$0xa]  }
0x22b: {  	[tilespmem:s9], [sflag:$0xA] =	stream.indirect.gather [spmem:s13], $0x1, s26, s16, $0xb8;
	[tilespmem:$0x10780] =	vst v63  }
0x22c: {  	s13 =	sld [smem:$0x7E5]  }
0x22d: {  	[tilespmem:s18], [sflag:$0xC] =	stream.indirect.gather [spmem:s2], $0x1, s26, s16, $0xb8;
	[tilespmem:$0x10780] =	vst v63  }
0x22e: {  	s0 =	sld [smem:$0x7E6]  }
0x22f: {  	[hbm4b:s13+s15] =	stream.strided.scatter [tilespmem:s14], [sflag:$0xF], $0x400, s16, s15, $0x38;
	[tilespmem:$0x10780] =	vst v63  }
0x230: {  	_ = 	snop  }
0x231: {  	[hbm4b:s0+s15] =	stream.strided.scatter [tilespmem:s4], [sflag:$0x11], $0x400, s16, s15, $0x38;
	[tilespmem:$0x10780] =	vst v63  }
0x232: {  	_ =	swait.ge @p5 [sflag:s8], $0x30E0  }
0x233: {  	[sflag:s8] =	ssyncset.done @p5 $0x0  }
0x234: {  	[sflag:s8] =	ssyncadd.s32 @p5 $0xFFFFCF20  }
0x235: {  	_ =	swait.ge @p1 [sflag:s1], $0x30E0  }
0x236: {  	[sflag:s1] =	ssyncset.done @p1 $0x0  }
0x237: {  	[sflag:s1] =	ssyncadd.s32 @p1 $0xFFFFCF20  }
0x238: {  	_ =	swait.ge [sflag:s10], $0x400  }
0x239: {  	[sflag:s10] =	ssyncset.done $0x0  }
0x23a: {  	[sflag:s10] =	ssyncadd.s32 $0xFFFFFC00  }
0x23b: {  	_ =	swait.ge [sflag:s12], $0x400  }
0x23c: {  	[sflag:s12] =	ssyncset.done $0x0  }
0x23d: {  	[sflag:s12] =	ssyncadd.s32 $0xFFFFFC00  }
0x23e: {  	_ =	swait.ge [sflag:s23], $0x400  }
0x23f: {  	[sflag:s23] =	ssyncset.done $0x0  }
0x240: {  	[sflag:s23] =	ssyncadd.s32 $0xFFFFFC00  }
0x241: {  	_ =	swait.ge [sflag:s24], $0x400  }
0x242: {  	[sflag:s24] =	ssyncset.done $0x0  }
0x243: {  	[sflag:s24] =	ssyncadd.s32 $0xFFFFFC00  }
0x244: {  	[bflag:$0x0] =	sbarrier.arrive $0xFFFF  }
0x245: {  	s1 =	simm.s32 $0xEF80;
	s13 =	rddreg [dreg:$0xb]  }
0x246: {  	[tilespmem:s14], [sflag:$0xB] =	stream.indirect.gather [spmem:s13], $0x1, s1, s16, $0xb8;
	[tilespmem:$0x10780] =	vst v63  }
0x247: {  	s13 =	simm.s32 $0xEF80  }
0x248: {  	[tilespmem:s4], [sflag:$0xD] =	stream.indirect.gather [spmem:s17], $0x1, s13, s16, $0xb8;
	[tilespmem:$0x10780] =	vst v63  }
0x249: {  	s17 =	sld [smem:$0x7E7];
	_ =	sdelay $0x1  }
0x24a: {  	s0 =	sld [smem:$0x7E8]  }
0x24b: {  	[hbm4b:s17+s15] =	stream.strided.scatter [tilespmem:s9], [sflag:$0xE], $0x400, s16, s15, $0x38;
	[tilespmem:$0x10780] =	vst v63  }
0x24c: {  	_ = 	snop  }
0x24d: {  	[hbm4b:s0+s15] =	stream.strided.scatter [tilespmem:s18], [sflag:$0x10], $0x400, s16, s15, $0x38;
	[tilespmem:$0x10780] =	vst v63  }
0x24e: {  	_ =	swait.ge @!p2 [sflag:s6], $0x30E0  }
0x24f: {  	[sflag:s6] =	ssyncset.done @!p2 $0x0  }
0x250: {  	[sflag:s6] =	ssyncadd.s32 @!p2 $0xFFFFCF20  }
0x251: {  	_ =	swait.ge @p3 [sflag:s11], $0x30E0  }
0x252: {  	[sflag:s11] =	ssyncset.done @p3 $0x0  }
0x253: {  	[sflag:s11] =	ssyncadd.s32 @p3 $0xFFFFCF20  }
0x254: {  	_ =	swait.ge [sflag:s30], $0x400  }
0x255: {  	[sflag:s30] =	ssyncset.done $0x0  }
0x256: {  	[sflag:s30] =	ssyncadd.s32 $0xFFFFFC00  }
0x257: {  	_ =	swait.ge [sflag:s19], $0x400  }
0x258: {  	[sflag:s19] =	ssyncset.done $0x0  }
0x259: {  	[sflag:s19] =	ssyncadd.s32 $0xFFFFFC00  }
0x25a: {  	_ =	swait.ge [sflag:s20], $0x400  }
0x25b: {  	[sflag:s20] =	ssyncset.done $0x0  }
0x25c: {  	[sflag:s20] =	ssyncadd.s32 $0xFFFFFC00  }
0x25d: {  	_ =	swait.ge [sflag:s21], $0x400  }
0x25e: {  	[sflag:s21] =	ssyncset.done $0x0  }
0x25f: {  	[sflag:s21] =	ssyncadd.s32 $0xFFFFFC00  }
0x260: {  	[bflag:$0x0] =	sbarrier.arrive $0xFFFF  }
0x261: {  	s17 =	simm.s32 $0xF380;
	s1 =	rddreg [dreg:$0x5]  }
0x262: {  	[tilespmem:s9], [sflag:$0xA] =	stream.indirect.gather [spmem:s1], $0x1, s17, s16, $0xb8;
	[tilespmem:$0x10780] =	vst v63  }
0x263: {  	s1 =	sld [smem:$0x7E9]  }
0x264: {  	[tilespmem:s18], [sflag:$0xC] =	stream.indirect.gather [spmem:s28], $0x1, s17, s16, $0xb8;
	[tilespmem:$0x10780] =	vst v63  }
0x265: {  	_ = 	snop  }
0x266: {  	[hbm4b:s1+s15] =	stream.strided.scatter [tilespmem:s14], [sflag:$0xF], $0x400, s16, s15, $0x38;
	[tilespmem:$0x10780] =	vst v63  }
0x267: {  	s1 =	sld [smem:$0x7EA];
	_ =	sdelay $0x2  }
0x268: {  	[hbm4b:s1+s15] =	stream.strided.scatter [tilespmem:s4], [sflag:$0x11], $0x400, s16, s15, $0x38;
	[tilespmem:$0x10780] =	vst v63  }
0x269: {  	_ =	swait.ge [sflag:s10], $0x400  }
0x26a: {  	[sflag:s10] =	ssyncset.done $0x0  }
0x26b: {  	[sflag:s10] =	ssyncadd.s32 $0xFFFFFC00  }
0x26c: {  	_ =	swait.ge [sflag:s12], $0x400  }
0x26d: {  	s1 =	sld [smem:$0x7EB]  }
0x26e: {  	[sflag:s12] =	ssyncset.done $0x0  }
0x26f: {  	[sflag:s12] =	ssyncadd.s32 $0xFFFFFC00  }
0x270: {  	[hbm4b:s1+s15] =	stream.strided.scatter [tilespmem:s9], [sflag:$0xE], $0x400, s16, s15, $0x38;
	[tilespmem:$0x10780] =	vst v63  }
0x271: {  	s1 =	sld [smem:$0x7EC];
	_ =	sdelay $0x2  }
0x272: {  	[hbm4b:s1+s15] =	stream.strided.scatter [tilespmem:s18], [sflag:$0x10], $0x400, s16, s15, $0x38;
	[tilespmem:$0x10780] =	vst v63  }
0x273: {  	_ =	swait.ge [sflag:s23], $0x400  }
0x274: {  	[sflag:s23] =	ssyncset.done $0x0  }
0x275: {  	[sflag:s23] =	ssyncadd.s32 $0xFFFFFC00  }
0x276: {  	_ =	swait.ge [sflag:s24], $0x400  }
0x277: {  	[sflag:s24] =	ssyncset.done $0x0  }
0x278: {  	[sflag:s24] =	ssyncadd.s32 $0xFFFFFC00  }
0x279: {  	_ =	swait.ge [sflag:s20], $0x400  }
0x27a: {  	[sflag:s20] =	ssyncset.done $0x0  }
0x27b: {  	[sflag:s20] =	ssyncadd.s32 $0xFFFFFC00  }
0x27c: {  	_ =	swait.ge [sflag:s21], $0x400  }
0x27d: {  	s28 =	sld [smem:$0x7AC];
	_ =	sdelay $0x2  }
0x27e: {  	s28 =	sadd.s32 $0xFFFFFFFF, s28  }
0x27f: {  	p0 =	sne.s32 s28, $0x0  }
.Ltmp1:
0x280: {  	s31 =	stileid.u32;
	s25 =	simm.s32 $0xCF80;
	(pc) =	sbr.rel @!p0 .LBB2_11-.Ltmp1, $4  }
0x281: {  	s22 =	simm.s32 $0xCB80;
	s7 =	simm.s32 $0xC780;
	s1 =	sld [smem:$0x7FD]  }
0x282: {  	s5 =	simm.s32 $0xC380;
	s2 =	simm.s32 $0xD780;
	s8 =	simm.s32 $0xDF80  }
0x283: {  	s0 =	simm.s32 $0xD380;
	s6 =	simm.s32 $0xDB80;
	[sflag:s21] =	ssyncset.done $0x0  }
0x284: {  	s11 =	simm.s32 $0xE380;
	[sflag:s21] =	ssyncadd.s32 $0xFFFFFC00;
	p5 =	seq.s32 s1, $0x1  }
.LBB2_1:
0x285: {  	s1 =	sld [smem:$0x7C6];
	_ =	sdelay $0x2  }
0x286: {  	[tilespmem:s5], [sflag:$0x1] =	stream.strided.gather [hbm4b:s1+s15], $0x400, s16, s15, $0x38;
	[tilespmem:$0x10780] =	vst v63  }
0x287: {  	s1 =	sld [smem:$0x7C7];
	_ =	sdelay $0x2  }
0x288: {  	[tilespmem:s7], [sflag:$0x1] =	stream.strided.gather [hbm4b:s1+s15], $0x400, s16, s15, $0x38;
	[tilespmem:$0x10780] =	vst v63  }
0x289: {  	s1 =	sld [smem:$0x7C8];
	_ =	sdelay $0x2  }
0x28a: {  	[tilespmem:s22], [sflag:$0x1] =	stream.strided.gather [hbm4b:s1+s15], $0x400, s16, s15, $0x38;
	[tilespmem:$0x10780] =	vst v63  }
0x28b: {  	s1 =	sld [smem:$0x7C9];
	_ =	sdelay $0x2  }
0x28c: {  	[tilespmem:s25], [sflag:$0x1] =	stream.strided.gather [hbm4b:s1+s15], $0x400, s16, s15, $0x38;
	[tilespmem:$0x10780] =	vst v63  }
0x28d: {  	s1 =	sld [smem:$0x7CA];
	_ =	sdelay $0x2  }
0x28e: {  	[tilespmem:s0], [sflag:$0x1] =	stream.strided.gather [hbm4b:s1+s15], $0x400, s16, s15, $0x38;
	[tilespmem:$0x10780] =	vst v63  }
0x28f: {  	s0 =	sld [smem:$0x7CB];
	_ =	sdelay $0x2  }
0x290: {  	[tilespmem:s2], [sflag:$0x1] =	stream.strided.gather [hbm4b:s0+s15], $0x400, s16, s15, $0x38;
	[tilespmem:$0x10780] =	vst v63  }
0x291: {  	s2 =	sld [smem:$0x7CC];
	_ =	sdelay $0x1  }
0x292: {  	s0 =	sld [smem:$0x7CD]  }
0x293: {  	[tilespmem:s6], [sflag:$0x1] =	stream.strided.gather [hbm4b:s2+s15], $0x400, s16, s15, $0x38;
	[tilespmem:$0x10780] =	vst v63  }
0x294: {  	s2 =	sld [smem:$0x7CE]  }
0x295: {  	[tilespmem:s8], [sflag:$0x1] =	stream.strided.gather [hbm4b:s0+s15], $0x400, s16, s15, $0x38;
	[tilespmem:$0x10780] =	vst v63  }
0x296: {  	s6 =	sld [smem:$0x7CF]  }
0x297: {  	[tilespmem:s11], [sflag:$0x1] =	stream.strided.gather [hbm4b:s2+s15], $0x400, s16, s15, $0x38;
	[tilespmem:$0x10780] =	vst v63  }
0x298: {  	s8 =	sld [smem:$0x7D0]  }
0x299: {  	[tilespmem:s29], [sflag:$0x1] =	stream.strided.gather [hbm4b:s6+s15], $0x400, s16, s15, $0x38;
	[tilespmem:$0x10780] =	vst v63  }
0x29a: {  	s29 =	sld [smem:$0x7FC];
	_ =	sdelay $0x1  }
0x29b: {  	[tilespmem:s26], [sflag:$0x1] =	stream.strided.gather [hbm4b:s8+s15], $0x400, s16, s15, $0x38;
	[tilespmem:$0x10780] =	vst v63  }
0x29c: {  	s11 =	sld [smem:$0x7D1];
	p0 =	seq.s32 s29, $0x1  }
.Ltmp2:
0x29d: {  	_ = 	snop;
	(pc) =	sbr.rel @p0 .LBB2_3-.Ltmp2, $4  }
0x29e: {  	s26 =	sld [smem:$0x7D2]  }
0x29f: {  	[tilespmem:s13], [sflag:$0x1] =	stream.strided.gather [hbm4b:s11+s15], $0x400, s16, s15, $0x38;
	[tilespmem:$0x10780] =	vst v63  }
0x2a0: {  	_ = 	snop  }
0x2a1: {  	[tilespmem:s17], [sflag:$0x1] =	stream.strided.gather [hbm4b:s26+s15], $0x400, s16, s15, $0x38;
	[tilespmem:$0x10780] =	vst v63  }
0x2a2: {  	s1 =	rddreg [dreg:$0x5]  }
0x2a3: {  	s6 =	simm.s32 @p5 $0x1;
	s8 =	simm.s32 @p5 $0x10;
	s11 =	simm.s32 @p5 $0x80  }
0x2a4: {  	s26 =	simm.s32 @p5 $0x1C02;
	s2 =	rddreg [dreg:$0x13];
	s1 =	sshrl.u32 @p5 s1, $0x3  }
0x2a5: {  	[spmem:s1@s8], [sflag:s26] =	dma.strided @p5 [hbm:s2@s11], $0x30E0, s6, $0x10   }
0x2a6: {  	s0 =	sld [smem:$0x7EE];
	_ =	sdelay $0x2  }
0x2a7: {  	s1 =	rddreg [dreg:$0x6];
	p6 =	seq.s32 s0, $0x1  }
0x2a8: {  	s2 =	rddreg [dreg:$0x12];
	s1 =	sshrl.u32 @!p6 s1, $0x3;
	s6 =	simm.s32 @!p6 $0x1  }
0x2a9: {  	s8 =	simm.s32 @!p6 $0x10;
	s11 =	simm.s32 @!p6 $0x80;
	s26 =	simm.s32 @!p6 $0x1C46  }
0x2aa: {  	[spmem:s1@s8], [sflag:s26] =	dma.strided @!p6 [hbm:s2@s11], $0x30E0, s6, $0x10   }
0x2ab: {  	s26 =	sld [smem:$0x7EF];
	_ =	sdelay $0x2  }
0x2ac: {  	s1 =	rddreg [dreg:$0x7];
	p2 =	seq.s32 s26, $0x1  }
0x2ad: {  	s2 =	rddreg [dreg:$0x11];
	s1 =	sshrl.u32 @!p2 s1, $0x3;
	s6 =	simm.s32 @!p2 $0x1  }
0x2ae: {  	s8 =	simm.s32 @!p2 $0x10;
	s11 =	simm.s32 @!p2 $0x80;
	s26 =	simm.s32 @!p2 $0x1C83  }
0x2af: {  	[spmem:s1@s8], [sflag:s26] =	dma.strided @!p2 [hbm:s2@s11], $0x30E0, s6, $0x10   }
0x2b0: {  	s29 =	sld [smem:$0x7F0];
	_ =	sdelay $0x2  }
0x2b1: {  	p4 =	por $0x0, $0x0;
	p0 =	por @!p2 $0x0, $0x0;
	p1 =	seq.s32 s29, $0x1  }
0x2b2: {  	p2 =	por @!p2 $0x1, $0x1;
	p0 =	por @!p1 p4, p4  }
0x2b3: {  	p2 =	por @!p1 p4, p4;
	p1 =	por @!p6 $0x0, $0x0;
	p4 =	por @!p6 $0x1, $0x1  }
0x2b4: {  	p3 =	por p0, p0;
	p0 =	por @!p6 p4, p4;
	p4 =	por @p5 $0x0, $0x0  }
0x2b5: {  	p2 =	por @!p6 p1, p1;
	p4 =	por @!p5 p0, p0  }
0x2b6: {  	p3 =	por @!p6 p1, p1;
	p1 =	por @p5 $0x0, $0x0;
	s0 =	simm.s32 @!p4 $0x0  }
0x2b7: {  	p1 =	por @!p5 p3, p3;
	s0 =	simm.s32 @p4 $0x1  }
0x2b8: {  	p0 =	por @p5 $0x0, $0x0;
	[smem:$0x7AE] =	sst s0;
	s0 =	simm.s32 @!p1 $0x0  }
0x2b9: {  	p6 =	por @p5 $0x0, $0x0;
	p0 =	por @!p5 p3, p3;
	s0 =	simm.s32 @p1 $0x1  }
.Ltmp3:
0x2ba: {  	[smem:$0x7AF] =	sst s0;
	s0 =	simm.s32 @!p0 $0x0;
	(pc) =	sbr.rel .LBB2_4-.Ltmp3, $4  }
0x2bb: {  	p6 =	por @!p5 p3, p3;
	s0 =	simm.s32 @p0 $0x1  }
0x2bc: {  	[smem:$0x7B0] =	sst s0;
	s0 =	simm.s32 @!p6 $0x0  }
0x2bd: {  	p4 =	por @p5 $0x0, $0x0;
	s0 =	simm.s32 @p6 $0x1  }
0x2be: {  	p4 =	por @!p5 p2, p2;
	[smem:$0x7B1] =	sst s0  }
.LBB2_3:
0x2bf: {  	s0 =	stileid.u32;
	s1 =	rddreg [dreg:$0x8]  }
0x2c0: {  	s2 =	rddreg [dreg:$0x10];
	p0 =	seq.s32 s0, $0x3  }
0x2c1: {  	s1 =	sshrl.u32 @p0 s1, $0x3;
	s6 =	simm.s32 @p0 $0x1;
	s8 =	simm.s32 @p0 $0x10  }
0x2c2: {  	s11 =	simm.s32 @p0 $0x80;
	s26 =	simm.s32 @p0 $0x1CC7;
	p2 =	seq.s32 @!p0 s0, $0x4  }
0x2c3: {  	[spmem:s1@s8], [sflag:s26] =	dma.strided @p0 [hbm:s2@s11], $0x30E0, s6, $0x10   }
0x2c4: {  	p1 =	por !p2, p0;
	p3 =	por p2, p0  }
0x2c5: {  	s1 =	rddreg [dreg:$0x9];
	s6 =	simm.s32 @!p1 $0x1;
	s8 =	simm.s32 @!p1 $0x10  }
0x2c6: {  	s11 =	simm.s32 @!p1 $0x80;
	s26 =	simm.s32 @!p1 $0x1D04;
	p3 =	seq.s32 @!p3 s0, $0x5  }
0x2c7: {  	s2 =	rddreg [dreg:$0xf];
	s1 =	sshrl.u32 @!p1 s1, $0x3;
	p3 =	por @!p0 !p3, p2  }
0x2c8: {  	[spmem:s1@s8], [sflag:s26] =	dma.strided @!p1 [hbm:s2@s11], $0x30E0, s6, $0x10   }
0x2c9: {  	p6 =	por $0x0, $0x0;
	p4 =	por p3, p0;
	s1 =	rddreg [dreg:$0xa]  }
0x2ca: {  	s6 =	simm.s32 @!p4 $0x1;
	s8 =	simm.s32 @!p4 $0x10;
	s11 =	simm.s32 @!p4 $0x80  }
0x2cb: {  	s26 =	simm.s32 @!p4 $0x1D48;
	s2 =	rddreg [dreg:$0xe];
	s1 =	sshrl.u32 @!p4 s1, $0x3  }
0x2cc: {  	[spmem:s1@s8], [sflag:s26] =	dma.strided @!p4 [hbm:s2@s11], $0x30E0, s6, $0x10   }
0x2cd: {  	p3 =	por !p3, p0;
	p2 =	por @!p4 $0x0, $0x0;
	p4 =	por @!p4 $0x1, $0x1  }
0x2ce: {  	p5 =	por @!p1 $0x0, $0x0;
	p2 =	por @!p3 p6, p6;
	p4 =	por @!p3 p6, p6  }
0x2cf: {  	p3 =	por p2, p2;
	p6 =	por @!p1 $0x1, $0x1;
	p4 =	por @!p1 p5, p5  }
0x2d0: {  	p3 =	por @!p1 p5, p5;
	p2 =	por @!p1 p6, p6;
	p1 =	por @p0 $0x0, $0x0  }
0x2d1: {  	p1 =	por @!p0 p4, p4  }
0x2d2: {  	p4 =	por @p0 $0x1, $0x1;
	s0 =	simm.s32 @!p1 $0x0  }
0x2d3: {  	p4 =	por @!p0 p3, p3;
	s0 =	simm.s32 @p1 $0x1  }
0x2d4: {  	p1 =	por @p0 $0x0, $0x0;
	[smem:$0x7AF] =	sst s0;
	s0 =	simm.s32 @!p4 $0x0  }
0x2d5: {  	p1 =	por @!p0 p3, p3;
	s0 =	simm.s32 @p4 $0x1  }
0x2d6: {  	[smem:$0x7B0] =	sst s0;
	s0 =	simm.s32 @!p1 $0x0  }
0x2d7: {  	s0 =	simm.s32 @p1 $0x1;
	p1 =	por @p0 $0x0, $0x0  }
0x2d8: {  	s29 =	sld [smem:$0x7FD];
	p1 =	por @!p0 p2, p2  }
0x2d9: {  	[smem:$0x7AE] =	sst s0;
	s0 =	simm.s32 @!p1 $0x0  }
0x2da: {  	s31 =	stileid.u32;
	p4 =	por @p0 $0x0, $0x0;
	s0 =	simm.s32 @p1 $0x1  }
0x2db: {  	p5 =	seq.s32 s29, $0x1;
	p4 =	por @!p0 p3, p3;
	[smem:$0x7B1] =	sst s0  }
.LBB2_4:
0x2dc: {  	_ =	swait.ge [sflag:s3], $0x400  }
0x2dd: {  	[sflag:s3] =	ssyncset.done $0x0  }
0x2de: {  	[sflag:s3] =	ssyncadd.s32 $0xFFFFFC00  }
0x2df: {  	_ =	swait.ge [sflag:s3], $0x400  }
0x2e0: {  	[sflag:s3] =	ssyncset.done $0x0  }
0x2e1: {  	[sflag:s3] =	ssyncadd.s32 $0xFFFFFC00  }
0x2e2: {  	_ =	swait.ge [sflag:s3], $0x400  }
0x2e3: {  	[sflag:s3] =	ssyncset.done $0x0  }
0x2e4: {  	[sflag:s3] =	ssyncadd.s32 $0xFFFFFC00  }
0x2e5: {  	_ =	swait.ge [sflag:s3], $0x400  }
0x2e6: {  	[sflag:s3] =	ssyncset.done $0x0  }
0x2e7: {  	[sflag:s3] =	ssyncadd.s32 $0xFFFFFC00  }
0x2e8: {  	_ =	swait.ge [sflag:s3], $0x400  }
0x2e9: {  	[sflag:s3] =	ssyncset.done $0x0  }
0x2ea: {  	[sflag:s3] =	ssyncadd.s32 $0xFFFFFC00  }
0x2eb: {  	_ =	swait.ge [sflag:s3], $0x400  }
0x2ec: {  	[sflag:s3] =	ssyncset.done $0x0  }
0x2ed: {  	[sflag:s3] =	ssyncadd.s32 $0xFFFFFC00  }
0x2ee: {  	_ =	swait.ge [sflag:s3], $0x400  }
0x2ef: {  	[sflag:s3] =	ssyncset.done $0x0  }
0x2f0: {  	[sflag:s3] =	ssyncadd.s32 $0xFFFFFC00  }
0x2f1: {  	_ =	swait.ge [sflag:s3], $0x400  }
0x2f2: {  	[sflag:s3] =	ssyncset.done $0x0  }
0x2f3: {  	[sflag:s3] =	ssyncadd.s32 $0xFFFFFC00  }
0x2f4: {  	_ =	swait.ge [sflag:s3], $0x400  }
0x2f5: {  	[sflag:s3] =	ssyncset.done $0x0  }
0x2f6: {  	[sflag:s3] =	ssyncadd.s32 $0xFFFFFC00  }
0x2f7: {  	_ =	swait.ge [sflag:s3], $0x400  }
0x2f8: {  	[sflag:s3] =	ssyncset.done $0x0  }
0x2f9: {  	[sflag:s3] =	ssyncadd.s32 $0xFFFFFC00  }
0x2fa: {  	_ =	swait.ge [sflag:s3], $0x400  }
0x2fb: {  	[sflag:s3] =	ssyncset.done $0x0  }
0x2fc: {  	[sflag:s3] =	ssyncadd.s32 $0xFFFFFC00  }
0x2fd: {  	_ =	swait.ge [sflag:s3], $0x400  }
.Ltmp4:
0x2fe: {  	[sflag:s3] =	ssyncset.done $0x0;
	(pc) =	sbr.rel @p5 .LBB2_7-.Ltmp4, $4  }
0x2ff: {  	[sflag:s3] =	ssyncadd.s32 $0xFFFFFC00  }
0x300: {  	s0 =	simm.s32 @!p4 $0x0;
	_ =	swait.ge [sflag:s3], $0x400  }
0x301: {  	s0 =	simm.s32 @p4 $0x1;
	[sflag:s3] =	ssyncset.done $0x0;
	[smem:$0x7AC] =	sst s28  }
0x302: {  	[smem:$0x7AD] =	sst s0;
	[sflag:s3] =	ssyncadd.s32 $0xFFFFFC00  }
0x303: {  	s0 =	sld [smem:$0x7AE];
	_ =	sdelay $0x2  }
0x304: {  	p0 =	seq.s32 s0, $0x1  }
.Ltmp5:
0x305: {  	_ = 	snop;
	(pc) =	sbr.rel @p0 .LBB2_6-.Ltmp5, $1  }
0x306: {  	_ =	sdelay $0x3  }
0x307: {  	[bflag:$0x0] =	sbarrier.arrive $0xFFFF  }
0x308: {  	s1 =	sld [smem:$0x7FB];
	_ =	sdelay $0x1  }
0x309: {  	s0 =	rddreg [dreg:$0xc]  }
0x30a: {  	s2 =	rddreg [dreg:$0x14];
	p1 =	seq.s32 s1, $0x1  }
0x30b: {  	s1 =	sshrl.u32 @p1 s0, $0x3;
	s6 =	simm.s32 @p1 $0x1;
	s8 =	simm.s32 @p1 $0x10  }
0x30c: {  	s11 =	simm.s32 @p1 $0x80;
	s26 =	simm.s32 @p1 $0x1DC9;
	p0 =	sne.s32 @!p1 s31, $0x6  }
0x30d: {  	[spmem:s1@s8], [sflag:s26] =	dma.strided @p1 [hbm:s2@s11], $0x30E0, s6, $0x10   }
0x30e: {  	p6 =	por $0x0, $0x0;
	p4 =	por p1, p1;
	p2 =	por p0, p1  }
0x30f: {  	p5 =	por !p0, p1;
	p0 =	por @p1 $0x1, $0x1;
	s0 =	rddreg [dreg:$0xb]  }
0x310: {  	s6 =	simm.s32 @!p2 $0x1;
	s8 =	simm.s32 @!p2 $0x10;
	s11 =	simm.s32 @!p2 $0x80  }
0x311: {  	s26 =	simm.s32 @!p2 $0x1D85;
	s2 =	rddreg [dreg:$0x15];
	s1 =	sshrl.u32 @!p2 s0, $0x3  }
0x312: {  	[spmem:s1@s8], [sflag:s26] =	dma.strided @!p2 [hbm:s2@s11], $0x30E0, s6, $0x10   }
.Ltmp6:
0x313: {  	p4 =	por @!p5 p6, p6;
	p6 =	por $0x0, $0x0;
	(pc) =	sbr.rel .LBB2_10-.Ltmp6, $4  }
0x314: {  	p0 =	por @!p1 p4, p4;
	p2 =	por @!p2 $0x1, $0x1;
	s31 =	sld [smem:$0x7AD]  }
0x315: {  	p3 =	por @p1 $0x0, $0x0;
	s0 =	simm.s32 @!p0 $0x0;
	p2 =	por @!p5 p6, p6  }
0x316: {  	s0 =	simm.s32 @p0 $0x1;
	p3 =	por @!p1 p2, p2  }
0x317: {  	[smem:$0x7AB] =	sst s0;
	p2 =	por p3, p3;
	p4 =	seq.s32 s31, $0x1  }
.LBB2_7:
0x318: {  	s0 =	simm.s32 $0x2  }
0x319: {  	_ =	swait.ge [sflag:s0], $0x30E0  }
0x31a: {  	s31 =	sld [smem:$0x7AE];
	_ =	sdelay $0x2  }
0x31b: {  	p0 =	seq.s32 s31, $0x1  }
.Ltmp7:
0x31c: {  	_ = 	snop;
	(pc) =	sbr.rel @p0 .LBB2_6-.Ltmp7, $3  }
0x31d: {  	_ =	sdelay $0x1  }
0x31e: {  	[sflag:s0] =	ssyncset.done $0x0  }
0x31f: {  	[sflag:s0] =	ssyncadd.s32 $0xFFFFCF20  }
0x320: {  	[bflag:$0x0] =	sbarrier.arrive $0xFFFF  }
0x321: {  	s0 =	sld [smem:$0x7FB];
	_ =	sdelay $0x1  }
.Ltmp8:
0x322: {  	_ = 	snop;
	(pc) =	sbr.rel .LBB2_10-.Ltmp8, $4  }
0x323: {  	p0 =	seq.s32 s0, $0x1  }
0x324: {  	s0 =	simm.s32 @!p0 $0x0  }
0x325: {  	s0 =	simm.s32 @p0 $0x1  }
0x326: {  	p2 =	por $0x0, $0x0;
	[smem:$0x7AB] =	sst s0  }
.LBB2_11:
0x327: {  	_ =	sfence.sel $0x180000  }
0x328: {  	[bflag:$0x0] =	sbarrier.arrive $0xFFFF  }
0x329: {  	_ =	strace $0x90000047  }
0x32a: {  	[bflag:$0x2] =	sbarrier.arrive $0xFFFF  }
0x32b: {  	s0 =	rddreg [dreg:$0xd]  }
0x32c: {  	s0 =	sadd.s32 @!p4 $0x100000, s0  }
0x32d: {  	[sflag:s0] =	ssyncadd.tile.s32 @!p4 $0x1;
	_ =	shalt  }
.Lfunc_end2:
_tile_overlayer_lowered:
.L_overlay_start_2:
0x32e: {  	(tag) =	ssettag $0x2  }
0x32f: {  	s0 =	rddreg [dreg:$0x0];
	s2 =	stileid.u32  }
0x330: {  	s1 =	rddreg [dreg:$0x1];
	p0 =	sne.s32 s2, $0x0  }
0x331: {  	s3 =	rddreg [dreg:$0x2];
	[bflag:$0x3] =	sbarrier.arrive $0xFFFF;
	s2 =	simm.s32 @!p0 $0x1C12  }
0x332: {  	[timem:s3], [sflag:s2] =	dma.local @!p0 [hbm:s0], s1  }
0x333: {  	s0 =	simm.s32 @!p0 $0x12  }
0x334: {  	_ =	swait.ge @!p0 [sflag:s0], s1  }
0x335: {  	s1 =	ssub.s32 @!p0 $0x0, s1;
	[sflag:s0] =	ssyncset.done @!p0 $0x0  }
0x336: {  	[sflag:s0] =	ssyncadd.s32 @!p0 s1  }
0x337: {  	[bflag:$0x3] =	sbarrier.arrive $0xFFFF  }
0x338: {  	_ =	shalt  }

</sc_bundles>
